<compile_context>
chip_gen: v7x
topology: tpu7x:2x2x1
jax: 0.10.2.dev20260603
libtpu: 0.0.44.dev20260713+nightly
codegen_flags: <defaults>
</compile_context>

<pallas_src>
import dataclasses
import functools

import jax
import jax.numpy as jnp
from jax import lax
from jax.experimental import pallas as pl
from jax.experimental.pallas import tpu as pltpu
from jax.experimental.pallas import tpu_sc as plsc

NC = 2
NS = 16
NW = NC * NS
LANES = 16
CHUNK = 128


def _sc_mesh():
    return plsc.VectorSubcoreMesh(core_axis_name="c", subcore_axis_name="s")


def _sc_params():
    cp = pltpu.CompilerParams()
    if "needs_layout_passes" in pltpu.CompilerParams.__dataclass_fields__:
        cp = dataclasses.replace(cp, needs_layout_passes=False)
    return cp


def _pad_rows(n_nodes):
    return -(-n_nodes // (NS * 8)) * (NS * 8)


def _sc_hist(edge_index, n_nodes):
    n_edges = edge_index.shape[1]
    nchunks = n_edges // CHUNK
    n_pad = _pad_rows(n_nodes)
    mainc = nchunks // NW
    nextra = nchunks - NW * mainc
    sbc = 1
    for cand in range(8, 1, -1):
        if mainc % cand == 0:
            sbc = cand
            break
    nsb = mainc // sbc

    @functools.partial(
        pl.kernel,
        out_type=jax.ShapeDtypeStruct((NW, n_pad), jnp.int32),
        mesh=_sc_mesh(),
        scratch_types=[
            pltpu.VMEM((sbc * CHUNK,), jnp.int32),
            pltpu.VMEM((sbc * CHUNK,), jnp.int32),
            pltpu.VMEM((n_pad,), jnp.int32),
            pltpu.SemaphoreType.DMA,
            pltpu.SemaphoreType.DMA,
        ],
        compiler_params=_sc_params(),
    )
    def hist(ei_hbm, out_hbm, i0, i1, hist_v, s0, s1):
        cid = lax.axis_index("c")
        sid = lax.axis_index("s")
        wid = sid * NC + cid
        zero = jnp.zeros((LANES,), jnp.int32)
        idx = (i0, i1)
        sem = (s0, s1)

        @pl.loop(0, n_pad // LANES)
        def _(r):
            hist_v[pl.ds(r * LANES, LANES)] = zero

        def sb_src(g):
            base = pl.multiple_of((wid * mainc + g * sbc) * CHUNK,
                                  sbc * CHUNK)
            return ei_hbm.at[1, pl.ds(base, sbc * CHUNK)]

        def count16(v):
            cnt, last = plsc.scan_count(v)
            plsc.addupdate_scatter(hist_v, [v], cnt, mask=last)

        pltpu.async_copy(sb_src(0), idx[0], sem[0])

        def phase(g, b):
            @pl.when(g < nsb)
            def _():
                pltpu.make_async_copy(sb_src(g), idx[b], sem[b]).wait()

                @pl.when(g + 1 < nsb)
                def _():
                    pltpu.async_copy(sb_src(g + 1), idx[1 - b], sem[1 - b])

                for k in range(sbc * CHUNK // LANES):
                    count16(idx[b][pl.ds(k * LANES, LANES)])

        @pl.loop(0, (nsb + 1) // 2)
        def _(u):
            phase(2 * u, 0)
            phase(2 * u + 1, 1)

        if nextra:
            @pl.when(wid < nextra)
            def _():
                base = pl.multiple_of((NW * mainc + wid) * CHUNK, CHUNK)
                pltpu.sync_copy(ei_hbm.at[1, pl.ds(base, CHUNK)],
                                i0.at[pl.ds(0, CHUNK)])
                for k in range(CHUNK // LANES):
                    count16(i0[pl.ds(k * LANES, LANES)])

        pltpu.sync_copy(hist_v, out_hbm.at[wid])

    return hist(edge_index)


def _sc_agg(hp, edge_index):
    n_nodes, d_out = hp.shape
    n_edges = edge_index.shape[1]
    nchunks = n_edges // CHUNK
    nt = -(-nchunks // NW)
    n_acc = -(-n_nodes // 8) * 8
    main = (n_acc // NS) // 8 * 8
    tail = n_acc - (NS - 1) * main
    zcopies = -(-tail // CHUNK)
    assert (NS - 1) * main + zcopies * CHUNK == n_acc and tail % 8 == 0

    @functools.partial(
        pl.kernel,
        out_type=jax.ShapeDtypeStruct((NC, n_acc, d_out), jnp.float32),
        mesh=_sc_mesh(),
        scratch_types=(
            [pltpu.VMEM((CHUNK,), jnp.int32)] * 12
            + [pltpu.VMEM((CHUNK, d_out), jnp.float32)] * 3
            + [pltpu.VMEM_SHARED((n_acc, d_out), jnp.float32)]
            + [pltpu.SemaphoreType.DMA] * 18
        ),
        compiler_params=_sc_params(),
    )
    def agg(hp_hbm, ei_hbm, out_hbm, *scratch):
        sidx = scratch[0:6]
        didx = scratch[6:12]
        rows = scratch[12:15]
        agg_sh = scratch[15]
        isem_s = scratch[16:22]
        isem_d = scratch[22:28]
        gsem = scratch[28:31]
        ssem = scratch[31:34]
        r0v = rows[0]
        cid = lax.axis_index("c")
        sid = lax.axis_index("s")
        wid = sid * NC + cid
        ntw = (nchunks - wid + NW - 1) // NW
        zero = jnp.zeros((LANES,), jnp.float32)

        def chunk_base(t):
            return pl.multiple_of((wid + NW * t) * CHUNK, CHUNK)

        def issue_idx(t, b):
            base = chunk_base(t)
            pltpu.async_copy(ei_hbm.at[0, pl.ds(base, CHUNK)], sidx[b],
                             isem_s[b])
            pltpu.async_copy(ei_hbm.at[1, pl.ds(base, CHUNK)], didx[b],
                             isem_d[b])

        def wait_idx(t, b):
            base = chunk_base(t)
            pltpu.make_async_copy(ei_hbm.at[0, pl.ds(base, CHUNK)], sidx[b],
                                  isem_s[b]).wait()
            pltpu.make_async_copy(ei_hbm.at[1, pl.ds(base, CHUNK)], didx[b],
                                  isem_d[b]).wait()

        @pl.loop(0, CHUNK)
        def _(r):
            @pl.loop(0, d_out // LANES)
            def _(j):
                r0v[r, pl.ds(j * LANES, LANES)] = zero

        for k in range(zcopies):
            pltpu.sync_copy(r0v,
                            agg_sh.at[pl.ds(sid * main + k * CHUNK, CHUNK)])
        plsc.subcore_barrier()

        issue_idx(0, 0)
        issue_idx(1, 1)
        issue_idx(2, 2)

        def phase(t, b):
            b3 = b % 3
            p3 = (b + 2) % 3
            p6 = (b + 5) % 6
            f6 = (b + 3) % 6

            @pl.when(jnp.logical_and(t >= 3, t - 3 < ntw))
            def _():
                pltpu.make_async_copy(rows[b3], agg_sh.at[didx[f6]],
                                      ssem[b3]).wait()

            @pl.when(t < ntw)
            def _():
                wait_idx(t, b)
                pltpu.async_copy(hp_hbm.at[sidx[b]], rows[b3], gsem[b3])

            @pl.when(jnp.logical_and(t >= 1, t - 1 < ntw))
            def _():
                pltpu.make_async_copy(hp_hbm.at[sidx[p6]], rows[p3],
                                      gsem[p3]).wait()
                pltpu.async_copy(rows[p3], agg_sh.at[didx[p6]],
                                 ssem[p3], add=True)

            @pl.when(t + 3 < ntw)
            def _():
                issue_idx(t + 3, f6)

        @pl.loop(0, (nt + 8) // 6)
        def _(u):
            for b in range(6):
                phase(6 * u + b, b)

        plsc.subcore_barrier()
        ro = sid * main

        @pl.when(sid < NS - 1)
        def _():
            pltpu.sync_copy(agg_sh.at[pl.ds(ro, main)],
                            out_hbm.at[cid, pl.ds(ro, main)])

        @pl.when(sid == NS - 1)
        def _():
            pltpu.sync_copy(agg_sh.at[pl.ds((NS - 1) * main, tail)],
                            out_hbm.at[cid, pl.ds((NS - 1) * main, tail)])

    return agg(hp, edge_index)


def _deg_col(hist_ref, rb):
    hist = hist_ref[...].astype(jnp.float32)
    ones = jnp.ones((NW, 1), jnp.float32)
    return lax.dot_general(hist, ones, (((0,), (0,)), ((), ()))) + 1.0


def _tc_matmul_scale(x, W, histp):
    n_nodes, d_in = x.shape
    d_out = W.shape[1]
    rb = 1024

    def body(x_ref, w_ref, hist_ref, o_ref):
        deg = _deg_col(hist_ref, rb)
        h = jnp.dot(x_ref[...], w_ref[...], preferred_element_type=jnp.float32)
        o_ref[...] = h * lax.rsqrt(deg)

    return pl.pallas_call(
        body,
        grid=(pl.cdiv(n_nodes, rb),),
        in_specs=[
            pl.BlockSpec((rb, d_in), lambda i: (i, 0)),
            pl.BlockSpec((d_in, d_out), lambda i: (0, 0)),
            pl.BlockSpec((NW, rb), lambda i: (0, i)),
        ],
        out_specs=pl.BlockSpec((rb, d_out), lambda i: (i, 0)),
        out_shape=jax.ShapeDtypeStruct((n_nodes, d_out), jnp.float32),
    )(x, W, histp)


def _tc_combine(aggp, hp, histp, b):
    n_nodes, d_out = hp.shape
    rb = 1024

    def body(p0_ref, p1_ref, hp_ref, hist_ref, b_ref, o_ref):
        deg = _deg_col(hist_ref, rb)
        s = (p0_ref[...] + p1_ref[...] + hp_ref[...]) * lax.rsqrt(deg)
        o_ref[...] = jnp.maximum(s + b_ref[...], 0.0)

    return pl.pallas_call(
        body,
        grid=(pl.cdiv(n_nodes, rb),),
        in_specs=[
            pl.BlockSpec((rb, d_out), lambda i: (i, 0)),
            pl.BlockSpec((rb, d_out), lambda i: (i, 0)),
            pl.BlockSpec((rb, d_out), lambda i: (i, 0)),
            pl.BlockSpec((NW, rb), lambda i: (0, i)),
            pl.BlockSpec((1, d_out), lambda i: (0, 0)),
        ],
        out_specs=pl.BlockSpec((rb, d_out), lambda i: (i, 0)),
        out_shape=jax.ShapeDtypeStruct((n_nodes, d_out), jnp.float32),
    )(aggp[0], aggp[1], hp, histp, b.reshape(1, d_out))


def kernel(x, edge_index, W, b):
    n_nodes = x.shape[0]
    histp = _sc_hist(edge_index, n_nodes)
    hp = _tc_matmul_scale(x, W, histp)
    aggp = _sc_agg(hp, edge_index)
    return _tc_combine(aggp, hp, histp, b)

# --- scband reference (transcript-rebuilt; emitter-appended) ---
"""Pipeline reference for scband-gnnca-fo-block-5368709120476 (READ-ONLY COPY).

The authoritative reference and input builder live on the scoring server;
editing this copy changes nothing except your own understanding.
"""

import jax, jax.numpy as jnp
import numpy as np

N_NODES = 10000
N_EDGES = 320000
D_IN = 128
D_OUT = 128


def setup_inputs(seed: int = 0) -> dict:
    key = jax.random.key(seed)
    k1, k2, k3 = jax.random.split(key, 3)
    x = jax.random.normal(k1, (N_NODES, D_IN), dtype=jnp.float32)
    edge_index = jax.random.randint(k2, (2, N_EDGES), 0, N_NODES, dtype=jnp.int32)
    # GCNConv learned parameters (gnn_layer: GCNConv(in_channels=128, out_channels=128))
    W = jax.random.normal(k3, (D_IN, D_OUT), dtype=jnp.float32) * (1.0 / np.sqrt(D_IN))
    b = jnp.zeros((D_OUT,), dtype=jnp.float32)
    return {"x": x, "edge_index": edge_index, "W": W, "b": b}


def reference(x, edge_index, W, b):
    # GNNCaFoBlock.forward: features = gnn_layer(x, edge_index); then ReLU since
    # GCNConv has no `activation` attribute.
    # GCNConv: add self-loops, symmetric normalization D^{-1/2} A D^{-1/2}, linear transform.
    N = x.shape[0]
    loops = jnp.arange(N, dtype=edge_index.dtype)
    src = jnp.concatenate([edge_index[0], loops])
    dst = jnp.concatenate([edge_index[1], loops])
    # linear transform first (as in PyG GCNConv)
    h = x @ W
    # degree on destination nodes (with self-loops)
    ones = jnp.ones(src.shape[0], dtype=jnp.float32)
    deg = jax.ops.segment_sum(ones, dst, num_segments=N)
    deg_inv_sqrt = jnp.where(deg > 0, jax.lax.rsqrt(deg), 0.0)
    norm = deg_inv_sqrt[src] * deg_inv_sqrt[dst]
    # gather messages from source nodes, scale, scatter-add to destination nodes
    msgs = h[src] * norm[:, None]
    agg = jax.ops.segment_sum(msgs, dst, num_segments=N)
    out = agg + b
    features = jax.nn.relu(out)
    return features

if __name__ == "__main__":
    import jax
    _d = setup_inputs()
    print(jax.jit(kernel)(*tuple(_d.values())))

</pallas_src>

<mosaic_0001>
#map = affine_map<(d0, d1) -> (0, 0)>
module attributes {stable_mosaic.version = 14 : i64} {
  func.func @hist(%arg0: i32, %arg1: i32, %arg2: memref<2x320000xi32, #tpu.memory_space<hbm>>, %arg3: memref<32x10112xi32, #tpu.memory_space<hbm>>, %arg4: memref<768xi32, #tpu.memory_space<vmem>>, %arg5: memref<768xi32, #tpu.memory_space<vmem>>, %arg6: memref<10112xi32, #tpu.memory_space<vmem>>, %arg7: memref<!tpu.dma_semaphore, #tpu.memory_space<semaphore_mem>>, %arg8: memref<!tpu.dma_semaphore, #tpu.memory_space<semaphore_mem>>) attributes {dimension_semantics = [#tpu.dimension_semantics<core_parallel>, #tpu.dimension_semantics<subcore_parallel>], iteration_bounds = array<i64: 2, 16>, scalar_prefetch = 0 : i64, scratch_operands = 5 : i64, tpu.core_type = #tpu.core_type<sc_vector_subcore>, window_params = [{transform_indices = #map}, {transform_indices = #map}]} {
    %mul3A = arith.constant 2 : i32
    %mul3A_0 = arith.muli %arg1, %mul3A : i32
    %add3A = arith.addi %mul3A_0, %arg0 : i32
    %broadcast_in_dim3A = arith.constant 0 : i32
    %broadcast_in_dim3A_1 = vector.broadcast %broadcast_in_dim3A : i32 to vector<16xi32>
    %scan3A = arith.constant 0 : i32
    %scan3A_2 = arith.constant 632 : i32
    %scan3A_3 = arith.addi %scan3A, %scan3A_2 : i32
    %scan3A_4 = arith.constant 1 : i32
    scf.for %scan3A_23 = %scan3A to %scan3A_3 step %scan3A_4  : i32 {
      %mul3A_24 = arith.constant 1 : i32
      %mul3A_25 = arith.muli %scan3A_23, %mul3A_24 : i32
      %add3A_26 = arith.constant 0 : i32
      %add3A_27 = arith.addi %add3A_26, %mul3A_25 : i32
      %mul3A_28 = arith.constant 16 : i32
      %mul3A_29 = arith.muli %add3A_27, %mul3A_28 : i32
      %swap3A = arith.index_cast %mul3A_29 : i32 to index
      %swap3A_30 = tpu.vector_load %arg6[%swap3A] {strides = array<i32>} : memref<10112xi32, #tpu.memory_space<vmem>>, vector<16xi32>,
      tpu.vector_store %arg6[%swap3A], %broadcast_in_dim3A_1 {strides = array<i32>} : memref<10112xi32, #tpu.memory_space<vmem>>, vector<16xi32>,
    }
    %scan3A_5 = arith.constant 632 : i32
    %mul3A_6 = arith.constant 78 : i32
    %mul3A_7 = arith.muli %add3A, %mul3A_6 : i32
    %add3A_8 = arith.constant 0 : i32
    %add3A_9 = arith.addi %mul3A_7, %add3A_8 : i32
    %mul3A_10 = arith.constant 128 : i32
    %mul3A_11 = arith.muli %add3A_9, %mul3A_10 : i32
    %multiple_of3A = tpu.assume_multiple %mul3A_11, 768 : i32
    %dma_start3A = arith.constant 1 : i32
    %dma_start3A_12 = tpu.memref_slice %arg2[%dma_start3A, %multiple_of3A] : memref<2x320000xi32, #tpu.memory_space<hbm>> -> memref<1x768xi32, #tpu.memory_space<hbm>>
    %dma_start3A_13 = tpu.memref_squeeze %dma_start3A_12 : memref<1x768xi32, #tpu.memory_space<hbm>> -> memref<768xi32, #tpu.memory_space<hbm>>
    %dma_start3A_14 = tpu.memref_slice %arg2[%dma_start3A, %multiple_of3A] : memref<2x320000xi32, #tpu.memory_space<hbm>> -> memref<1x768xi32, #tpu.memory_space<hbm>>
    %dma_start3A_15 = tpu.memref_squeeze %dma_start3A_14 : memref<1x768xi32, #tpu.memory_space<hbm>> -> memref<768xi32, #tpu.memory_space<hbm>>
    tpu.enqueue_dma source(%dma_start3A_15 : memref<768xi32, #tpu.memory_space<hbm>>) target(%arg4 : memref<768xi32, #tpu.memory_space<vmem>>) target_semaphore(%arg7 : memref<!tpu.dma_semaphore, #tpu.memory_space<semaphore_mem>>)
    %scan3A_16 = arith.constant 0 : i32
    %scan3A_17 = arith.constant 7 : i32
    %scan3A_18 = arith.addi %scan3A_16, %scan3A_17 : i32
    %scan3A_19 = arith.constant 1 : i32
    scf.for %scan3A_23 = %scan3A_16 to %scan3A_18 step %scan3A_19  : i32 {
      %mul3A_24 = arith.constant 1 : i32
      %mul3A_25 = arith.muli %scan3A_23, %mul3A_24 : i32
      %add3A_26 = arith.constant 0 : i32
      %add3A_27 = arith.addi %add3A_26, %mul3A_25 : i32
      %mul3A_28 = arith.constant 2 : i32
      %mul3A_29 = arith.muli %mul3A_28, %add3A_27 : i32
      %lt3A_30 = arith.constant 13 : i32
      %lt3A_31 = arith.cmpi slt, %mul3A_29, %lt3A_30 : i32
      %convert_element_type3A_32 = arith.extui %lt3A_31 : i1 to i32
      %cond3A_33 = arith.constant 0 : i32
      %cond3A_34 = arith.cmpi ne, %convert_element_type3A_32, %cond3A_33 : i32
      scf.if %cond3A_34 {
        %mul3A_44 = arith.constant 78 : i32
        %mul3A_45 = arith.muli %add3A, %mul3A_44 : i32
        %mul3A_46 = arith.constant 6 : i32
        %mul3A_47 = arith.muli %mul3A_29, %mul3A_46 : i32
        %add3A_48 = arith.addi %mul3A_45, %mul3A_47 : i32
        %mul3A_49 = arith.constant 128 : i32
        %mul3A_50 = arith.muli %add3A_48, %mul3A_49 : i32
        %multiple_of3A_51 = tpu.assume_multiple %mul3A_50, 768 : i32
        %dma_wait3A = arith.constant 1 : i32
        %dma_wait3A_52 = tpu.memref_slice %arg2[%dma_wait3A, %multiple_of3A_51] : memref<2x320000xi32, #tpu.memory_space<hbm>> -> memref<1x768xi32, #tpu.memory_space<hbm>>
        %dma_wait3A_53 = tpu.memref_squeeze %dma_wait3A_52 : memref<1x768xi32, #tpu.memory_space<hbm>> -> memref<768xi32, #tpu.memory_space<hbm>>
        %dma_wait3A_54 = tpu.memref_slice %arg2[%dma_wait3A, %multiple_of3A_51] : memref<2x320000xi32, #tpu.memory_space<hbm>> -> memref<1x768xi32, #tpu.memory_space<hbm>>
        %dma_wait3A_55 = tpu.memref_squeeze %dma_wait3A_54 : memref<1x768xi32, #tpu.memory_space<hbm>> -> memref<768xi32, #tpu.memory_space<hbm>>
        tpu.wait_dma2 semaphore(%arg7 : memref<!tpu.dma_semaphore, #tpu.memory_space<semaphore_mem>>) src(%dma_wait3A_55 : memref<768xi32, #tpu.memory_space<hbm>>) dst(%arg4 : memref<768xi32, #tpu.memory_space<vmem>>)
        %add3A_56 = arith.constant 1 : i32
        %add3A_57 = arith.addi %mul3A_29, %add3A_56 : i32
        %lt3A_58 = arith.constant 13 : i32
        %lt3A_59 = arith.cmpi slt, %add3A_57, %lt3A_58 : i32
        %convert_element_type3A_60 = arith.extui %lt3A_59 : i1 to i32
        %cond3A_61 = arith.constant 0 : i32
        %cond3A_62 = arith.cmpi ne, %convert_element_type3A_60, %cond3A_61 : i32
        scf.if %cond3A_62 {
          %add3A_349 = arith.constant 1 : i32
          %add3A_350 = arith.addi %mul3A_29, %add3A_349 : i32
          %mul3A_351 = arith.constant 78 : i32
          %mul3A_352 = arith.muli %add3A, %mul3A_351 : i32
          %mul3A_353 = arith.constant 6 : i32
          %mul3A_354 = arith.muli %add3A_350, %mul3A_353 : i32
          %add3A_355 = arith.addi %mul3A_352, %mul3A_354 : i32
          %mul3A_356 = arith.constant 128 : i32
          %mul3A_357 = arith.muli %add3A_355, %mul3A_356 : i32
          %multiple_of3A_358 = tpu.assume_multiple %mul3A_357, 768 : i32
          %dma_start3A_359 = arith.constant 1 : i32
          %dma_start3A_360 = tpu.memref_slice %arg2[%dma_start3A_359, %multiple_of3A_358] : memref<2x320000xi32, #tpu.memory_space<hbm>> -> memref<1x768xi32, #tpu.memory_space<hbm>>
          %dma_start3A_361 = tpu.memref_squeeze %dma_start3A_360 : memref<1x768xi32, #tpu.memory_space<hbm>> -> memref<768xi32, #tpu.memory_space<hbm>>
          %dma_start3A_362 = tpu.memref_slice %arg2[%dma_start3A_359, %multiple_of3A_358] : memref<2x320000xi32, #tpu.memory_space<hbm>> -> memref<1x768xi32, #tpu.memory_space<hbm>>
          %dma_start3A_363 = tpu.memref_squeeze %dma_start3A_362 : memref<1x768xi32, #tpu.memory_space<hbm>> -> memref<768xi32, #tpu.memory_space<hbm>>
          tpu.enqueue_dma source(%dma_start3A_363 : memref<768xi32, #tpu.memory_space<hbm>>) target(%arg5 : memref<768xi32, #tpu.memory_space<vmem>>) target_semaphore(%arg8 : memref<!tpu.dma_semaphore, #tpu.memory_space<semaphore_mem>>)
        } else {
        }
        %get3A = arith.constant 0 : index
        %get3A_63 = tpu.vector_load %arg4[%get3A] {strides = array<i32>} : memref<768xi32, #tpu.memory_space<vmem>>, vector<16xi32>,
        %broadcast_in_dim3A_64 = arith.constant true
        %broadcast_in_dim3A_65 = vector.broadcast %broadcast_in_dim3A_64 : i1 to vector<16xi1>
        %unique3A, %unique3A_66 = tpu.scan_count mask(%broadcast_in_dim3A_65 : vector<16xi1>) value(%get3A_63 : vector<16xi32>) : vector<16xi1>, vector<16xi32>
        tpu.vector_store_idx %arg6[%get3A_63], %unique3A_66 masked %unique3A {add = true} : memref<10112xi32, #tpu.memory_space<vmem>>[vector<16xi32>], vector<16xi32>, vector<16xi1>
        %get3A_67 = arith.constant 16 : index
        %get3A_68 = tpu.vector_load %arg4[%get3A_67] {strides = array<i32>} : memref<768xi32, #tpu.memory_space<vmem>>, vector<16xi32>,
        %broadcast_in_dim3A_69 = arith.constant true
        %broadcast_in_dim3A_70 = vector.broadcast %broadcast_in_dim3A_69 : i1 to vector<16xi1>
        %unique3A_71, %unique3A_72 = tpu.scan_count mask(%broadcast_in_dim3A_70 : vector<16xi1>) value(%get3A_68 : vector<16xi32>) : vector<16xi1>, vector<16xi32>
        tpu.vector_store_idx %arg6[%get3A_68], %unique3A_72 masked %unique3A_71 {add = true} : memref<10112xi32, #tpu.memory_space<vmem>>[vector<16xi32>], vector<16xi32>, vector<16xi1>
        %get3A_73 = arith.constant 32 : index
        %get3A_74 = tpu.vector_load %arg4[%get3A_73] {strides = array<i32>} : memref<768xi32, #tpu.memory_space<vmem>>, vector<16xi32>,
        %broadcast_in_dim3A_75 = arith.constant true
        %broadcast_in_dim3A_76 = vector.broadcast %broadcast_in_dim3A_75 : i1 to vector<16xi1>
        %unique3A_77, %unique3A_78 = tpu.scan_count mask(%broadcast_in_dim3A_76 : vector<16xi1>) value(%get3A_74 : vector<16xi32>) : vector<16xi1>, vector<16xi32>
        tpu.vector_store_idx %arg6[%get3A_74], %unique3A_78 masked %unique3A_77 {add = true} : memref<10112xi32, #tpu.memory_space<vmem>>[vector<16xi32>], vector<16xi32>, vector<16xi1>
        %get3A_79 = arith.constant 48 : index
        %get3A_80 = tpu.vector_load %arg4[%get3A_79] {strides = array<i32>} : memref<768xi32, #tpu.memory_space<vmem>>, vector<16xi32>,
        %broadcast_in_dim3A_81 = arith.constant true
        %broadcast_in_dim3A_82 = vector.broadcast %broadcast_in_dim3A_81 : i1 to vector<16xi1>
        %unique3A_83, %unique3A_84 = tpu.scan_count mask(%broadcast_in_dim3A_82 : vector<16xi1>) value(%get3A_80 : vector<16xi32>) : vector<16xi1>, vector<16xi32>
        tpu.vector_store_idx %arg6[%get3A_80], %unique3A_84 masked %unique3A_83 {add = true} : memref<10112xi32, #tpu.memory_space<vmem>>[vector<16xi32>], vector<16xi32>, vector<16xi1>
        %get3A_85 = arith.constant 64 : index
        %get3A_86 = tpu.vector_load %arg4[%get3A_85] {strides = array<i32>} : memref<768xi32, #tpu.memory_space<vmem>>, vector<16xi32>,
        %broadcast_in_dim3A_87 = arith.constant true
        %broadcast_in_dim3A_88 = vector.broadcast %broadcast_in_dim3A_87 : i1 to vector<16xi1>
        %unique3A_89, %unique3A_90 = tpu.scan_count mask(%broadcast_in_dim3A_88 : vector<16xi1>) value(%get3A_86 : vector<16xi32>) : vector<16xi1>, vector<16xi32>
        tpu.vector_store_idx %arg6[%get3A_86], %unique3A_90 masked %unique3A_89 {add = true} : memref<10112xi32, #tpu.memory_space<vmem>>[vector<16xi32>], vector<16xi32>, vector<16xi1>
        %get3A_91 = arith.constant 80 : index
        %get3A_92 = tpu.vector_load %arg4[%get3A_91] {strides = array<i32>} : memref<768xi32, #tpu.memory_space<vmem>>, vector<16xi32>,
        %broadcast_in_dim3A_93 = arith.constant true
        %broadcast_in_dim3A_94 = vector.broadcast %broadcast_in_dim3A_93 : i1 to vector<16xi1>
        %unique3A_95, %unique3A_96 = tpu.scan_count mask(%broadcast_in_dim3A_94 : vector<16xi1>) value(%get3A_92 : vector<16xi32>) : vector<16xi1>, vector<16xi32>
        tpu.vector_store_idx %arg6[%get3A_92], %unique3A_96 masked %unique3A_95 {add = true} : memref<10112xi32, #tpu.memory_space<vmem>>[vector<16xi32>], vector<16xi32>, vector<16xi1>
        %get3A_97 = arith.constant 96 : index
        %get3A_98 = tpu.vector_load %arg4[%get3A_97] {strides = array<i32>} : memref<768xi32, #tpu.memory_space<vmem>>, vector<16xi32>,
        %broadcast_in_dim3A_99 = arith.constant true
        %broadcast_in_dim3A_100 = vector.broadcast %broadcast_in_dim3A_99 : i1 to vector<16xi1>
        %unique3A_101, %unique3A_102 = tpu.scan_count mask(%broadcast_in_dim3A_100 : vector<16xi1>) value(%get3A_98 : vector<16xi32>) : vector<16xi1>, vector<16xi32>
        tpu.vector_store_idx %arg6[%get3A_98], %unique3A_102 masked %unique3A_101 {add = true} : memref<10112xi32, #tpu.memory_space<vmem>>[vector<16xi32>], vector<16xi32>, vector<16xi1>
        %get3A_103 = arith.constant 112 : index
        %get3A_104 = tpu.vector_load %arg4[%get3A_103] {strides = array<i32>} : memref<768xi32, #tpu.memory_space<vmem>>, vector<16xi32>,
        %broadcast_in_dim3A_105 = arith.constant true
        %broadcast_in_dim3A_106 = vector.broadcast %broadcast_in_dim3A_105 : i1 to vector<16xi1>
        %unique3A_107, %unique3A_108 = tpu.scan_count mask(%broadcast_in_dim3A_106 : vector<16xi1>) value(%get3A_104 : vector<16xi32>) : vector<16xi1>, vector<16xi32>
        tpu.vector_store_idx %arg6[%get3A_104], %unique3A_108 masked %unique3A_107 {add = true} : memref<10112xi32, #tpu.memory_space<vmem>>[vector<16xi32>], vector<16xi32>, vector<16xi1>
        %get3A_109 = arith.constant 128 : index
        %get3A_110 = tpu.vector_load %arg4[%get3A_109] {strides = array<i32>} : memref<768xi32, #tpu.memory_space<vmem>>, vector<16xi32>,
        %broadcast_in_dim3A_111 = arith.constant true
        %broadcast_in_dim3A_112 = vector.broadcast %broadcast_in_dim3A_111 : i1 to vector<16xi1>
        %unique3A_113, %unique3A_114 = tpu.scan_count mask(%broadcast_in_dim3A_112 : vector<16xi1>) value(%get3A_110 : vector<16xi32>) : vector<16xi1>, vector<16xi32>
        tpu.vector_store_idx %arg6[%get3A_110], %unique3A_114 masked %unique3A_113 {add = true} : memref<10112xi32, #tpu.memory_space<vmem>>[vector<16xi32>], vector<16xi32>, vector<16xi1>
        %get3A_115 = arith.constant 144 : index
        %get3A_116 = tpu.vector_load %arg4[%get3A_115] {strides = array<i32>} : memref<768xi32, #tpu.memory_space<vmem>>, vector<16xi32>,
        %broadcast_in_dim3A_117 = arith.constant true
        %broadcast_in_dim3A_118 = vector.broadcast %broadcast_in_dim3A_117 : i1 to vector<16xi1>
        %unique3A_119, %unique3A_120 = tpu.scan_count mask(%broadcast_in_dim3A_118 : vector<16xi1>) value(%get3A_116 : vector<16xi32>) : vector<16xi1>, vector<16xi32>
        tpu.vector_store_idx %arg6[%get3A_116], %unique3A_120 masked %unique3A_119 {add = true} : memref<10112xi32, #tpu.memory_space<vmem>>[vector<16xi32>], vector<16xi32>, vector<16xi1>
        %get3A_121 = arith.constant 160 : index
        %get3A_122 = tpu.vector_load %arg4[%get3A_121] {strides = array<i32>} : memref<768xi32, #tpu.memory_space<vmem>>, vector<16xi32>,
        %broadcast_in_dim3A_123 = arith.constant true
        %broadcast_in_dim3A_124 = vector.broadcast %broadcast_in_dim3A_123 : i1 to vector<16xi1>
        %unique3A_125, %unique3A_126 = tpu.scan_count mask(%broadcast_in_dim3A_124 : vector<16xi1>) value(%get3A_122 : vector<16xi32>) : vector<16xi1>, vector<16xi32>
        tpu.vector_store_idx %arg6[%get3A_122], %unique3A_126 masked %unique3A_125 {add = true} : memref<10112xi32, #tpu.memory_space<vmem>>[vector<16xi32>], vector<16xi32>, vector<16xi1>
        %get3A_127 = arith.constant 176 : index
        %get3A_128 = tpu.vector_load %arg4[%get3A_127] {strides = array<i32>} : memref<768xi32, #tpu.memory_space<vmem>>, vector<16xi32>,
        %broadcast_in_dim3A_129 = arith.constant true
        %broadcast_in_dim3A_130 = vector.broadcast %broadcast_in_dim3A_129 : i1 to vector<16xi1>
        %unique3A_131, %unique3A_132 = tpu.scan_count mask(%broadcast_in_dim3A_130 : vector<16xi1>) value(%get3A_128 : vector<16xi32>) : vector<16xi1>, vector<16xi32>
        tpu.vector_store_idx %arg6[%get3A_128], %unique3A_132 masked %unique3A_131 {add = true} : memref<10112xi32, #tpu.memory_space<vmem>>[vector<16xi32>], vector<16xi32>, vector<16xi1>
        %get3A_133 = arith.constant 192 : index
        %get3A_134 = tpu.vector_load %arg4[%get3A_133] {strides = array<i32>} : memref<768xi32, #tpu.memory_space<vmem>>, vector<16xi32>,
        %broadcast_in_dim3A_135 = arith.constant true
        %broadcast_in_dim3A_136 = vector.broadcast %broadcast_in_dim3A_135 : i1 to vector<16xi1>
        %unique3A_137, %unique3A_138 = tpu.scan_count mask(%broadcast_in_dim3A_136 : vector<16xi1>) value(%get3A_134 : vector<16xi32>) : vector<16xi1>, vector<16xi32>
        tpu.vector_store_idx %arg6[%get3A_134], %unique3A_138 masked %unique3A_137 {add = true} : memref<10112xi32, #tpu.memory_space<vmem>>[vector<16xi32>], vector<16xi32>, vector<16xi1>
        %get3A_139 = arith.constant 208 : index
        %get3A_140 = tpu.vector_load %arg4[%get3A_139] {strides = array<i32>} : memref<768xi32, #tpu.memory_space<vmem>>, vector<16xi32>,
        %broadcast_in_dim3A_141 = arith.constant true
        %broadcast_in_dim3A_142 = vector.broadcast %broadcast_in_dim3A_141 : i1 to vector<16xi1>
        %unique3A_143, %unique3A_144 = tpu.scan_count mask(%broadcast_in_dim3A_142 : vector<16xi1>) value(%get3A_140 : vector<16xi32>) : vector<16xi1>, vector<16xi32>
        tpu.vector_store_idx %arg6[%get3A_140], %unique3A_144 masked %unique3A_143 {add = true} : memref<10112xi32, #tpu.memory_space<vmem>>[vector<16xi32>], vector<16xi32>, vector<16xi1>
        %get3A_145 = arith.constant 224 : index
        %get3A_146 = tpu.vector_load %arg4[%get3A_145] {strides = array<i32>} : memref<768xi32, #tpu.memory_space<vmem>>, vector<16xi32>,
        %broadcast_in_dim3A_147 = arith.constant true
        %broadcast_in_dim3A_148 = vector.broadcast %broadcast_in_dim3A_147 : i1 to vector<16xi1>
        %unique3A_149, %unique3A_150 = tpu.scan_count mask(%broadcast_in_dim3A_148 : vector<16xi1>) value(%get3A_146 : vector<16xi32>) : vector<16xi1>, vector<16xi32>
        tpu.vector_store_idx %arg6[%get3A_146], %unique3A_150 masked %unique3A_149 {add = true} : memref<10112xi32, #tpu.memory_space<vmem>>[vector<16xi32>], vector<16xi32>, vector<16xi1>
        %get3A_151 = arith.constant 240 : index
        %get3A_152 = tpu.vector_load %arg4[%get3A_151] {strides = array<i32>} : memref<768xi32, #tpu.memory_space<vmem>>, vector<16xi32>,
        %broadcast_in_dim3A_153 = arith.constant true
        %broadcast_in_dim3A_154 = vector.broadcast %broadcast_in_dim3A_153 : i1 to vector<16xi1>
        %unique3A_155, %unique3A_156 = tpu.scan_count mask(%broadcast_in_dim3A_154 : vector<16xi1>) value(%get3A_152 : vector<16xi32>) : vector<16xi1>, vector<16xi32>
        tpu.vector_store_idx %arg6[%get3A_152], %unique3A_156 masked %unique3A_155 {add = true} : memref<10112xi32, #tpu.memory_space<vmem>>[vector<16xi32>], vector<16xi32>, vector<16xi1>
        %get3A_157 = arith.constant 256 : index
        %get3A_158 = tpu.vector_load %arg4[%get3A_157] {strides = array<i32>} : memref<768xi32, #tpu.memory_space<vmem>>, vector<16xi32>,
        %broadcast_in_dim3A_159 = arith.constant true
        %broadcast_in_dim3A_160 = vector.broadcast %broadcast_in_dim3A_159 : i1 to vector<16xi1>
        %unique3A_161, %unique3A_162 = tpu.scan_count mask(%broadcast_in_dim3A_160 : vector<16xi1>) value(%get3A_158 : vector<16xi32>) : vector<16xi1>, vector<16xi32>
        tpu.vector_store_idx %arg6[%get3A_158], %unique3A_162 masked %unique3A_161 {add = true} : memref<10112xi32, #tpu.memory_space<vmem>>[vector<16xi32>], vector<16xi32>, vector<16xi1>
        %get3A_163 = arith.constant 272 : index
        %get3A_164 = tpu.vector_load %arg4[%get3A_163] {strides = array<i32>} : memref<768xi32, #tpu.memory_space<vmem>>, vector<16xi32>,
        %broadcast_in_dim3A_165 = arith.constant true
        %broadcast_in_dim3A_166 = vector.broadcast %broadcast_in_dim3A_165 : i1 to vector<16xi1>
        %unique3A_167, %unique3A_168 = tpu.scan_count mask(%broadcast_in_dim3A_166 : vector<16xi1>) value(%get3A_164 : vector<16xi32>) : vector<16xi1>, vector<16xi32>
        tpu.vector_store_idx %arg6[%get3A_164], %unique3A_168 masked %unique3A_167 {add = true} : memref<10112xi32, #tpu.memory_space<vmem>>[vector<16xi32>], vector<16xi32>, vector<16xi1>
        %get3A_169 = arith.constant 288 : index
        %get3A_170 = tpu.vector_load %arg4[%get3A_169] {strides = array<i32>} : memref<768xi32, #tpu.memory_space<vmem>>, vector<16xi32>,
        %broadcast_in_dim3A_171 = arith.constant true
        %broadcast_in_dim3A_172 = vector.broadcast %broadcast_in_dim3A_171 : i1 to vector<16xi1>
        %unique3A_173, %unique3A_174 = tpu.scan_count mask(%broadcast_in_dim3A_172 : vector<16xi1>) value(%get3A_170 : vector<16xi32>) : vector<16xi1>, vector<16xi32>
        tpu.vector_store_idx %arg6[%get3A_170], %unique3A_174 masked %unique3A_173 {add = true} : memref<10112xi32, #tpu.memory_space<vmem>>[vector<16xi32>], vector<16xi32>, vector<16xi1>
        %get3A_175 = arith.constant 304 : index
        %get3A_176 = tpu.vector_load %arg4[%get3A_175] {strides = array<i32>} : memref<768xi32, #tpu.memory_space<vmem>>, vector<16xi32>,
        %broadcast_in_dim3A_177 = arith.constant true
        %broadcast_in_dim3A_178 = vector.broadcast %broadcast_in_dim3A_177 : i1 to vector<16xi1>
        %unique3A_179, %unique3A_180 = tpu.scan_count mask(%broadcast_in_dim3A_178 : vector<16xi1>) value(%get3A_176 : vector<16xi32>) : vector<16xi1>, vector<16xi32>
        tpu.vector_store_idx %arg6[%get3A_176], %unique3A_180 masked %unique3A_179 {add = true} : memref<10112xi32, #tpu.memory_space<vmem>>[vector<16xi32>], vector<16xi32>, vector<16xi1>
        %get3A_181 = arith.constant 320 : index
        %get3A_182 = tpu.vector_load %arg4[%get3A_181] {strides = array<i32>} : memref<768xi32, #tpu.memory_space<vmem>>, vector<16xi32>,
        %broadcast_in_dim3A_183 = arith.constant true
        %broadcast_in_dim3A_184 = vector.broadcast %broadcast_in_dim3A_183 : i1 to vector<16xi1>
        %unique3A_185, %unique3A_186 = tpu.scan_count mask(%broadcast_in_dim3A_184 : vector<16xi1>) value(%get3A_182 : vector<16xi32>) : vector<16xi1>, vector<16xi32>
        tpu.vector_store_idx %arg6[%get3A_182], %unique3A_186 masked %unique3A_185 {add = true} : memref<10112xi32, #tpu.memory_space<vmem>>[vector<16xi32>], vector<16xi32>, vector<16xi1>
        %get3A_187 = arith.constant 336 : index
        %get3A_188 = tpu.vector_load %arg4[%get3A_187] {strides = array<i32>} : memref<768xi32, #tpu.memory_space<vmem>>, vector<16xi32>,
        %broadcast_in_dim3A_189 = arith.constant true
        %broadcast_in_dim3A_190 = vector.broadcast %broadcast_in_dim3A_189 : i1 to vector<16xi1>
        %unique3A_191, %unique3A_192 = tpu.scan_count mask(%broadcast_in_dim3A_190 : vector<16xi1>) value(%get3A_188 : vector<16xi32>) : vector<16xi1>, vector<16xi32>
        tpu.vector_store_idx %arg6[%get3A_188], %unique3A_192 masked %unique3A_191 {add = true} : memref<10112xi32, #tpu.memory_space<vmem>>[vector<16xi32>], vector<16xi32>, vector<16xi1>
        %get3A_193 = arith.constant 352 : index
        %get3A_194 = tpu.vector_load %arg4[%get3A_193] {strides = array<i32>} : memref<768xi32, #tpu.memory_space<vmem>>, vector<16xi32>,
        %broadcast_in_dim3A_195 = arith.constant true
        %broadcast_in_dim3A_196 = vector.broadcast %broadcast_in_dim3A_195 : i1 to vector<16xi1>
        %unique3A_197, %unique3A_198 = tpu.scan_count mask(%broadcast_in_dim3A_196 : vector<16xi1>) value(%get3A_194 : vector<16xi32>) : vector<16xi1>, vector<16xi32>
        tpu.vector_store_idx %arg6[%get3A_194], %unique3A_198 masked %unique3A_197 {add = true} : memref<10112xi32, #tpu.memory_space<vmem>>[vector<16xi32>], vector<16xi32>, vector<16xi1>
        %get3A_199 = arith.constant 368 : index
        %get3A_200 = tpu.vector_load %arg4[%get3A_199] {strides = array<i32>} : memref<768xi32, #tpu.memory_space<vmem>>, vector<16xi32>,
        %broadcast_in_dim3A_201 = arith.constant true
        %broadcast_in_dim3A_202 = vector.broadcast %broadcast_in_dim3A_201 : i1 to vector<16xi1>
        %unique3A_203, %unique3A_204 = tpu.scan_count mask(%broadcast_in_dim3A_202 : vector<16xi1>) value(%get3A_200 : vector<16xi32>) : vector<16xi1>, vector<16xi32>
        tpu.vector_store_idx %arg6[%get3A_200], %unique3A_204 masked %unique3A_203 {add = true} : memref<10112xi32, #tpu.memory_space<vmem>>[vector<16xi32>], vector<16xi32>, vector<16xi1>
        %get3A_205 = arith.constant 384 : index
        %get3A_206 = tpu.vector_load %arg4[%get3A_205] {strides = array<i32>} : memref<768xi32, #tpu.memory_space<vmem>>, vector<16xi32>,
        %broadcast_in_dim3A_207 = arith.constant true
        %broadcast_in_dim3A_208 = vector.broadcast %broadcast_in_dim3A_207 : i1 to vector<16xi1>
        %unique3A_209, %unique3A_210 = tpu.scan_count mask(%broadcast_in_dim3A_208 : vector<16xi1>) value(%get3A_206 : vector<16xi32>) : vector<16xi1>, vector<16xi32>
        tpu.vector_store_idx %arg6[%get3A_206], %unique3A_210 masked %unique3A_209 {add = true} : memref<10112xi32, #tpu.memory_space<vmem>>[vector<16xi32>], vector<16xi32>, vector<16xi1>
        %get3A_211 = arith.constant 400 : index
        %get3A_212 = tpu.vector_load %arg4[%get3A_211] {strides = array<i32>} : memref<768xi32, #tpu.memory_space<vmem>>, vector<16xi32>,
        %broadcast_in_dim3A_213 = arith.constant true
        %broadcast_in_dim3A_214 = vector.broadcast %broadcast_in_dim3A_213 : i1 to vector<16xi1>
        %unique3A_215, %unique3A_216 = tpu.scan_count mask(%broadcast_in_dim3A_214 : vector<16xi1>) value(%get3A_212 : vector<16xi32>) : vector<16xi1>, vector<16xi32>
        tpu.vector_store_idx %arg6[%get3A_212], %unique3A_216 masked %unique3A_215 {add = true} : memref<10112xi32, #tpu.memory_space<vmem>>[vector<16xi32>], vector<16xi32>, vector<16xi1>
        %get3A_217 = arith.constant 416 : index
        %get3A_218 = tpu.vector_load %arg4[%get3A_217] {strides = array<i32>} : memref<768xi32, #tpu.memory_space<vmem>>, vector<16xi32>,
        %broadcast_in_dim3A_219 = arith.constant true
        %broadcast_in_dim3A_220 = vector.broadcast %broadcast_in_dim3A_219 : i1 to vector<16xi1>
        %unique3A_221, %unique3A_222 = tpu.scan_count mask(%broadcast_in_dim3A_220 : vector<16xi1>) value(%get3A_218 : vector<16xi32>) : vector<16xi1>, vector<16xi32>
        tpu.vector_store_idx %arg6[%get3A_218], %unique3A_222 masked %unique3A_221 {add = true} : memref<10112xi32, #tpu.memory_space<vmem>>[vector<16xi32>], vector<16xi32>, vector<16xi1>
        %get3A_223 = arith.constant 432 : index
        %get3A_224 = tpu.vector_load %arg4[%get3A_223] {strides = array<i32>} : memref<768xi32, #tpu.memory_space<vmem>>, vector<16xi32>,
        %broadcast_in_dim3A_225 = arith.constant true
        %broadcast_in_dim3A_226 = vector.broadcast %broadcast_in_dim3A_225 : i1 to vector<16xi1>
        %unique3A_227, %unique3A_228 = tpu.scan_count mask(%broadcast_in_dim3A_226 : vector<16xi1>) value(%get3A_224 : vector<16xi32>) : vector<16xi1>, vector<16xi32>
        tpu.vector_store_idx %arg6[%get3A_224], %unique3A_228 masked %unique3A_227 {add = true} : memref<10112xi32, #tpu.memory_space<vmem>>[vector<16xi32>], vector<16xi32>, vector<16xi1>
        %get3A_229 = arith.constant 448 : index
        %get3A_230 = tpu.vector_load %arg4[%get3A_229] {strides = array<i32>} : memref<768xi32, #tpu.memory_space<vmem>>, vector<16xi32>,
        %broadcast_in_dim3A_231 = arith.constant true
        %broadcast_in_dim3A_232 = vector.broadcast %broadcast_in_dim3A_231 : i1 to vector<16xi1>
        %unique3A_233, %unique3A_234 = tpu.scan_count mask(%broadcast_in_dim3A_232 : vector<16xi1>) value(%get3A_230 : vector<16xi32>) : vector<16xi1>, vector<16xi32>
        tpu.vector_store_idx %arg6[%get3A_230], %unique3A_234 masked %unique3A_233 {add = true} : memref<10112xi32, #tpu.memory_space<vmem>>[vector<16xi32>], vector<16xi32>, vector<16xi1>
        %get3A_235 = arith.constant 464 : index
        %get3A_236 = tpu.vector_load %arg4[%get3A_235] {strides = array<i32>} : memref<768xi32, #tpu.memory_space<vmem>>, vector<16xi32>,
        %broadcast_in_dim3A_237 = arith.constant true
        %broadcast_in_dim3A_238 = vector.broadcast %broadcast_in_dim3A_237 : i1 to vector<16xi1>
        %unique3A_239, %unique3A_240 = tpu.scan_count mask(%broadcast_in_dim3A_238 : vector<16xi1>) value(%get3A_236 : vector<16xi32>) : vector<16xi1>, vector<16xi32>
        tpu.vector_store_idx %arg6[%get3A_236], %unique3A_240 masked %unique3A_239 {add = true} : memref<10112xi32, #tpu.memory_space<vmem>>[vector<16xi32>], vector<16xi32>, vector<16xi1>
        %get3A_241 = arith.constant 480 : index
        %get3A_242 = tpu.vector_load %arg4[%get3A_241] {strides = array<i32>} : memref<768xi32, #tpu.memory_space<vmem>>, vector<16xi32>,
        %broadcast_in_dim3A_243 = arith.constant true
        %broadcast_in_dim3A_244 = vector.broadcast %broadcast_in_dim3A_243 : i1 to vector<16xi1>
        %unique3A_245, %unique3A_246 = tpu.scan_count mask(%broadcast_in_dim3A_244 : vector<16xi1>) value(%get3A_242 : vector<16xi32>) : vector<16xi1>, vector<16xi32>
        tpu.vector_store_idx %arg6[%get3A_242], %unique3A_246 masked %unique3A_245 {add = true} : memref<10112xi32, #tpu.memory_space<vmem>>[vector<16xi32>], vector<16xi32>, vector<16xi1>
        %get3A_247 = arith.constant 496 : index
        %get3A_248 = tpu.vector_load %arg4[%get3A_247] {strides = array<i32>} : memref<768xi32, #tpu.memory_space<vmem>>, vector<16xi32>,
        %broadcast_in_dim3A_249 = arith.constant true
        %broadcast_in_dim3A_250 = vector.broadcast %broadcast_in_dim3A_249 : i1 to vector<16xi1>
        %unique3A_251, %unique3A_252 = tpu.scan_count mask(%broadcast_in_dim3A_250 : vector<16xi1>) value(%get3A_248 : vector<16xi32>) : vector<16xi1>, vector<16xi32>
        tpu.vector_store_idx %arg6[%get3A_248], %unique3A_252 masked %unique3A_251 {add = true} : memref<10112xi32, #tpu.memory_space<vmem>>[vector<16xi32>], vector<16xi32>, vector<16xi1>
        %get3A_253 = arith.constant 512 : index
        %get3A_254 = tpu.vector_load %arg4[%get3A_253] {strides = array<i32>} : memref<768xi32, #tpu.memory_space<vmem>>, vector<16xi32>,
        %broadcast_in_dim3A_255 = arith.constant true
        %broadcast_in_dim3A_256 = vector.broadcast %broadcast_in_dim3A_255 : i1 to vector<16xi1>
        %unique3A_257, %unique3A_258 = tpu.scan_count mask(%broadcast_in_dim3A_256 : vector<16xi1>) value(%get3A_254 : vector<16xi32>) : vector<16xi1>, vector<16xi32>
        tpu.vector_store_idx %arg6[%get3A_254], %unique3A_258 masked %unique3A_257 {add = true} : memref<10112xi32, #tpu.memory_space<vmem>>[vector<16xi32>], vector<16xi32>, vector<16xi1>
        %get3A_259 = arith.constant 528 : index
        %get3A_260 = tpu.vector_load %arg4[%get3A_259] {strides = array<i32>} : memref<768xi32, #tpu.memory_space<vmem>>, vector<16xi32>,
        %broadcast_in_dim3A_261 = arith.constant true
        %broadcast_in_dim3A_262 = vector.broadcast %broadcast_in_dim3A_261 : i1 to vector<16xi1>
        %unique3A_263, %unique3A_264 = tpu.scan_count mask(%broadcast_in_dim3A_262 : vector<16xi1>) value(%get3A_260 : vector<16xi32>) : vector<16xi1>, vector<16xi32>
        tpu.vector_store_idx %arg6[%get3A_260], %unique3A_264 masked %unique3A_263 {add = true} : memref<10112xi32, #tpu.memory_space<vmem>>[vector<16xi32>], vector<16xi32>, vector<16xi1>
        %get3A_265 = arith.constant 544 : index
        %get3A_266 = tpu.vector_load %arg4[%get3A_265] {strides = array<i32>} : memref<768xi32, #tpu.memory_space<vmem>>, vector<16xi32>,
        %broadcast_in_dim3A_267 = arith.constant true
        %broadcast_in_dim3A_268 = vector.broadcast %broadcast_in_dim3A_267 : i1 to vector<16xi1>
        %unique3A_269, %unique3A_270 = tpu.scan_count mask(%broadcast_in_dim3A_268 : vector<16xi1>) value(%get3A_266 : vector<16xi32>) : vector<16xi1>, vector<16xi32>
        tpu.vector_store_idx %arg6[%get3A_266], %unique3A_270 masked %unique3A_269 {add = true} : memref<10112xi32, #tpu.memory_space<vmem>>[vector<16xi32>], vector<16xi32>, vector<16xi1>
        %get3A_271 = arith.constant 560 : index
        %get3A_272 = tpu.vector_load %arg4[%get3A_271] {strides = array<i32>} : memref<768xi32, #tpu.memory_space<vmem>>, vector<16xi32>,
        %broadcast_in_dim3A_273 = arith.constant true
        %broadcast_in_dim3A_274 = vector.broadcast %broadcast_in_dim3A_273 : i1 to vector<16xi1>
        %unique3A_275, %unique3A_276 = tpu.scan_count mask(%broadcast_in_dim3A_274 : vector<16xi1>) value(%get3A_272 : vector<16xi32>) : vector<16xi1>, vector<16xi32>
        tpu.vector_store_idx %arg6[%get3A_272], %unique3A_276 masked %unique3A_275 {add = true} : memref<10112xi32, #tpu.memory_space<vmem>>[vector<16xi32>], vector<16xi32>, vector<16xi1>
        %get3A_277 = arith.constant 576 : index
        %get3A_278 = tpu.vector_load %arg4[%get3A_277] {strides = array<i32>} : memref<768xi32, #tpu.memory_space<vmem>>, vector<16xi32>,
        %broadcast_in_dim3A_279 = arith.constant true
        %broadcast_in_dim3A_280 = vector.broadcast %broadcast_in_dim3A_279 : i1 to vector<16xi1>
        %unique3A_281, %unique3A_282 = tpu.scan_count mask(%broadcast_in_dim3A_280 : vector<16xi1>) value(%get3A_278 : vector<16xi32>) : vector<16xi1>, vector<16xi32>
        tpu.vector_store_idx %arg6[%get3A_278], %unique3A_282 masked %unique3A_281 {add = true} : memref<10112xi32, #tpu.memory_space<vmem>>[vector<16xi32>], vector<16xi32>, vector<16xi1>
        %get3A_283 = arith.constant 592 : index
        %get3A_284 = tpu.vector_load %arg4[%get3A_283] {strides = array<i32>} : memref<768xi32, #tpu.memory_space<vmem>>, vector<16xi32>,
        %broadcast_in_dim3A_285 = arith.constant true
        %broadcast_in_dim3A_286 = vector.broadcast %broadcast_in_dim3A_285 : i1 to vector<16xi1>
        %unique3A_287, %unique3A_288 = tpu.scan_count mask(%broadcast_in_dim3A_286 : vector<16xi1>) value(%get3A_284 : vector<16xi32>) : vector<16xi1>, vector<16xi32>
        tpu.vector_store_idx %arg6[%get3A_284], %unique3A_288 masked %unique3A_287 {add = true} : memref<10112xi32, #tpu.memory_space<vmem>>[vector<16xi32>], vector<16xi32>, vector<16xi1>
        %get3A_289 = arith.constant 608 : index
        %get3A_290 = tpu.vector_load %arg4[%get3A_289] {strides = array<i32>} : memref<768xi32, #tpu.memory_space<vmem>>, vector<16xi32>,
        %broadcast_in_dim3A_291 = arith.constant true
        %broadcast_in_dim3A_292 = vector.broadcast %broadcast_in_dim3A_291 : i1 to vector<16xi1>
        %unique3A_293, %unique3A_294 = tpu.scan_count mask(%broadcast_in_dim3A_292 : vector<16xi1>) value(%get3A_290 : vector<16xi32>) : vector<16xi1>, vector<16xi32>
        tpu.vector_store_idx %arg6[%get3A_290], %unique3A_294 masked %unique3A_293 {add = true} : memref<10112xi32, #tpu.memory_space<vmem>>[vector<16xi32>], vector<16xi32>, vector<16xi1>
        %get3A_295 = arith.constant 624 : index
        %get3A_296 = tpu.vector_load %arg4[%get3A_295] {strides = array<i32>} : memref<768xi32, #tpu.memory_space<vmem>>, vector<16xi32>,
        %broadcast_in_dim3A_297 = arith.constant true
        %broadcast_in_dim3A_298 = vector.broadcast %broadcast_in_dim3A_297 : i1 to vector<16xi1>
        %unique3A_299, %unique3A_300 = tpu.scan_count mask(%broadcast_in_dim3A_298 : vector<16xi1>) value(%get3A_296 : vector<16xi32>) : vector<16xi1>, vector<16xi32>
        tpu.vector_store_idx %arg6[%get3A_296], %unique3A_300 masked %unique3A_299 {add = true} : memref<10112xi32, #tpu.memory_space<vmem>>[vector<16xi32>], vector<16xi32>, vector<16xi1>
        %get3A_301 = arith.constant 640 : index
        %get3A_302 = tpu.vector_load %arg4[%get3A_301] {strides = array<i32>} : memref<768xi32, #tpu.memory_space<vmem>>, vector<16xi32>,
        %broadcast_in_dim3A_303 = arith.constant true
        %broadcast_in_dim3A_304 = vector.broadcast %broadcast_in_dim3A_303 : i1 to vector<16xi1>
        %unique3A_305, %unique3A_306 = tpu.scan_count mask(%broadcast_in_dim3A_304 : vector<16xi1>) value(%get3A_302 : vector<16xi32>) : vector<16xi1>, vector<16xi32>
        tpu.vector_store_idx %arg6[%get3A_302], %unique3A_306 masked %unique3A_305 {add = true} : memref<10112xi32, #tpu.memory_space<vmem>>[vector<16xi32>], vector<16xi32>, vector<16xi1>
        %get3A_307 = arith.constant 656 : index
        %get3A_308 = tpu.vector_load %arg4[%get3A_307] {strides = array<i32>} : memref<768xi32, #tpu.memory_space<vmem>>, vector<16xi32>,
        %broadcast_in_dim3A_309 = arith.constant true
        %broadcast_in_dim3A_310 = vector.broadcast %broadcast_in_dim3A_309 : i1 to vector<16xi1>
        %unique3A_311, %unique3A_312 = tpu.scan_count mask(%broadcast_in_dim3A_310 : vector<16xi1>) value(%get3A_308 : vector<16xi32>) : vector<16xi1>, vector<16xi32>
        tpu.vector_store_idx %arg6[%get3A_308], %unique3A_312 masked %unique3A_311 {add = true} : memref<10112xi32, #tpu.memory_space<vmem>>[vector<16xi32>], vector<16xi32>, vector<16xi1>
        %get3A_313 = arith.constant 672 : index
        %get3A_314 = tpu.vector_load %arg4[%get3A_313] {strides = array<i32>} : memref<768xi32, #tpu.memory_space<vmem>>, vector<16xi32>,
        %broadcast_in_dim3A_315 = arith.constant true
        %broadcast_in_dim3A_316 = vector.broadcast %broadcast_in_dim3A_315 : i1 to vector<16xi1>
        %unique3A_317, %unique3A_318 = tpu.scan_count mask(%broadcast_in_dim3A_316 : vector<16xi1>) value(%get3A_314 : vector<16xi32>) : vector<16xi1>, vector<16xi32>
        tpu.vector_store_idx %arg6[%get3A_314], %unique3A_318 masked %unique3A_317 {add = true} : memref<10112xi32, #tpu.memory_space<vmem>>[vector<16xi32>], vector<16xi32>, vector<16xi1>
        %get3A_319 = arith.constant 688 : index
        %get3A_320 = tpu.vector_load %arg4[%get3A_319] {strides = array<i32>} : memref<768xi32, #tpu.memory_space<vmem>>, vector<16xi32>,
        %broadcast_in_dim3A_321 = arith.constant true
        %broadcast_in_dim3A_322 = vector.broadcast %broadcast_in_dim3A_321 : i1 to vector<16xi1>
        %unique3A_323, %unique3A_324 = tpu.scan_count mask(%broadcast_in_dim3A_322 : vector<16xi1>) value(%get3A_320 : vector<16xi32>) : vector<16xi1>, vector<16xi32>
        tpu.vector_store_idx %arg6[%get3A_320], %unique3A_324 masked %unique3A_323 {add = true} : memref<10112xi32, #tpu.memory_space<vmem>>[vector<16xi32>], vector<16xi32>, vector<16xi1>
        %get3A_325 = arith.constant 704 : index
        %get3A_326 = tpu.vector_load %arg4[%get3A_325] {strides = array<i32>} : memref<768xi32, #tpu.memory_space<vmem>>, vector<16xi32>,
        %broadcast_in_dim3A_327 = arith.constant true
        %broadcast_in_dim3A_328 = vector.broadcast %broadcast_in_dim3A_327 : i1 to vector<16xi1>
        %unique3A_329, %unique3A_330 = tpu.scan_count mask(%broadcast_in_dim3A_328 : vector<16xi1>) value(%get3A_326 : vector<16xi32>) : vector<16xi1>, vector<16xi32>
        tpu.vector_store_idx %arg6[%get3A_326], %unique3A_330 masked %unique3A_329 {add = true} : memref<10112xi32, #tpu.memory_space<vmem>>[vector<16xi32>], vector<16xi32>, vector<16xi1>
        %get3A_331 = arith.constant 720 : index
        %get3A_332 = tpu.vector_load %arg4[%get3A_331] {strides = array<i32>} : memref<768xi32, #tpu.memory_space<vmem>>, vector<16xi32>,
        %broadcast_in_dim3A_333 = arith.constant true
        %broadcast_in_dim3A_334 = vector.broadcast %broadcast_in_dim3A_333 : i1 to vector<16xi1>
        %unique3A_335, %unique3A_336 = tpu.scan_count mask(%broadcast_in_dim3A_334 : vector<16xi1>) value(%get3A_332 : vector<16xi32>) : vector<16xi1>, vector<16xi32>
        tpu.vector_store_idx %arg6[%get3A_332], %unique3A_336 masked %unique3A_335 {add = true} : memref<10112xi32, #tpu.memory_space<vmem>>[vector<16xi32>], vector<16xi32>, vector<16xi1>
        %get3A_337 = arith.constant 736 : index
        %get3A_338 = tpu.vector_load %arg4[%get3A_337] {strides = array<i32>} : memref<768xi32, #tpu.memory_space<vmem>>, vector<16xi32>,
        %broadcast_in_dim3A_339 = arith.constant true
        %broadcast_in_dim3A_340 = vector.broadcast %broadcast_in_dim3A_339 : i1 to vector<16xi1>
        %unique3A_341, %unique3A_342 = tpu.scan_count mask(%broadcast_in_dim3A_340 : vector<16xi1>) value(%get3A_338 : vector<16xi32>) : vector<16xi1>, vector<16xi32>
        tpu.vector_store_idx %arg6[%get3A_338], %unique3A_342 masked %unique3A_341 {add = true} : memref<10112xi32, #tpu.memory_space<vmem>>[vector<16xi32>], vector<16xi32>, vector<16xi1>
        %get3A_343 = arith.constant 752 : index
        %get3A_344 = tpu.vector_load %arg4[%get3A_343] {strides = array<i32>} : memref<768xi32, #tpu.memory_space<vmem>>, vector<16xi32>,
        %broadcast_in_dim3A_345 = arith.constant true
        %broadcast_in_dim3A_346 = vector.broadcast %broadcast_in_dim3A_345 : i1 to vector<16xi1>
        %unique3A_347, %unique3A_348 = tpu.scan_count mask(%broadcast_in_dim3A_346 : vector<16xi1>) value(%get3A_344 : vector<16xi32>) : vector<16xi1>, vector<16xi32>
        tpu.vector_store_idx %arg6[%get3A_344], %unique3A_348 masked %unique3A_347 {add = true} : memref<10112xi32, #tpu.memory_space<vmem>>[vector<16xi32>], vector<16xi32>, vector<16xi1>
      } else {
      }
      %mul3A_35 = arith.constant 2 : i32
      %mul3A_36 = arith.muli %mul3A_35, %add3A_27 : i32
      %add3A_37 = arith.constant 1 : i32
      %add3A_38 = arith.addi %mul3A_36, %add3A_37 : i32
      %lt3A_39 = arith.constant 13 : i32
      %lt3A_40 = arith.cmpi slt, %add3A_38, %lt3A_39 : i32
      %convert_element_type3A_41 = arith.extui %lt3A_40 : i1 to i32
      %cond3A_42 = arith.constant 0 : i32
      %cond3A_43 = arith.cmpi ne, %convert_element_type3A_41, %cond3A_42 : i32
      scf.if %cond3A_43 {
        %mul3A_44 = arith.constant 78 : i32
        %mul3A_45 = arith.muli %add3A, %mul3A_44 : i32
        %mul3A_46 = arith.constant 6 : i32
        %mul3A_47 = arith.muli %add3A_38, %mul3A_46 : i32
        %add3A_48 = arith.addi %mul3A_45, %mul3A_47 : i32
        %mul3A_49 = arith.constant 128 : i32
        %mul3A_50 = arith.muli %add3A_48, %mul3A_49 : i32
        %multiple_of3A_51 = tpu.assume_multiple %mul3A_50, 768 : i32
        %dma_wait3A = arith.constant 1 : i32
        %dma_wait3A_52 = tpu.memref_slice %arg2[%dma_wait3A, %multiple_of3A_51] : memref<2x320000xi32, #tpu.memory_space<hbm>> -> memref<1x768xi32, #tpu.memory_space<hbm>>
        %dma_wait3A_53 = tpu.memref_squeeze %dma_wait3A_52 : memref<1x768xi32, #tpu.memory_space<hbm>> -> memref<768xi32, #tpu.memory_space<hbm>>
        %dma_wait3A_54 = tpu.memref_slice %arg2[%dma_wait3A, %multiple_of3A_51] : memref<2x320000xi32, #tpu.memory_space<hbm>> -> memref<1x768xi32, #tpu.memory_space<hbm>>
        %dma_wait3A_55 = tpu.memref_squeeze %dma_wait3A_54 : memref<1x768xi32, #tpu.memory_space<hbm>> -> memref<768xi32, #tpu.memory_space<hbm>>
        tpu.wait_dma2 semaphore(%arg8 : memref<!tpu.dma_semaphore, #tpu.memory_space<semaphore_mem>>) src(%dma_wait3A_55 : memref<768xi32, #tpu.memory_space<hbm>>) dst(%arg5 : memref<768xi32, #tpu.memory_space<vmem>>)
        %add3A_56 = arith.constant 1 : i32
        %add3A_57 = arith.addi %add3A_38, %add3A_56 : i32
        %lt3A_58 = arith.constant 13 : i32
        %lt3A_59 = arith.cmpi slt, %add3A_57, %lt3A_58 : i32
        %convert_element_type3A_60 = arith.extui %lt3A_59 : i1 to i32
        %cond3A_61 = arith.constant 0 : i32
        %cond3A_62 = arith.cmpi ne, %convert_element_type3A_60, %cond3A_61 : i32
        scf.if %cond3A_62 {
          %add3A_349 = arith.constant 1 : i32
          %add3A_350 = arith.addi %add3A_38, %add3A_349 : i32
          %mul3A_351 = arith.constant 78 : i32
          %mul3A_352 = arith.muli %add3A, %mul3A_351 : i32
          %mul3A_353 = arith.constant 6 : i32
          %mul3A_354 = arith.muli %add3A_350, %mul3A_353 : i32
          %add3A_355 = arith.addi %mul3A_352, %mul3A_354 : i32
          %mul3A_356 = arith.constant 128 : i32
          %mul3A_357 = arith.muli %add3A_355, %mul3A_356 : i32
          %multiple_of3A_358 = tpu.assume_multiple %mul3A_357, 768 : i32
          %dma_start3A_359 = arith.constant 1 : i32
          %dma_start3A_360 = tpu.memref_slice %arg2[%dma_start3A_359, %multiple_of3A_358] : memref<2x320000xi32, #tpu.memory_space<hbm>> -> memref<1x768xi32, #tpu.memory_space<hbm>>
          %dma_start3A_361 = tpu.memref_squeeze %dma_start3A_360 : memref<1x768xi32, #tpu.memory_space<hbm>> -> memref<768xi32, #tpu.memory_space<hbm>>
          %dma_start3A_362 = tpu.memref_slice %arg2[%dma_start3A_359, %multiple_of3A_358] : memref<2x320000xi32, #tpu.memory_space<hbm>> -> memref<1x768xi32, #tpu.memory_space<hbm>>
          %dma_start3A_363 = tpu.memref_squeeze %dma_start3A_362 : memref<1x768xi32, #tpu.memory_space<hbm>> -> memref<768xi32, #tpu.memory_space<hbm>>
          tpu.enqueue_dma source(%dma_start3A_363 : memref<768xi32, #tpu.memory_space<hbm>>) target(%arg4 : memref<768xi32, #tpu.memory_space<vmem>>) target_semaphore(%arg7 : memref<!tpu.dma_semaphore, #tpu.memory_space<semaphore_mem>>)
        } else {
        }
        %get3A = arith.constant 0 : index
        %get3A_63 = tpu.vector_load %arg5[%get3A] {strides = array<i32>} : memref<768xi32, #tpu.memory_space<vmem>>, vector<16xi32>,
        %broadcast_in_dim3A_64 = arith.constant true
        %broadcast_in_dim3A_65 = vector.broadcast %broadcast_in_dim3A_64 : i1 to vector<16xi1>
        %unique3A, %unique3A_66 = tpu.scan_count mask(%broadcast_in_dim3A_65 : vector<16xi1>) value(%get3A_63 : vector<16xi32>) : vector<16xi1>, vector<16xi32>
        tpu.vector_store_idx %arg6[%get3A_63], %unique3A_66 masked %unique3A {add = true} : memref<10112xi32, #tpu.memory_space<vmem>>[vector<16xi32>], vector<16xi32>, vector<16xi1>
        %get3A_67 = arith.constant 16 : index
        %get3A_68 = tpu.vector_load %arg5[%get3A_67] {strides = array<i32>} : memref<768xi32, #tpu.memory_space<vmem>>, vector<16xi32>,
        %broadcast_in_dim3A_69 = arith.constant true
        %broadcast_in_dim3A_70 = vector.broadcast %broadcast_in_dim3A_69 : i1 to vector<16xi1>
        %unique3A_71, %unique3A_72 = tpu.scan_count mask(%broadcast_in_dim3A_70 : vector<16xi1>) value(%get3A_68 : vector<16xi32>) : vector<16xi1>, vector<16xi32>
        tpu.vector_store_idx %arg6[%get3A_68], %unique3A_72 masked %unique3A_71 {add = true} : memref<10112xi32, #tpu.memory_space<vmem>>[vector<16xi32>], vector<16xi32>, vector<16xi1>
        %get3A_73 = arith.constant 32 : index
        %get3A_74 = tpu.vector_load %arg5[%get3A_73] {strides = array<i32>} : memref<768xi32, #tpu.memory_space<vmem>>, vector<16xi32>,
        %broadcast_in_dim3A_75 = arith.constant true
        %broadcast_in_dim3A_76 = vector.broadcast %broadcast_in_dim3A_75 : i1 to vector<16xi1>
        %unique3A_77, %unique3A_78 = tpu.scan_count mask(%broadcast_in_dim3A_76 : vector<16xi1>) value(%get3A_74 : vector<16xi32>) : vector<16xi1>, vector<16xi32>
        tpu.vector_store_idx %arg6[%get3A_74], %unique3A_78 masked %unique3A_77 {add = true} : memref<10112xi32, #tpu.memory_space<vmem>>[vector<16xi32>], vector<16xi32>, vector<16xi1>
        %get3A_79 = arith.constant 48 : index
        %get3A_80 = tpu.vector_load %arg5[%get3A_79] {strides = array<i32>} : memref<768xi32, #tpu.memory_space<vmem>>, vector<16xi32>,
        %broadcast_in_dim3A_81 = arith.constant true
        %broadcast_in_dim3A_82 = vector.broadcast %broadcast_in_dim3A_81 : i1 to vector<16xi1>
        %unique3A_83, %unique3A_84 = tpu.scan_count mask(%broadcast_in_dim3A_82 : vector<16xi1>) value(%get3A_80 : vector<16xi32>) : vector<16xi1>, vector<16xi32>
        tpu.vector_store_idx %arg6[%get3A_80], %unique3A_84 masked %unique3A_83 {add = true} : memref<10112xi32, #tpu.memory_space<vmem>>[vector<16xi32>], vector<16xi32>, vector<16xi1>
        %get3A_85 = arith.constant 64 : index
        %get3A_86 = tpu.vector_load %arg5[%get3A_85] {strides = array<i32>} : memref<768xi32, #tpu.memory_space<vmem>>, vector<16xi32>,
        %broadcast_in_dim3A_87 = arith.constant true
        %broadcast_in_dim3A_88 = vector.broadcast %broadcast_in_dim3A_87 : i1 to vector<16xi1>
        %unique3A_89, %unique3A_90 = tpu.scan_count mask(%broadcast_in_dim3A_88 : vector<16xi1>) value(%get3A_86 : vector<16xi32>) : vector<16xi1>, vector<16xi32>
        tpu.vector_store_idx %arg6[%get3A_86], %unique3A_90 masked %unique3A_89 {add = true} : memref<10112xi32, #tpu.memory_space<vmem>>[vector<16xi32>], vector<16xi32>, vector<16xi1>
        %get3A_91 = arith.constant 80 : index
        %get3A_92 = tpu.vector_load %arg5[%get3A_91] {strides = array<i32>} : memref<768xi32, #tpu.memory_space<vmem>>, vector<16xi32>,
        %broadcast_in_dim3A_93 = arith.constant true
        %broadcast_in_dim3A_94 = vector.broadcast %broadcast_in_dim3A_93 : i1 to vector<16xi1>
        %unique3A_95, %unique3A_96 = tpu.scan_count mask(%broadcast_in_dim3A_94 : vector<16xi1>) value(%get3A_92 : vector<16xi32>) : vector<16xi1>, vector<16xi32>
        tpu.vector_store_idx %arg6[%get3A_92], %unique3A_96 masked %unique3A_95 {add = true} : memref<10112xi32, #tpu.memory_space<vmem>>[vector<16xi32>], vector<16xi32>, vector<16xi1>
        %get3A_97 = arith.constant 96 : index
        %get3A_98 = tpu.vector_load %arg5[%get3A_97] {strides = array<i32>} : memref<768xi32, #tpu.memory_space<vmem>>, vector<16xi32>,
        %broadcast_in_dim3A_99 = arith.constant true
        %broadcast_in_dim3A_100 = vector.broadcast %broadcast_in_dim3A_99 : i1 to vector<16xi1>
        %unique3A_101, %unique3A_102 = tpu.scan_count mask(%broadcast_in_dim3A_100 : vector<16xi1>) value(%get3A_98 : vector<16xi32>) : vector<16xi1>, vector<16xi32>
        tpu.vector_store_idx %arg6[%get3A_98], %unique3A_102 masked %unique3A_101 {add = true} : memref<10112xi32, #tpu.memory_space<vmem>>[vector<16xi32>], vector<16xi32>, vector<16xi1>
        %get3A_103 = arith.constant 112 : index
        %get3A_104 = tpu.vector_load %arg5[%get3A_103] {strides = array<i32>} : memref<768xi32, #tpu.memory_space<vmem>>, vector<16xi32>,
        %broadcast_in_dim3A_105 = arith.constant true
        %broadcast_in_dim3A_106 = vector.broadcast %broadcast_in_dim3A_105 : i1 to vector<16xi1>
        %unique3A_107, %unique3A_108 = tpu.scan_count mask(%broadcast_in_dim3A_106 : vector<16xi1>) value(%get3A_104 : vector<16xi32>) : vector<16xi1>, vector<16xi32>
        tpu.vector_store_idx %arg6[%get3A_104], %unique3A_108 masked %unique3A_107 {add = true} : memref<10112xi32, #tpu.memory_space<vmem>>[vector<16xi32>], vector<16xi32>, vector<16xi1>
        %get3A_109 = arith.constant 128 : index
        %get3A_110 = tpu.vector_load %arg5[%get3A_109] {strides = array<i32>} : memref<768xi32, #tpu.memory_space<vmem>>, vector<16xi32>,
        %broadcast_in_dim3A_111 = arith.constant true
        %broadcast_in_dim3A_112 = vector.broadcast %broadcast_in_dim3A_111 : i1 to vector<16xi1>
        %unique3A_113, %unique3A_114 = tpu.scan_count mask(%broadcast_in_dim3A_112 : vector<16xi1>) value(%get3A_110 : vector<16xi32>) : vector<16xi1>, vector<16xi32>
        tpu.vector_store_idx %arg6[%get3A_110], %unique3A_114 masked %unique3A_113 {add = true} : memref<10112xi32, #tpu.memory_space<vmem>>[vector<16xi32>], vector<16xi32>, vector<16xi1>
        %get3A_115 = arith.constant 144 : index
        %get3A_116 = tpu.vector_load %arg5[%get3A_115] {strides = array<i32>} : memref<768xi32, #tpu.memory_space<vmem>>, vector<16xi32>,
        %broadcast_in_dim3A_117 = arith.constant true
        %broadcast_in_dim3A_118 = vector.broadcast %broadcast_in_dim3A_117 : i1 to vector<16xi1>
        %unique3A_119, %unique3A_120 = tpu.scan_count mask(%broadcast_in_dim3A_118 : vector<16xi1>) value(%get3A_116 : vector<16xi32>) : vector<16xi1>, vector<16xi32>
        tpu.vector_store_idx %arg6[%get3A_116], %unique3A_120 masked %unique3A_119 {add = true} : memref<10112xi32, #tpu.memory_space<vmem>>[vector<16xi32>], vector<16xi32>, vector<16xi1>
        %get3A_121 = arith.constant 160 : index
        %get3A_122 = tpu.vector_load %arg5[%get3A_121] {strides = array<i32>} : memref<768xi32, #tpu.memory_space<vmem>>, vector<16xi32>,
        %broadcast_in_dim3A_123 = arith.constant true
        %broadcast_in_dim3A_124 = vector.broadcast %broadcast_in_dim3A_123 : i1 to vector<16xi1>
        %unique3A_125, %unique3A_126 = tpu.scan_count mask(%broadcast_in_dim3A_124 : vector<16xi1>) value(%get3A_122 : vector<16xi32>) : vector<16xi1>, vector<16xi32>
        tpu.vector_store_idx %arg6[%get3A_122], %unique3A_126 masked %unique3A_125 {add = true} : memref<10112xi32, #tpu.memory_space<vmem>>[vector<16xi32>], vector<16xi32>, vector<16xi1>
        %get3A_127 = arith.constant 176 : index
        %get3A_128 = tpu.vector_load %arg5[%get3A_127] {strides = array<i32>} : memref<768xi32, #tpu.memory_space<vmem>>, vector<16xi32>,
        %broadcast_in_dim3A_129 = arith.constant true
        %broadcast_in_dim3A_130 = vector.broadcast %broadcast_in_dim3A_129 : i1 to vector<16xi1>
        %unique3A_131, %unique3A_132 = tpu.scan_count mask(%broadcast_in_dim3A_130 : vector<16xi1>) value(%get3A_128 : vector<16xi32>) : vector<16xi1>, vector<16xi32>
        tpu.vector_store_idx %arg6[%get3A_128], %unique3A_132 masked %unique3A_131 {add = true} : memref<10112xi32, #tpu.memory_space<vmem>>[vector<16xi32>], vector<16xi32>, vector<16xi1>
        %get3A_133 = arith.constant 192 : index
        %get3A_134 = tpu.vector_load %arg5[%get3A_133] {strides = array<i32>} : memref<768xi32, #tpu.memory_space<vmem>>, vector<16xi32>,
        %broadcast_in_dim3A_135 = arith.constant true
        %broadcast_in_dim3A_136 = vector.broadcast %broadcast_in_dim3A_135 : i1 to vector<16xi1>
        %unique3A_137, %unique3A_138 = tpu.scan_count mask(%broadcast_in_dim3A_136 : vector<16xi1>) value(%get3A_134 : vector<16xi32>) : vector<16xi1>, vector<16xi32>
        tpu.vector_store_idx %arg6[%get3A_134], %unique3A_138 masked %unique3A_137 {add = true} : memref<10112xi32, #tpu.memory_space<vmem>>[vector<16xi32>], vector<16xi32>, vector<16xi1>
        %get3A_139 = arith.constant 208 : index
        %get3A_140 = tpu.vector_load %arg5[%get3A_139] {strides = array<i32>} : memref<768xi32, #tpu.memory_space<vmem>>, vector<16xi32>,
        %broadcast_in_dim3A_141 = arith.constant true
        %broadcast_in_dim3A_142 = vector.broadcast %broadcast_in_dim3A_141 : i1 to vector<16xi1>
        %unique3A_143, %unique3A_144 = tpu.scan_count mask(%broadcast_in_dim3A_142 : vector<16xi1>) value(%get3A_140 : vector<16xi32>) : vector<16xi1>, vector<16xi32>
        tpu.vector_store_idx %arg6[%get3A_140], %unique3A_144 masked %unique3A_143 {add = true} : memref<10112xi32, #tpu.memory_space<vmem>>[vector<16xi32>], vector<16xi32>, vector<16xi1>
        %get3A_145 = arith.constant 224 : index
        %get3A_146 = tpu.vector_load %arg5[%get3A_145] {strides = array<i32>} : memref<768xi32, #tpu.memory_space<vmem>>, vector<16xi32>,
        %broadcast_in_dim3A_147 = arith.constant true
        %broadcast_in_dim3A_148 = vector.broadcast %broadcast_in_dim3A_147 : i1 to vector<16xi1>
        %unique3A_149, %unique3A_150 = tpu.scan_count mask(%broadcast_in_dim3A_148 : vector<16xi1>) value(%get3A_146 : vector<16xi32>) : vector<16xi1>, vector<16xi32>
        tpu.vector_store_idx %arg6[%get3A_146], %unique3A_150 masked %unique3A_149 {add = true} : memref<10112xi32, #tpu.memory_space<vmem>>[vector<16xi32>], vector<16xi32>, vector<16xi1>
        %get3A_151 = arith.constant 240 : index
        %get3A_152 = tpu.vector_load %arg5[%get3A_151] {strides = array<i32>} : memref<768xi32, #tpu.memory_space<vmem>>, vector<16xi32>,
        %broadcast_in_dim3A_153 = arith.constant true
        %broadcast_in_dim3A_154 = vector.broadcast %broadcast_in_dim3A_153 : i1 to vector<16xi1>
        %unique3A_155, %unique3A_156 = tpu.scan_count mask(%broadcast_in_dim3A_154 : vector<16xi1>) value(%get3A_152 : vector<16xi32>) : vector<16xi1>, vector<16xi32>
        tpu.vector_store_idx %arg6[%get3A_152], %unique3A_156 masked %unique3A_155 {add = true} : memref<10112xi32, #tpu.memory_space<vmem>>[vector<16xi32>], vector<16xi32>, vector<16xi1>
        %get3A_157 = arith.constant 256 : index
        %get3A_158 = tpu.vector_load %arg5[%get3A_157] {strides = array<i32>} : memref<768xi32, #tpu.memory_space<vmem>>, vector<16xi32>,
        %broadcast_in_dim3A_159 = arith.constant true
        %broadcast_in_dim3A_160 = vector.broadcast %broadcast_in_dim3A_159 : i1 to vector<16xi1>
        %unique3A_161, %unique3A_162 = tpu.scan_count mask(%broadcast_in_dim3A_160 : vector<16xi1>) value(%get3A_158 : vector<16xi32>) : vector<16xi1>, vector<16xi32>
        tpu.vector_store_idx %arg6[%get3A_158], %unique3A_162 masked %unique3A_161 {add = true} : memref<10112xi32, #tpu.memory_space<vmem>>[vector<16xi32>], vector<16xi32>, vector<16xi1>
        %get3A_163 = arith.constant 272 : index
        %get3A_164 = tpu.vector_load %arg5[%get3A_163] {strides = array<i32>} : memref<768xi32, #tpu.memory_space<vmem>>, vector<16xi32>,
        %broadcast_in_dim3A_165 = arith.constant true
        %broadcast_in_dim3A_166 = vector.broadcast %broadcast_in_dim3A_165 : i1 to vector<16xi1>
        %unique3A_167, %unique3A_168 = tpu.scan_count mask(%broadcast_in_dim3A_166 : vector<16xi1>) value(%get3A_164 : vector<16xi32>) : vector<16xi1>, vector<16xi32>
        tpu.vector_store_idx %arg6[%get3A_164], %unique3A_168 masked %unique3A_167 {add = true} : memref<10112xi32, #tpu.memory_space<vmem>>[vector<16xi32>], vector<16xi32>, vector<16xi1>
        %get3A_169 = arith.constant 288 : index
        %get3A_170 = tpu.vector_load %arg5[%get3A_169] {strides = array<i32>} : memref<768xi32, #tpu.memory_space<vmem>>, vector<16xi32>,
        %broadcast_in_dim3A_171 = arith.constant true
        %broadcast_in_dim3A_172 = vector.broadcast %broadcast_in_dim3A_171 : i1 to vector<16xi1>
        %unique3A_173, %unique3A_174 = tpu.scan_count mask(%broadcast_in_dim3A_172 : vector<16xi1>) value(%get3A_170 : vector<16xi32>) : vector<16xi1>, vector<16xi32>
        tpu.vector_store_idx %arg6[%get3A_170], %unique3A_174 masked %unique3A_173 {add = true} : memref<10112xi32, #tpu.memory_space<vmem>>[vector<16xi32>], vector<16xi32>, vector<16xi1>
        %get3A_175 = arith.constant 304 : index
        %get3A_176 = tpu.vector_load %arg5[%get3A_175] {strides = array<i32>} : memref<768xi32, #tpu.memory_space<vmem>>, vector<16xi32>,
        %broadcast_in_dim3A_177 = arith.constant true
        %broadcast_in_dim3A_178 = vector.broadcast %broadcast_in_dim3A_177 : i1 to vector<16xi1>
        %unique3A_179, %unique3A_180 = tpu.scan_count mask(%broadcast_in_dim3A_178 : vector<16xi1>) value(%get3A_176 : vector<16xi32>) : vector<16xi1>, vector<16xi32>
        tpu.vector_store_idx %arg6[%get3A_176], %unique3A_180 masked %unique3A_179 {add = true} : memref<10112xi32, #tpu.memory_space<vmem>>[vector<16xi32>], vector<16xi32>, vector<16xi1>
        %get3A_181 = arith.constant 320 : index
        %get3A_182 = tpu.vector_load %arg5[%get3A_181] {strides = array<i32>} : memref<768xi32, #tpu.memory_space<vmem>>, vector<16xi32>,
        %broadcast_in_dim3A_183 = arith.constant true
        %broadcast_in_dim3A_184 = vector.broadcast %broadcast_in_dim3A_183 : i1 to vector<16xi1>
        %unique3A_185, %unique3A_186 = tpu.scan_count mask(%broadcast_in_dim3A_184 : vector<16xi1>) value(%get3A_182 : vector<16xi32>) : vector<16xi1>, vector<16xi32>
        tpu.vector_store_idx %arg6[%get3A_182], %unique3A_186 masked %unique3A_185 {add = true} : memref<10112xi32, #tpu.memory_space<vmem>>[vector<16xi32>], vector<16xi32>, vector<16xi1>
        %get3A_187 = arith.constant 336 : index
        %get3A_188 = tpu.vector_load %arg5[%get3A_187] {strides = array<i32>} : memref<768xi32, #tpu.memory_space<vmem>>, vector<16xi32>,
        %broadcast_in_dim3A_189 = arith.constant true
        %broadcast_in_dim3A_190 = vector.broadcast %broadcast_in_dim3A_189 : i1 to vector<16xi1>
        %unique3A_191, %unique3A_192 = tpu.scan_count mask(%broadcast_in_dim3A_190 : vector<16xi1>) value(%get3A_188 : vector<16xi32>) : vector<16xi1>, vector<16xi32>
        tpu.vector_store_idx %arg6[%get3A_188], %unique3A_192 masked %unique3A_191 {add = true} : memref<10112xi32, #tpu.memory_space<vmem>>[vector<16xi32>], vector<16xi32>, vector<16xi1>
        %get3A_193 = arith.constant 352 : index
        %get3A_194 = tpu.vector_load %arg5[%get3A_193] {strides = array<i32>} : memref<768xi32, #tpu.memory_space<vmem>>, vector<16xi32>,
        %broadcast_in_dim3A_195 = arith.constant true
        %broadcast_in_dim3A_196 = vector.broadcast %broadcast_in_dim3A_195 : i1 to vector<16xi1>
        %unique3A_197, %unique3A_198 = tpu.scan_count mask(%broadcast_in_dim3A_196 : vector<16xi1>) value(%get3A_194 : vector<16xi32>) : vector<16xi1>, vector<16xi32>
        tpu.vector_store_idx %arg6[%get3A_194], %unique3A_198 masked %unique3A_197 {add = true} : memref<10112xi32, #tpu.memory_space<vmem>>[vector<16xi32>], vector<16xi32>, vector<16xi1>
        %get3A_199 = arith.constant 368 : index
        %get3A_200 = tpu.vector_load %arg5[%get3A_199] {strides = array<i32>} : memref<768xi32, #tpu.memory_space<vmem>>, vector<16xi32>,
        %broadcast_in_dim3A_201 = arith.constant true
        %broadcast_in_dim3A_202 = vector.broadcast %broadcast_in_dim3A_201 : i1 to vector<16xi1>
        %unique3A_203, %unique3A_204 = tpu.scan_count mask(%broadcast_in_dim3A_202 : vector<16xi1>) value(%get3A_200 : vector<16xi32>) : vector<16xi1>, vector<16xi32>
        tpu.vector_store_idx %arg6[%get3A_200], %unique3A_204 masked %unique3A_203 {add = true} : memref<10112xi32, #tpu.memory_space<vmem>>[vector<16xi32>], vector<16xi32>, vector<16xi1>
        %get3A_205 = arith.constant 384 : index
        %get3A_206 = tpu.vector_load %arg5[%get3A_205] {strides = array<i32>} : memref<768xi32, #tpu.memory_space<vmem>>, vector<16xi32>,
        %broadcast_in_dim3A_207 = arith.constant true
        %broadcast_in_dim3A_208 = vector.broadcast %broadcast_in_dim3A_207 : i1 to vector<16xi1>
        %unique3A_209, %unique3A_210 = tpu.scan_count mask(%broadcast_in_dim3A_208 : vector<16xi1>) value(%get3A_206 : vector<16xi32>) : vector<16xi1>, vector<16xi32>
        tpu.vector_store_idx %arg6[%get3A_206], %unique3A_210 masked %unique3A_209 {add = true} : memref<10112xi32, #tpu.memory_space<vmem>>[vector<16xi32>], vector<16xi32>, vector<16xi1>
        %get3A_211 = arith.constant 400 : index
        %get3A_212 = tpu.vector_load %arg5[%get3A_211] {strides = array<i32>} : memref<768xi32, #tpu.memory_space<vmem>>, vector<16xi32>,
        %broadcast_in_dim3A_213 = arith.constant true
        %broadcast_in_dim3A_214 = vector.broadcast %broadcast_in_dim3A_213 : i1 to vector<16xi1>
        %unique3A_215, %unique3A_216 = tpu.scan_count mask(%broadcast_in_dim3A_214 : vector<16xi1>) value(%get3A_212 : vector<16xi32>) : vector<16xi1>, vector<16xi32>
        tpu.vector_store_idx %arg6[%get3A_212], %unique3A_216 masked %unique3A_215 {add = true} : memref<10112xi32, #tpu.memory_space<vmem>>[vector<16xi32>], vector<16xi32>, vector<16xi1>
        %get3A_217 = arith.constant 416 : index
        %get3A_218 = tpu.vector_load %arg5[%get3A_217] {strides = array<i32>} : memref<768xi32, #tpu.memory_space<vmem>>, vector<16xi32>,
        %broadcast_in_dim3A_219 = arith.constant true
        %broadcast_in_dim3A_220 = vector.broadcast %broadcast_in_dim3A_219 : i1 to vector<16xi1>
        %unique3A_221, %unique3A_222 = tpu.scan_count mask(%broadcast_in_dim3A_220 : vector<16xi1>) value(%get3A_218 : vector<16xi32>) : vector<16xi1>, vector<16xi32>
        tpu.vector_store_idx %arg6[%get3A_218], %unique3A_222 masked %unique3A_221 {add = true} : memref<10112xi32, #tpu.memory_space<vmem>>[vector<16xi32>], vector<16xi32>, vector<16xi1>
        %get3A_223 = arith.constant 432 : index
        %get3A_224 = tpu.vector_load %arg5[%get3A_223] {strides = array<i32>} : memref<768xi32, #tpu.memory_space<vmem>>, vector<16xi32>,
        %broadcast_in_dim3A_225 = arith.constant true
        %broadcast_in_dim3A_226 = vector.broadcast %broadcast_in_dim3A_225 : i1 to vector<16xi1>
        %unique3A_227, %unique3A_228 = tpu.scan_count mask(%broadcast_in_dim3A_226 : vector<16xi1>) value(%get3A_224 : vector<16xi32>) : vector<16xi1>, vector<16xi32>
        tpu.vector_store_idx %arg6[%get3A_224], %unique3A_228 masked %unique3A_227 {add = true} : memref<10112xi32, #tpu.memory_space<vmem>>[vector<16xi32>], vector<16xi32>, vector<16xi1>
        %get3A_229 = arith.constant 448 : index
        %get3A_230 = tpu.vector_load %arg5[%get3A_229] {strides = array<i32>} : memref<768xi32, #tpu.memory_space<vmem>>, vector<16xi32>,
        %broadcast_in_dim3A_231 = arith.constant true
        %broadcast_in_dim3A_232 = vector.broadcast %broadcast_in_dim3A_231 : i1 to vector<16xi1>
        %unique3A_233, %unique3A_234 = tpu.scan_count mask(%broadcast_in_dim3A_232 : vector<16xi1>) value(%get3A_230 : vector<16xi32>) : vector<16xi1>, vector<16xi32>
        tpu.vector_store_idx %arg6[%get3A_230], %unique3A_234 masked %unique3A_233 {add = true} : memref<10112xi32, #tpu.memory_space<vmem>>[vector<16xi32>], vector<16xi32>, vector<16xi1>
        %get3A_235 = arith.constant 464 : index
        %get3A_236 = tpu.vector_load %arg5[%get3A_235] {strides = array<i32>} : memref<768xi32, #tpu.memory_space<vmem>>, vector<16xi32>,
        %broadcast_in_dim3A_237 = arith.constant true
        %broadcast_in_dim3A_238 = vector.broadcast %broadcast_in_dim3A_237 : i1 to vector<16xi1>
        %unique3A_239, %unique3A_240 = tpu.scan_count mask(%broadcast_in_dim3A_238 : vector<16xi1>) value(%get3A_236 : vector<16xi32>) : vector<16xi1>, vector<16xi32>
        tpu.vector_store_idx %arg6[%get3A_236], %unique3A_240 masked %unique3A_239 {add = true} : memref<10112xi32, #tpu.memory_space<vmem>>[vector<16xi32>], vector<16xi32>, vector<16xi1>
        %get3A_241 = arith.constant 480 : index
        %get3A_242 = tpu.vector_load %arg5[%get3A_241] {strides = array<i32>} : memref<768xi32, #tpu.memory_space<vmem>>, vector<16xi32>,
        %broadcast_in_dim3A_243 = arith.constant true
        %broadcast_in_dim3A_244 = vector.broadcast %broadcast_in_dim3A_243 : i1 to vector<16xi1>
        %unique3A_245, %unique3A_246 = tpu.scan_count mask(%broadcast_in_dim3A_244 : vector<16xi1>) value(%get3A_242 : vector<16xi32>) : vector<16xi1>, vector<16xi32>
        tpu.vector_store_idx %arg6[%get3A_242], %unique3A_246 masked %unique3A_245 {add = true} : memref<10112xi32, #tpu.memory_space<vmem>>[vector<16xi32>], vector<16xi32>, vector<16xi1>
        %get3A_247 = arith.constant 496 : index
        %get3A_248 = tpu.vector_load %arg5[%get3A_247] {strides = array<i32>} : memref<768xi32, #tpu.memory_space<vmem>>, vector<16xi32>,
        %broadcast_in_dim3A_249 = arith.constant true
        %broadcast_in_dim3A_250 = vector.broadcast %broadcast_in_dim3A_249 : i1 to vector<16xi1>
        %unique3A_251, %unique3A_252 = tpu.scan_count mask(%broadcast_in_dim3A_250 : vector<16xi1>) value(%get3A_248 : vector<16xi32>) : vector<16xi1>, vector<16xi32>
        tpu.vector_store_idx %arg6[%get3A_248], %unique3A_252 masked %unique3A_251 {add = true} : memref<10112xi32, #tpu.memory_space<vmem>>[vector<16xi32>], vector<16xi32>, vector<16xi1>
        %get3A_253 = arith.constant 512 : index
        %get3A_254 = tpu.vector_load %arg5[%get3A_253] {strides = array<i32>} : memref<768xi32, #tpu.memory_space<vmem>>, vector<16xi32>,
        %broadcast_in_dim3A_255 = arith.constant true
        %broadcast_in_dim3A_256 = vector.broadcast %broadcast_in_dim3A_255 : i1 to vector<16xi1>
        %unique3A_257, %unique3A_258 = tpu.scan_count mask(%broadcast_in_dim3A_256 : vector<16xi1>) value(%get3A_254 : vector<16xi32>) : vector<16xi1>, vector<16xi32>
        tpu.vector_store_idx %arg6[%get3A_254], %unique3A_258 masked %unique3A_257 {add = true} : memref<10112xi32, #tpu.memory_space<vmem>>[vector<16xi32>], vector<16xi32>, vector<16xi1>
        %get3A_259 = arith.constant 528 : index
        %get3A_260 = tpu.vector_load %arg5[%get3A_259] {strides = array<i32>} : memref<768xi32, #tpu.memory_space<vmem>>, vector<16xi32>,
        %broadcast_in_dim3A_261 = arith.constant true
        %broadcast_in_dim3A_262 = vector.broadcast %broadcast_in_dim3A_261 : i1 to vector<16xi1>
        %unique3A_263, %unique3A_264 = tpu.scan_count mask(%broadcast_in_dim3A_262 : vector<16xi1>) value(%get3A_260 : vector<16xi32>) : vector<16xi1>, vector<16xi32>
        tpu.vector_store_idx %arg6[%get3A_260], %unique3A_264 masked %unique3A_263 {add = true} : memref<10112xi32, #tpu.memory_space<vmem>>[vector<16xi32>], vector<16xi32>, vector<16xi1>
        %get3A_265 = arith.constant 544 : index
        %get3A_266 = tpu.vector_load %arg5[%get3A_265] {strides = array<i32>} : memref<768xi32, #tpu.memory_space<vmem>>, vector<16xi32>,
        %broadcast_in_dim3A_267 = arith.constant true
        %broadcast_in_dim3A_268 = vector.broadcast %broadcast_in_dim3A_267 : i1 to vector<16xi1>
        %unique3A_269, %unique3A_270 = tpu.scan_count mask(%broadcast_in_dim3A_268 : vector<16xi1>) value(%get3A_266 : vector<16xi32>) : vector<16xi1>, vector<16xi32>
        tpu.vector_store_idx %arg6[%get3A_266], %unique3A_270 masked %unique3A_269 {add = true} : memref<10112xi32, #tpu.memory_space<vmem>>[vector<16xi32>], vector<16xi32>, vector<16xi1>
        %get3A_271 = arith.constant 560 : index
        %get3A_272 = tpu.vector_load %arg5[%get3A_271] {strides = array<i32>} : memref<768xi32, #tpu.memory_space<vmem>>, vector<16xi32>,
        %broadcast_in_dim3A_273 = arith.constant true
        %broadcast_in_dim3A_274 = vector.broadcast %broadcast_in_dim3A_273 : i1 to vector<16xi1>
        %unique3A_275, %unique3A_276 = tpu.scan_count mask(%broadcast_in_dim3A_274 : vector<16xi1>) value(%get3A_272 : vector<16xi32>) : vector<16xi1>, vector<16xi32>
        tpu.vector_store_idx %arg6[%get3A_272], %unique3A_276 masked %unique3A_275 {add = true} : memref<10112xi32, #tpu.memory_space<vmem>>[vector<16xi32>], vector<16xi32>, vector<16xi1>
        %get3A_277 = arith.constant 576 : index
        %get3A_278 = tpu.vector_load %arg5[%get3A_277] {strides = array<i32>} : memref<768xi32, #tpu.memory_space<vmem>>, vector<16xi32>,
        %broadcast_in_dim3A_279 = arith.constant true
        %broadcast_in_dim3A_280 = vector.broadcast %broadcast_in_dim3A_279 : i1 to vector<16xi1>
        %unique3A_281, %unique3A_282 = tpu.scan_count mask(%broadcast_in_dim3A_280 : vector<16xi1>) value(%get3A_278 : vector<16xi32>) : vector<16xi1>, vector<16xi32>
        tpu.vector_store_idx %arg6[%get3A_278], %unique3A_282 masked %unique3A_281 {add = true} : memref<10112xi32, #tpu.memory_space<vmem>>[vector<16xi32>], vector<16xi32>, vector<16xi1>
        %get3A_283 = arith.constant 592 : index
        %get3A_284 = tpu.vector_load %arg5[%get3A_283] {strides = array<i32>} : memref<768xi32, #tpu.memory_space<vmem>>, vector<16xi32>,
        %broadcast_in_dim3A_285 = arith.constant true
        %broadcast_in_dim3A_286 = vector.broadcast %broadcast_in_dim3A_285 : i1 to vector<16xi1>
        %unique3A_287, %unique3A_288 = tpu.scan_count mask(%broadcast_in_dim3A_286 : vector<16xi1>) value(%get3A_284 : vector<16xi32>) : vector<16xi1>, vector<16xi32>
        tpu.vector_store_idx %arg6[%get3A_284], %unique3A_288 masked %unique3A_287 {add = true} : memref<10112xi32, #tpu.memory_space<vmem>>[vector<16xi32>], vector<16xi32>, vector<16xi1>
        %get3A_289 = arith.constant 608 : index
        %get3A_290 = tpu.vector_load %arg5[%get3A_289] {strides = array<i32>} : memref<768xi32, #tpu.memory_space<vmem>>, vector<16xi32>,
        %broadcast_in_dim3A_291 = arith.constant true
        %broadcast_in_dim3A_292 = vector.broadcast %broadcast_in_dim3A_291 : i1 to vector<16xi1>
        %unique3A_293, %unique3A_294 = tpu.scan_count mask(%broadcast_in_dim3A_292 : vector<16xi1>) value(%get3A_290 : vector<16xi32>) : vector<16xi1>, vector<16xi32>
        tpu.vector_store_idx %arg6[%get3A_290], %unique3A_294 masked %unique3A_293 {add = true} : memref<10112xi32, #tpu.memory_space<vmem>>[vector<16xi32>], vector<16xi32>, vector<16xi1>
        %get3A_295 = arith.constant 624 : index
        %get3A_296 = tpu.vector_load %arg5[%get3A_295] {strides = array<i32>} : memref<768xi32, #tpu.memory_space<vmem>>, vector<16xi32>,
        %broadcast_in_dim3A_297 = arith.constant true
        %broadcast_in_dim3A_298 = vector.broadcast %broadcast_in_dim3A_297 : i1 to vector<16xi1>
        %unique3A_299, %unique3A_300 = tpu.scan_count mask(%broadcast_in_dim3A_298 : vector<16xi1>) value(%get3A_296 : vector<16xi32>) : vector<16xi1>, vector<16xi32>
        tpu.vector_store_idx %arg6[%get3A_296], %unique3A_300 masked %unique3A_299 {add = true} : memref<10112xi32, #tpu.memory_space<vmem>>[vector<16xi32>], vector<16xi32>, vector<16xi1>
        %get3A_301 = arith.constant 640 : index
        %get3A_302 = tpu.vector_load %arg5[%get3A_301] {strides = array<i32>} : memref<768xi32, #tpu.memory_space<vmem>>, vector<16xi32>,
        %broadcast_in_dim3A_303 = arith.constant true
        %broadcast_in_dim3A_304 = vector.broadcast %broadcast_in_dim3A_303 : i1 to vector<16xi1>
        %unique3A_305, %unique3A_306 = tpu.scan_count mask(%broadcast_in_dim3A_304 : vector<16xi1>) value(%get3A_302 : vector<16xi32>) : vector<16xi1>, vector<16xi32>
        tpu.vector_store_idx %arg6[%get3A_302], %unique3A_306 masked %unique3A_305 {add = true} : memref<10112xi32, #tpu.memory_space<vmem>>[vector<16xi32>], vector<16xi32>, vector<16xi1>
        %get3A_307 = arith.constant 656 : index
        %get3A_308 = tpu.vector_load %arg5[%get3A_307] {strides = array<i32>} : memref<768xi32, #tpu.memory_space<vmem>>, vector<16xi32>,
        %broadcast_in_dim3A_309 = arith.constant true
        %broadcast_in_dim3A_310 = vector.broadcast %broadcast_in_dim3A_309 : i1 to vector<16xi1>
        %unique3A_311, %unique3A_312 = tpu.scan_count mask(%broadcast_in_dim3A_310 : vector<16xi1>) value(%get3A_308 : vector<16xi32>) : vector<16xi1>, vector<16xi32>
        tpu.vector_store_idx %arg6[%get3A_308], %unique3A_312 masked %unique3A_311 {add = true} : memref<10112xi32, #tpu.memory_space<vmem>>[vector<16xi32>], vector<16xi32>, vector<16xi1>
        %get3A_313 = arith.constant 672 : index
        %get3A_314 = tpu.vector_load %arg5[%get3A_313] {strides = array<i32>} : memref<768xi32, #tpu.memory_space<vmem>>, vector<16xi32>,
        %broadcast_in_dim3A_315 = arith.constant true
        %broadcast_in_dim3A_316 = vector.broadcast %broadcast_in_dim3A_315 : i1 to vector<16xi1>
        %unique3A_317, %unique3A_318 = tpu.scan_count mask(%broadcast_in_dim3A_316 : vector<16xi1>) value(%get3A_314 : vector<16xi32>) : vector<16xi1>, vector<16xi32>
        tpu.vector_store_idx %arg6[%get3A_314], %unique3A_318 masked %unique3A_317 {add = true} : memref<10112xi32, #tpu.memory_space<vmem>>[vector<16xi32>], vector<16xi32>, vector<16xi1>
        %get3A_319 = arith.constant 688 : index
        %get3A_320 = tpu.vector_load %arg5[%get3A_319] {strides = array<i32>} : memref<768xi32, #tpu.memory_space<vmem>>, vector<16xi32>,
        %broadcast_in_dim3A_321 = arith.constant true
        %broadcast_in_dim3A_322 = vector.broadcast %broadcast_in_dim3A_321 : i1 to vector<16xi1>
        %unique3A_323, %unique3A_324 = tpu.scan_count mask(%broadcast_in_dim3A_322 : vector<16xi1>) value(%get3A_320 : vector<16xi32>) : vector<16xi1>, vector<16xi32>
        tpu.vector_store_idx %arg6[%get3A_320], %unique3A_324 masked %unique3A_323 {add = true} : memref<10112xi32, #tpu.memory_space<vmem>>[vector<16xi32>], vector<16xi32>, vector<16xi1>
        %get3A_325 = arith.constant 704 : index
        %get3A_326 = tpu.vector_load %arg5[%get3A_325] {strides = array<i32>} : memref<768xi32, #tpu.memory_space<vmem>>, vector<16xi32>,
        %broadcast_in_dim3A_327 = arith.constant true
        %broadcast_in_dim3A_328 = vector.broadcast %broadcast_in_dim3A_327 : i1 to vector<16xi1>
        %unique3A_329, %unique3A_330 = tpu.scan_count mask(%broadcast_in_dim3A_328 : vector<16xi1>) value(%get3A_326 : vector<16xi32>) : vector<16xi1>, vector<16xi32>
        tpu.vector_store_idx %arg6[%get3A_326], %unique3A_330 masked %unique3A_329 {add = true} : memref<10112xi32, #tpu.memory_space<vmem>>[vector<16xi32>], vector<16xi32>, vector<16xi1>
        %get3A_331 = arith.constant 720 : index
        %get3A_332 = tpu.vector_load %arg5[%get3A_331] {strides = array<i32>} : memref<768xi32, #tpu.memory_space<vmem>>, vector<16xi32>,
        %broadcast_in_dim3A_333 = arith.constant true
        %broadcast_in_dim3A_334 = vector.broadcast %broadcast_in_dim3A_333 : i1 to vector<16xi1>
        %unique3A_335, %unique3A_336 = tpu.scan_count mask(%broadcast_in_dim3A_334 : vector<16xi1>) value(%get3A_332 : vector<16xi32>) : vector<16xi1>, vector<16xi32>
        tpu.vector_store_idx %arg6[%get3A_332], %unique3A_336 masked %unique3A_335 {add = true} : memref<10112xi32, #tpu.memory_space<vmem>>[vector<16xi32>], vector<16xi32>, vector<16xi1>
        %get3A_337 = arith.constant 736 : index
        %get3A_338 = tpu.vector_load %arg5[%get3A_337] {strides = array<i32>} : memref<768xi32, #tpu.memory_space<vmem>>, vector<16xi32>,
        %broadcast_in_dim3A_339 = arith.constant true
        %broadcast_in_dim3A_340 = vector.broadcast %broadcast_in_dim3A_339 : i1 to vector<16xi1>
        %unique3A_341, %unique3A_342 = tpu.scan_count mask(%broadcast_in_dim3A_340 : vector<16xi1>) value(%get3A_338 : vector<16xi32>) : vector<16xi1>, vector<16xi32>
        tpu.vector_store_idx %arg6[%get3A_338], %unique3A_342 masked %unique3A_341 {add = true} : memref<10112xi32, #tpu.memory_space<vmem>>[vector<16xi32>], vector<16xi32>, vector<16xi1>
        %get3A_343 = arith.constant 752 : index
        %get3A_344 = tpu.vector_load %arg5[%get3A_343] {strides = array<i32>} : memref<768xi32, #tpu.memory_space<vmem>>, vector<16xi32>,
        %broadcast_in_dim3A_345 = arith.constant true
        %broadcast_in_dim3A_346 = vector.broadcast %broadcast_in_dim3A_345 : i1 to vector<16xi1>
        %unique3A_347, %unique3A_348 = tpu.scan_count mask(%broadcast_in_dim3A_346 : vector<16xi1>) value(%get3A_344 : vector<16xi32>) : vector<16xi1>, vector<16xi32>
        tpu.vector_store_idx %arg6[%get3A_344], %unique3A_348 masked %unique3A_347 {add = true} : memref<10112xi32, #tpu.memory_space<vmem>>[vector<16xi32>], vector<16xi32>, vector<16xi1>
      } else {
      }
    }
    %scan3A_20 = arith.constant 7 : i32
    %lt3A = arith.constant 4 : i32
    %lt3A_21 = arith.cmpi slt, %add3A, %lt3A : i32
    %convert_element_type3A = arith.extui %lt3A_21 : i1 to i32
    %cond3A = arith.constant 0 : i32
    %cond3A_22 = arith.cmpi ne, %convert_element_type3A, %cond3A : i32
    scf.if %cond3A_22 {
      %add3A_23 = arith.constant 2496 : i32
      %add3A_24 = arith.addi %add3A_23, %add3A : i32
      %mul3A_25 = arith.constant 128 : i32
      %mul3A_26 = arith.muli %add3A_24, %mul3A_25 : i32
      %multiple_of3A_27 = tpu.assume_multiple %mul3A_26, 128 : i32
      %run_scoped3A = arith.constant 1 : i32
      "tpu.region"() ({
        %run_scoped3A_74 = tpu.sem_alloc : memref<!tpu.dma_semaphore, #tpu.memory_space<semaphore_mem>>
        %dma_start3A_75 = arith.constant 0 : i32
        %dma_start3A_76 = tpu.memref_slice %arg4[%dma_start3A_75] : memref<768xi32, #tpu.memory_space<vmem>> -> memref<128xi32, #tpu.memory_space<vmem>>
        %dma_start3A_77 = tpu.memref_slice %arg2[%run_scoped3A, %multiple_of3A_27] : memref<2x320000xi32, #tpu.memory_space<hbm>> -> memref<1x128xi32, #tpu.memory_space<hbm>>
        %dma_start3A_78 = tpu.memref_squeeze %dma_start3A_77 : memref<1x128xi32, #tpu.memory_space<hbm>> -> memref<128xi32, #tpu.memory_space<hbm>>
        %dma_start3A_79 = arith.constant 0 : i32
        %dma_start3A_80 = tpu.memref_slice %arg4[%dma_start3A_79] : memref<768xi32, #tpu.memory_space<vmem>> -> memref<128xi32, #tpu.memory_space<vmem>>
        %dma_start3A_81 = tpu.memref_slice %arg2[%run_scoped3A, %multiple_of3A_27] : memref<2x320000xi32, #tpu.memory_space<hbm>> -> memref<1x128xi32, #tpu.memory_space<hbm>>
        %dma_start3A_82 = tpu.memref_squeeze %dma_start3A_81 : memref<1x128xi32, #tpu.memory_space<hbm>> -> memref<128xi32, #tpu.memory_space<hbm>>
        tpu.enqueue_dma source(%dma_start3A_82 : memref<128xi32, #tpu.memory_space<hbm>>) target(%dma_start3A_80 : memref<128xi32, #tpu.memory_space<vmem>>) target_semaphore(%run_scoped3A_74 : memref<!tpu.dma_semaphore, #tpu.memory_space<semaphore_mem>>)
        %dma_wait3A = arith.constant 0 : i32
        %dma_wait3A_83 = tpu.memref_slice %arg4[%dma_wait3A] : memref<768xi32, #tpu.memory_space<vmem>> -> memref<128xi32, #tpu.memory_space<vmem>>
        %dma_wait3A_84 = tpu.memref_slice %arg2[%run_scoped3A, %multiple_of3A_27] : memref<2x320000xi32, #tpu.memory_space<hbm>> -> memref<1x128xi32, #tpu.memory_space<hbm>>
        %dma_wait3A_85 = tpu.memref_squeeze %dma_wait3A_84 : memref<1x128xi32, #tpu.memory_space<hbm>> -> memref<128xi32, #tpu.memory_space<hbm>>
        %dma_wait3A_86 = arith.constant 0 : i32
        %dma_wait3A_87 = tpu.memref_slice %arg4[%dma_wait3A_86] : memref<768xi32, #tpu.memory_space<vmem>> -> memref<128xi32, #tpu.memory_space<vmem>>
        %dma_wait3A_88 = tpu.memref_slice %arg2[%run_scoped3A, %multiple_of3A_27] : memref<2x320000xi32, #tpu.memory_space<hbm>> -> memref<1x128xi32, #tpu.memory_space<hbm>>
        %dma_wait3A_89 = tpu.memref_squeeze %dma_wait3A_88 : memref<1x128xi32, #tpu.memory_space<hbm>> -> memref<128xi32, #tpu.memory_space<hbm>>
        tpu.wait_dma2 semaphore(%run_scoped3A_74 : memref<!tpu.dma_semaphore, #tpu.memory_space<semaphore_mem>>) src(%dma_wait3A_89 : memref<128xi32, #tpu.memory_space<hbm>>) dst(%dma_wait3A_87 : memref<128xi32, #tpu.memory_space<vmem>>)
        tpu.yield
      }) : () -> ()
      %get3A = arith.constant 0 : index
      %get3A_28 = tpu.vector_load %arg4[%get3A] {strides = array<i32>} : memref<768xi32, #tpu.memory_space<vmem>>, vector<16xi32>,
      %broadcast_in_dim3A_29 = arith.constant true
      %broadcast_in_dim3A_30 = vector.broadcast %broadcast_in_dim3A_29 : i1 to vector<16xi1>
      %unique3A, %unique3A_31 = tpu.scan_count mask(%broadcast_in_dim3A_30 : vector<16xi1>) value(%get3A_28 : vector<16xi32>) : vector<16xi1>, vector<16xi32>
      tpu.vector_store_idx %arg6[%get3A_28], %unique3A_31 masked %unique3A {add = true} : memref<10112xi32, #tpu.memory_space<vmem>>[vector<16xi32>], vector<16xi32>, vector<16xi1>
      %get3A_32 = arith.constant 16 : index
      %get3A_33 = tpu.vector_load %arg4[%get3A_32] {strides = array<i32>} : memref<768xi32, #tpu.memory_space<vmem>>, vector<16xi32>,
      %broadcast_in_dim3A_34 = arith.constant true
      %broadcast_in_dim3A_35 = vector.broadcast %broadcast_in_dim3A_34 : i1 to vector<16xi1>
      %unique3A_36, %unique3A_37 = tpu.scan_count mask(%broadcast_in_dim3A_35 : vector<16xi1>) value(%get3A_33 : vector<16xi32>) : vector<16xi1>, vector<16xi32>
      tpu.vector_store_idx %arg6[%get3A_33], %unique3A_37 masked %unique3A_36 {add = true} : memref<10112xi32, #tpu.memory_space<vmem>>[vector<16xi32>], vector<16xi32>, vector<16xi1>
      %get3A_38 = arith.constant 32 : index
      %get3A_39 = tpu.vector_load %arg4[%get3A_38] {strides = array<i32>} : memref<768xi32, #tpu.memory_space<vmem>>, vector<16xi32>,
      %broadcast_in_dim3A_40 = arith.constant true
      %broadcast_in_dim3A_41 = vector.broadcast %broadcast_in_dim3A_40 : i1 to vector<16xi1>
      %unique3A_42, %unique3A_43 = tpu.scan_count mask(%broadcast_in_dim3A_41 : vector<16xi1>) value(%get3A_39 : vector<16xi32>) : vector<16xi1>, vector<16xi32>
      tpu.vector_store_idx %arg6[%get3A_39], %unique3A_43 masked %unique3A_42 {add = true} : memref<10112xi32, #tpu.memory_space<vmem>>[vector<16xi32>], vector<16xi32>, vector<16xi1>
      %get3A_44 = arith.constant 48 : index
      %get3A_45 = tpu.vector_load %arg4[%get3A_44] {strides = array<i32>} : memref<768xi32, #tpu.memory_space<vmem>>, vector<16xi32>,
      %broadcast_in_dim3A_46 = arith.constant true
      %broadcast_in_dim3A_47 = vector.broadcast %broadcast_in_dim3A_46 : i1 to vector<16xi1>
      %unique3A_48, %unique3A_49 = tpu.scan_count mask(%broadcast_in_dim3A_47 : vector<16xi1>) value(%get3A_45 : vector<16xi32>) : vector<16xi1>, vector<16xi32>
      tpu.vector_store_idx %arg6[%get3A_45], %unique3A_49 masked %unique3A_48 {add = true} : memref<10112xi32, #tpu.memory_space<vmem>>[vector<16xi32>], vector<16xi32>, vector<16xi1>
      %get3A_50 = arith.constant 64 : index
      %get3A_51 = tpu.vector_load %arg4[%get3A_50] {strides = array<i32>} : memref<768xi32, #tpu.memory_space<vmem>>, vector<16xi32>,
      %broadcast_in_dim3A_52 = arith.constant true
      %broadcast_in_dim3A_53 = vector.broadcast %broadcast_in_dim3A_52 : i1 to vector<16xi1>
      %unique3A_54, %unique3A_55 = tpu.scan_count mask(%broadcast_in_dim3A_53 : vector<16xi1>) value(%get3A_51 : vector<16xi32>) : vector<16xi1>, vector<16xi32>
      tpu.vector_store_idx %arg6[%get3A_51], %unique3A_55 masked %unique3A_54 {add = true} : memref<10112xi32, #tpu.memory_space<vmem>>[vector<16xi32>], vector<16xi32>, vector<16xi1>
      %get3A_56 = arith.constant 80 : index
      %get3A_57 = tpu.vector_load %arg4[%get3A_56] {strides = array<i32>} : memref<768xi32, #tpu.memory_space<vmem>>, vector<16xi32>,
      %broadcast_in_dim3A_58 = arith.constant true
      %broadcast_in_dim3A_59 = vector.broadcast %broadcast_in_dim3A_58 : i1 to vector<16xi1>
      %unique3A_60, %unique3A_61 = tpu.scan_count mask(%broadcast_in_dim3A_59 : vector<16xi1>) value(%get3A_57 : vector<16xi32>) : vector<16xi1>, vector<16xi32>
      tpu.vector_store_idx %arg6[%get3A_57], %unique3A_61 masked %unique3A_60 {add = true} : memref<10112xi32, #tpu.memory_space<vmem>>[vector<16xi32>], vector<16xi32>, vector<16xi1>
      %get3A_62 = arith.constant 96 : index
      %get3A_63 = tpu.vector_load %arg4[%get3A_62] {strides = array<i32>} : memref<768xi32, #tpu.memory_space<vmem>>, vector<16xi32>,
      %broadcast_in_dim3A_64 = arith.constant true
      %broadcast_in_dim3A_65 = vector.broadcast %broadcast_in_dim3A_64 : i1 to vector<16xi1>
      %unique3A_66, %unique3A_67 = tpu.scan_count mask(%broadcast_in_dim3A_65 : vector<16xi1>) value(%get3A_63 : vector<16xi32>) : vector<16xi1>, vector<16xi32>
      tpu.vector_store_idx %arg6[%get3A_63], %unique3A_67 masked %unique3A_66 {add = true} : memref<10112xi32, #tpu.memory_space<vmem>>[vector<16xi32>], vector<16xi32>, vector<16xi1>
      %get3A_68 = arith.constant 112 : index
      %get3A_69 = tpu.vector_load %arg4[%get3A_68] {strides = array<i32>} : memref<768xi32, #tpu.memory_space<vmem>>, vector<16xi32>,
      %broadcast_in_dim3A_70 = arith.constant true
      %broadcast_in_dim3A_71 = vector.broadcast %broadcast_in_dim3A_70 : i1 to vector<16xi1>
      %unique3A_72, %unique3A_73 = tpu.scan_count mask(%broadcast_in_dim3A_71 : vector<16xi1>) value(%get3A_69 : vector<16xi32>) : vector<16xi1>, vector<16xi32>
      tpu.vector_store_idx %arg6[%get3A_69], %unique3A_73 masked %unique3A_72 {add = true} : memref<10112xi32, #tpu.memory_space<vmem>>[vector<16xi32>], vector<16xi32>, vector<16xi1>
    } else {
    }
    "tpu.region"() ({
      %run_scoped3A = tpu.sem_alloc : memref<!tpu.dma_semaphore, #tpu.memory_space<semaphore_mem>>
      %dma_start3A_23 = arith.constant 0 : i32
      %dma_start3A_24 = tpu.memref_slice %arg3[%add3A, %dma_start3A_23] : memref<32x10112xi32, #tpu.memory_space<hbm>> -> memref<1x10112xi32, #tpu.memory_space<hbm>>
      %dma_start3A_25 = tpu.memref_squeeze %dma_start3A_24 : memref<1x10112xi32, #tpu.memory_space<hbm>> -> memref<10112xi32, #tpu.memory_space<hbm>>
      %dma_start3A_26 = arith.constant 0 : i32
      %dma_start3A_27 = tpu.memref_slice %arg3[%add3A, %dma_start3A_26] : memref<32x10112xi32, #tpu.memory_space<hbm>> -> memref<1x10112xi32, #tpu.memory_space<hbm>>
      %dma_start3A_28 = tpu.memref_squeeze %dma_start3A_27 : memref<1x10112xi32, #tpu.memory_space<hbm>> -> memref<10112xi32, #tpu.memory_space<hbm>>
      tpu.enqueue_dma source(%arg6 : memref<10112xi32, #tpu.memory_space<vmem>>) target(%dma_start3A_28 : memref<10112xi32, #tpu.memory_space<hbm>>) target_semaphore(%run_scoped3A : memref<!tpu.dma_semaphore, #tpu.memory_space<semaphore_mem>>)
      %dma_wait3A = arith.constant 0 : i32
      %dma_wait3A_29 = tpu.memref_slice %arg3[%add3A, %dma_wait3A] : memref<32x10112xi32, #tpu.memory_space<hbm>> -> memref<1x10112xi32, #tpu.memory_space<hbm>>
      %dma_wait3A_30 = tpu.memref_squeeze %dma_wait3A_29 : memref<1x10112xi32, #tpu.memory_space<hbm>> -> memref<10112xi32, #tpu.memory_space<hbm>>
      %dma_wait3A_31 = arith.constant 0 : i32
      %dma_wait3A_32 = tpu.memref_slice %arg3[%add3A, %dma_wait3A_31] : memref<32x10112xi32, #tpu.memory_space<hbm>> -> memref<1x10112xi32, #tpu.memory_space<hbm>>
      %dma_wait3A_33 = tpu.memref_squeeze %dma_wait3A_32 : memref<1x10112xi32, #tpu.memory_space<hbm>> -> memref<10112xi32, #tpu.memory_space<hbm>>
      tpu.wait_dma2 semaphore(%run_scoped3A : memref<!tpu.dma_semaphore, #tpu.memory_space<semaphore_mem>>) src(%arg6 : memref<10112xi32, #tpu.memory_space<vmem>>) dst(%dma_wait3A_33 : memref<10112xi32, #tpu.memory_space<hbm>>)
      tpu.yield
    }) : () -> ()
    return
  }
}

#map = affine_map<(d0, d1) -> (0, 0)>
#map1 = affine_map<(d0, d1) -> (0, 0, 0)>
module attributes {stable_mosaic.version = 14 : i64} {
  func.func @agg(%arg0: i32, %arg1: i32, %arg2: memref<10000x128xf32, #tpu.memory_space<hbm>>, %arg3: memref<2x320000xi32, #tpu.memory_space<hbm>>, %arg4: memref<2x10000x128xf32, #tpu.memory_space<hbm>>, %arg5: memref<128xi32, #tpu.memory_space<vmem>>, %arg6: memref<128xi32, #tpu.memory_space<vmem>>, %arg7: memref<128xi32, #tpu.memory_space<vmem>>, %arg8: memref<128xi32, #tpu.memory_space<vmem>>, %arg9: memref<128xi32, #tpu.memory_space<vmem>>, %arg10: memref<128xi32, #tpu.memory_space<vmem>>, %arg11: memref<128xi32, #tpu.memory_space<vmem>>, %arg12: memref<128xi32, #tpu.memory_space<vmem>>, %arg13: memref<128xi32, #tpu.memory_space<vmem>>, %arg14: memref<128xi32, #tpu.memory_space<vmem>>, %arg15: memref<128xi32, #tpu.memory_space<vmem>>, %arg16: memref<128xi32, #tpu.memory_space<vmem>>, %arg17: memref<128x128xf32, #tpu.memory_space<vmem>>, %arg18: memref<128x128xf32, #tpu.memory_space<vmem>>, %arg19: memref<128x128xf32, #tpu.memory_space<vmem>>, %arg20: memref<10000x128xf32, #tpu.memory_space<vmem_shared>>, %arg21: memref<!tpu.dma_semaphore, #tpu.memory_space<semaphore_mem>>, %arg22: memref<!tpu.dma_semaphore, #tpu.memory_space<semaphore_mem>>, %arg23: memref<!tpu.dma_semaphore, #tpu.memory_space<semaphore_mem>>, %arg24: memref<!tpu.dma_semaphore, #tpu.memory_space<semaphore_mem>>, %arg25: memref<!tpu.dma_semaphore, #tpu.memory_space<semaphore_mem>>, %arg26: memref<!tpu.dma_semaphore, #tpu.memory_space<semaphore_mem>>, %arg27: memref<!tpu.dma_semaphore, #tpu.memory_space<semaphore_mem>>, %arg28: memref<!tpu.dma_semaphore, #tpu.memory_space<semaphore_mem>>, %arg29: memref<!tpu.dma_semaphore, #tpu.memory_space<semaphore_mem>>, %arg30: memref<!tpu.dma_semaphore, #tpu.memory_space<semaphore_mem>>, %arg31: memref<!tpu.dma_semaphore, #tpu.memory_space<semaphore_mem>>, %arg32: memref<!tpu.dma_semaphore, #tpu.memory_space<semaphore_mem>>, %arg33: memref<!tpu.dma_semaphore, #tpu.memory_space<semaphore_mem>>, %arg34: memref<!tpu.dma_semaphore, #tpu.memory_space<semaphore_mem>>, %arg35: memref<!tpu.dma_semaphore, #tpu.memory_space<semaphore_mem>>, %arg36: memref<!tpu.dma_semaphore, #tpu.memory_space<semaphore_mem>>, %arg37: memref<!tpu.dma_semaphore, #tpu.memory_space<semaphore_mem>>, %arg38: memref<!tpu.dma_semaphore, #tpu.memory_space<semaphore_mem>>) attributes {dimension_semantics = [#tpu.dimension_semantics<core_parallel>, #tpu.dimension_semantics<subcore_parallel>], iteration_bounds = array<i64: 2, 16>, scalar_prefetch = 0 : i64, scratch_operands = 34 : i64, tpu.core_type = #tpu.core_type<sc_vector_subcore>, window_params = [{transform_indices = #map}, {transform_indices = #map}, {transform_indices = #map1}]} {
    %mul3A = arith.constant 2 : i32
    %mul3A_0 = arith.muli %arg1, %mul3A : i32
    %add3A = arith.addi %mul3A_0, %arg0 : i32
    %sub3A = arith.constant 2500 : i32
    %sub3A_1 = arith.subi %sub3A, %add3A : i32
    %add3A_2 = arith.constant 32 : i32
    %add3A_3 = arith.addi %sub3A_1, %add3A_2 : i32
    %sub3A_4 = arith.constant 1 : i32
    %sub3A_5 = arith.subi %add3A_3, %sub3A_4 : i32
    %jit3A = arith.constant 32 : i32
    %div3A = arith.divsi %sub3A_5, %jit3A : i32
    %sign3A = arith.constant 0 : i32
    %sign3A_6 = arith.cmpi sgt, %sub3A_5, %sign3A : i32
    %sign3A_7 = arith.extui %sign3A_6 : i1 to i32
    %sign3A_8 = arith.constant 0 : i32
    %sign3A_9 = arith.cmpi slt, %sub3A_5, %sign3A_8 : i32
    %sign3A_10 = arith.extui %sign3A_9 : i1 to i32
    %sign3A_11 = arith.subi %sign3A_7, %sign3A_10 : i32
    %sign3A_12 = arith.constant 0 : i32
    %sign3A_13 = arith.cmpi sgt, %jit3A, %sign3A_12 : i32
    %sign3A_14 = arith.extui %sign3A_13 : i1 to i32
    %sign3A_15 = arith.constant 0 : i32
    %sign3A_16 = arith.cmpi slt, %jit3A, %sign3A_15 : i32
    %sign3A_17 = arith.extui %sign3A_16 : i1 to i32
    %sign3A_18 = arith.subi %sign3A_14, %sign3A_17 : i32
    %ne3A = arith.cmpi ne, %sign3A_11, %sign3A_18 : i32
    %rem3A = arith.remsi %sub3A_5, %jit3A : i32
    %ne3A_19 = arith.constant 0 : i32
    %ne3A_20 = arith.cmpi ne, %rem3A, %ne3A_19 : i32
    %and3A = arith.andi %ne3A, %ne3A_20 : i1
    %sub3A_21 = arith.constant 1 : i32
    %sub3A_22 = arith.subi %div3A, %sub3A_21 : i32
    %select_n3A = arith.select %and3A, %sub3A_22, %div3A : i32
    %broadcast_in_dim3A = arith.constant 0.000000e+00 : f32
    %broadcast_in_dim3A_23 = vector.broadcast %broadcast_in_dim3A : f32 to vector<16xf32>
    %scan3A = arith.constant 0 : i32
    %scan3A_24 = arith.constant 128 : i32
    %scan3A_25 = arith.addi %scan3A, %scan3A_24 : i32
    %scan3A_26 = arith.constant 1 : i32
    scf.for %scan3A_105 = %scan3A to %scan3A_25 step %scan3A_26  : i32 {
      %mul3A_106 = arith.constant 1 : i32
      %mul3A_107 = arith.muli %scan3A_105, %mul3A_106 : i32
      %add3A_108 = arith.constant 0 : i32
      %add3A_109 = arith.addi %add3A_108, %mul3A_107 : i32
      %scan3A_110 = arith.constant 0 : i32
      %scan3A_111 = arith.constant 8 : i32
      %scan3A_112 = arith.addi %scan3A_110, %scan3A_111 : i32
      %scan3A_113 = arith.constant 1 : i32
      scf.for %scan3A_115 = %scan3A_110 to %scan3A_112 step %scan3A_113  : i32 {
        %mul3A_116 = arith.constant 1 : i32
        %mul3A_117 = arith.muli %scan3A_115, %mul3A_116 : i32
        %add3A_118 = arith.constant 0 : i32
        %add3A_119 = arith.addi %add3A_118, %mul3A_117 : i32
        %mul3A_120 = arith.constant 16 : i32
        %mul3A_121 = arith.muli %add3A_119, %mul3A_120 : i32
        %swap3A = arith.index_cast %add3A_109 : i32 to index
        %swap3A_122 = arith.index_cast %mul3A_121 : i32 to index
        %swap3A_123 = tpu.vector_load %arg17[%swap3A, %swap3A_122] {strides = array<i32>} : memref<128x128xf32, #tpu.memory_space<vmem>>, vector<16xf32>,
        tpu.vector_store %arg17[%swap3A, %swap3A_122], %broadcast_in_dim3A_23 {strides = array<i32>} : memref<128x128xf32, #tpu.memory_space<vmem>>, vector<16xf32>,
      }
      %scan3A_114 = arith.constant 8 : i32
    }
    %scan3A_27 = arith.constant 128 : i32
    %mul3A_28 = arith.constant 624 : i32
    %mul3A_29 = arith.muli %arg1, %mul3A_28 : i32
    %add3A_30 = arith.constant 0 : i32
    %add3A_31 = arith.addi %mul3A_29, %add3A_30 : i32
    "tpu.region"() ({
      %run_scoped3A = tpu.sem_alloc : memref<!tpu.dma_semaphore, #tpu.memory_space<semaphore_mem>>
      %dma_start3A_105 = arith.constant 0 : i32
      %dma_start3A_106 = tpu.memref_slice %arg20[%add3A_31, %dma_start3A_105] : memref<10000x128xf32, #tpu.memory_space<vmem_shared>> -> memref<128x128xf32, #tpu.memory_space<vmem_shared>>
      %dma_start3A_107 = arith.constant 0 : i32
      %dma_start3A_108 = tpu.memref_slice %arg20[%add3A_31, %dma_start3A_107] : memref<10000x128xf32, #tpu.memory_space<vmem_shared>> -> memref<128x128xf32, #tpu.memory_space<vmem_shared>>
      tpu.enqueue_dma source(%arg17 : memref<128x128xf32, #tpu.memory_space<vmem>>) target(%dma_start3A_108 : memref<128x128xf32, #tpu.memory_space<vmem_shared>>) target_semaphore(%run_scoped3A : memref<!tpu.dma_semaphore, #tpu.memory_space<semaphore_mem>>)
      %dma_wait3A = arith.constant 0 : i32
      %dma_wait3A_109 = tpu.memref_slice %arg20[%add3A_31, %dma_wait3A] : memref<10000x128xf32, #tpu.memory_space<vmem_shared>> -> memref<128x128xf32, #tpu.memory_space<vmem_shared>>
      %dma_wait3A_110 = arith.constant 0 : i32
      %dma_wait3A_111 = tpu.memref_slice %arg20[%add3A_31, %dma_wait3A_110] : memref<10000x128xf32, #tpu.memory_space<vmem_shared>> -> memref<128x128xf32, #tpu.memory_space<vmem_shared>>
      tpu.wait_dma2 semaphore(%run_scoped3A : memref<!tpu.dma_semaphore, #tpu.memory_space<semaphore_mem>>) src(%arg17 : memref<128x128xf32, #tpu.memory_space<vmem>>) dst(%dma_wait3A_111 : memref<128x128xf32, #tpu.memory_space<vmem_shared>>)
      tpu.yield
    }) : () -> ()
    %mul3A_32 = arith.constant 624 : i32
    %mul3A_33 = arith.muli %arg1, %mul3A_32 : i32
    %add3A_34 = arith.constant 128 : i32
    %add3A_35 = arith.addi %mul3A_33, %add3A_34 : i32
    "tpu.region"() ({
      %run_scoped3A = tpu.sem_alloc : memref<!tpu.dma_semaphore, #tpu.memory_space<semaphore_mem>>
      %dma_start3A_105 = arith.constant 0 : i32
      %dma_start3A_106 = tpu.memref_slice %arg20[%add3A_35, %dma_start3A_105] : memref<10000x128xf32, #tpu.memory_space<vmem_shared>> -> memref<128x128xf32, #tpu.memory_space<vmem_shared>>
      %dma_start3A_107 = arith.constant 0 : i32
      %dma_start3A_108 = tpu.memref_slice %arg20[%add3A_35, %dma_start3A_107] : memref<10000x128xf32, #tpu.memory_space<vmem_shared>> -> memref<128x128xf32, #tpu.memory_space<vmem_shared>>
      tpu.enqueue_dma source(%arg17 : memref<128x128xf32, #tpu.memory_space<vmem>>) target(%dma_start3A_108 : memref<128x128xf32, #tpu.memory_space<vmem_shared>>) target_semaphore(%run_scoped3A : memref<!tpu.dma_semaphore, #tpu.memory_space<semaphore_mem>>)
      %dma_wait3A = arith.constant 0 : i32
      %dma_wait3A_109 = tpu.memref_slice %arg20[%add3A_35, %dma_wait3A] : memref<10000x128xf32, #tpu.memory_space<vmem_shared>> -> memref<128x128xf32, #tpu.memory_space<vmem_shared>>
      %dma_wait3A_110 = arith.constant 0 : i32
      %dma_wait3A_111 = tpu.memref_slice %arg20[%add3A_35, %dma_wait3A_110] : memref<10000x128xf32, #tpu.memory_space<vmem_shared>> -> memref<128x128xf32, #tpu.memory_space<vmem_shared>>
      tpu.wait_dma2 semaphore(%run_scoped3A : memref<!tpu.dma_semaphore, #tpu.memory_space<semaphore_mem>>) src(%arg17 : memref<128x128xf32, #tpu.memory_space<vmem>>) dst(%dma_wait3A_111 : memref<128x128xf32, #tpu.memory_space<vmem_shared>>)
      tpu.yield
    }) : () -> ()
    %mul3A_36 = arith.constant 624 : i32
    %mul3A_37 = arith.muli %arg1, %mul3A_36 : i32
    %add3A_38 = arith.constant 256 : i32
    %add3A_39 = arith.addi %mul3A_37, %add3A_38 : i32
    "tpu.region"() ({
      %run_scoped3A = tpu.sem_alloc : memref<!tpu.dma_semaphore, #tpu.memory_space<semaphore_mem>>
      %dma_start3A_105 = arith.constant 0 : i32
      %dma_start3A_106 = tpu.memref_slice %arg20[%add3A_39, %dma_start3A_105] : memref<10000x128xf32, #tpu.memory_space<vmem_shared>> -> memref<128x128xf32, #tpu.memory_space<vmem_shared>>
      %dma_start3A_107 = arith.constant 0 : i32
      %dma_start3A_108 = tpu.memref_slice %arg20[%add3A_39, %dma_start3A_107] : memref<10000x128xf32, #tpu.memory_space<vmem_shared>> -> memref<128x128xf32, #tpu.memory_space<vmem_shared>>
      tpu.enqueue_dma source(%arg17 : memref<128x128xf32, #tpu.memory_space<vmem>>) target(%dma_start3A_108 : memref<128x128xf32, #tpu.memory_space<vmem_shared>>) target_semaphore(%run_scoped3A : memref<!tpu.dma_semaphore, #tpu.memory_space<semaphore_mem>>)
      %dma_wait3A = arith.constant 0 : i32
      %dma_wait3A_109 = tpu.memref_slice %arg20[%add3A_39, %dma_wait3A] : memref<10000x128xf32, #tpu.memory_space<vmem_shared>> -> memref<128x128xf32, #tpu.memory_space<vmem_shared>>
      %dma_wait3A_110 = arith.constant 0 : i32
      %dma_wait3A_111 = tpu.memref_slice %arg20[%add3A_39, %dma_wait3A_110] : memref<10000x128xf32, #tpu.memory_space<vmem_shared>> -> memref<128x128xf32, #tpu.memory_space<vmem_shared>>
      tpu.wait_dma2 semaphore(%run_scoped3A : memref<!tpu.dma_semaphore, #tpu.memory_space<semaphore_mem>>) src(%arg17 : memref<128x128xf32, #tpu.memory_space<vmem>>) dst(%dma_wait3A_111 : memref<128x128xf32, #tpu.memory_space<vmem_shared>>)
      tpu.yield
    }) : () -> ()
    %mul3A_40 = arith.constant 624 : i32
    %mul3A_41 = arith.muli %arg1, %mul3A_40 : i32
    %add3A_42 = arith.constant 384 : i32
    %add3A_43 = arith.addi %mul3A_41, %add3A_42 : i32
    "tpu.region"() ({
      %run_scoped3A = tpu.sem_alloc : memref<!tpu.dma_semaphore, #tpu.memory_space<semaphore_mem>>
      %dma_start3A_105 = arith.constant 0 : i32
      %dma_start3A_106 = tpu.memref_slice %arg20[%add3A_43, %dma_start3A_105] : memref<10000x128xf32, #tpu.memory_space<vmem_shared>> -> memref<128x128xf32, #tpu.memory_space<vmem_shared>>
      %dma_start3A_107 = arith.constant 0 : i32
      %dma_start3A_108 = tpu.memref_slice %arg20[%add3A_43, %dma_start3A_107] : memref<10000x128xf32, #tpu.memory_space<vmem_shared>> -> memref<128x128xf32, #tpu.memory_space<vmem_shared>>
      tpu.enqueue_dma source(%arg17 : memref<128x128xf32, #tpu.memory_space<vmem>>) target(%dma_start3A_108 : memref<128x128xf32, #tpu.memory_space<vmem_shared>>) target_semaphore(%run_scoped3A : memref<!tpu.dma_semaphore, #tpu.memory_space<semaphore_mem>>)
      %dma_wait3A = arith.constant 0 : i32
      %dma_wait3A_109 = tpu.memref_slice %arg20[%add3A_43, %dma_wait3A] : memref<10000x128xf32, #tpu.memory_space<vmem_shared>> -> memref<128x128xf32, #tpu.memory_space<vmem_shared>>
      %dma_wait3A_110 = arith.constant 0 : i32
      %dma_wait3A_111 = tpu.memref_slice %arg20[%add3A_43, %dma_wait3A_110] : memref<10000x128xf32, #tpu.memory_space<vmem_shared>> -> memref<128x128xf32, #tpu.memory_space<vmem_shared>>
      tpu.wait_dma2 semaphore(%run_scoped3A : memref<!tpu.dma_semaphore, #tpu.memory_space<semaphore_mem>>) src(%arg17 : memref<128x128xf32, #tpu.memory_space<vmem>>) dst(%dma_wait3A_111 : memref<128x128xf32, #tpu.memory_space<vmem_shared>>)
      tpu.yield
    }) : () -> ()
    %mul3A_44 = arith.constant 624 : i32
    %mul3A_45 = arith.muli %arg1, %mul3A_44 : i32
    %add3A_46 = arith.constant 512 : i32
    %add3A_47 = arith.addi %mul3A_45, %add3A_46 : i32
    "tpu.region"() ({
      %run_scoped3A = tpu.sem_alloc : memref<!tpu.dma_semaphore, #tpu.memory_space<semaphore_mem>>
      %dma_start3A_105 = arith.constant 0 : i32
      %dma_start3A_106 = tpu.memref_slice %arg20[%add3A_47, %dma_start3A_105] : memref<10000x128xf32, #tpu.memory_space<vmem_shared>> -> memref<128x128xf32, #tpu.memory_space<vmem_shared>>
      %dma_start3A_107 = arith.constant 0 : i32
      %dma_start3A_108 = tpu.memref_slice %arg20[%add3A_47, %dma_start3A_107] : memref<10000x128xf32, #tpu.memory_space<vmem_shared>> -> memref<128x128xf32, #tpu.memory_space<vmem_shared>>
      tpu.enqueue_dma source(%arg17 : memref<128x128xf32, #tpu.memory_space<vmem>>) target(%dma_start3A_108 : memref<128x128xf32, #tpu.memory_space<vmem_shared>>) target_semaphore(%run_scoped3A : memref<!tpu.dma_semaphore, #tpu.memory_space<semaphore_mem>>)
      %dma_wait3A = arith.constant 0 : i32
      %dma_wait3A_109 = tpu.memref_slice %arg20[%add3A_47, %dma_wait3A] : memref<10000x128xf32, #tpu.memory_space<vmem_shared>> -> memref<128x128xf32, #tpu.memory_space<vmem_shared>>
      %dma_wait3A_110 = arith.constant 0 : i32
      %dma_wait3A_111 = tpu.memref_slice %arg20[%add3A_47, %dma_wait3A_110] : memref<10000x128xf32, #tpu.memory_space<vmem_shared>> -> memref<128x128xf32, #tpu.memory_space<vmem_shared>>
      tpu.wait_dma2 semaphore(%run_scoped3A : memref<!tpu.dma_semaphore, #tpu.memory_space<semaphore_mem>>) src(%arg17 : memref<128x128xf32, #tpu.memory_space<vmem>>) dst(%dma_wait3A_111 : memref<128x128xf32, #tpu.memory_space<vmem_shared>>)
      tpu.yield
    }) : () -> ()
    %barrier3A = arith.constant 0 : index
    tpu.barrier barrier_id(%barrier3A)
    %add3A_48 = arith.constant 0 : i32
    %add3A_49 = arith.addi %add3A, %add3A_48 : i32
    %mul3A_50 = arith.constant 128 : i32
    %mul3A_51 = arith.muli %add3A_49, %mul3A_50 : i32
    %multiple_of3A = tpu.assume_multiple %mul3A_51, 128 : i32
    %dma_start3A = arith.constant 0 : i32
    %dma_start3A_52 = tpu.memref_slice %arg3[%dma_start3A, %multiple_of3A] : memref<2x320000xi32, #tpu.memory_space<hbm>> -> memref<1x128xi32, #tpu.memory_space<hbm>>
    %dma_start3A_53 = tpu.memref_squeeze %dma_start3A_52 : memref<1x128xi32, #tpu.memory_space<hbm>> -> memref<128xi32, #tpu.memory_space<hbm>>
    %dma_start3A_54 = tpu.memref_slice %arg3[%dma_start3A, %multiple_of3A] : memref<2x320000xi32, #tpu.memory_space<hbm>> -> memref<1x128xi32, #tpu.memory_space<hbm>>
    %dma_start3A_55 = tpu.memref_squeeze %dma_start3A_54 : memref<1x128xi32, #tpu.memory_space<hbm>> -> memref<128xi32, #tpu.memory_space<hbm>>
    tpu.enqueue_dma source(%dma_start3A_55 : memref<128xi32, #tpu.memory_space<hbm>>) target(%arg5 : memref<128xi32, #tpu.memory_space<vmem>>) target_semaphore(%arg21 : memref<!tpu.dma_semaphore, #tpu.memory_space<semaphore_mem>>)
    %dma_start3A_56 = arith.constant 1 : i32
    %dma_start3A_57 = tpu.memref_slice %arg3[%dma_start3A_56, %multiple_of3A] : memref<2x320000xi32, #tpu.memory_space<hbm>> -> memref<1x128xi32, #tpu.memory_space<hbm>>
    %dma_start3A_58 = tpu.memref_squeeze %dma_start3A_57 : memref<1x128xi32, #tpu.memory_space<hbm>> -> memref<128xi32, #tpu.memory_space<hbm>>
    %dma_start3A_59 = tpu.memref_slice %arg3[%dma_start3A_56, %multiple_of3A] : memref<2x320000xi32, #tpu.memory_space<hbm>> -> memref<1x128xi32, #tpu.memory_space<hbm>>
    %dma_start3A_60 = tpu.memref_squeeze %dma_start3A_59 : memref<1x128xi32, #tpu.memory_space<hbm>> -> memref<128xi32, #tpu.memory_space<hbm>>
    tpu.enqueue_dma source(%dma_start3A_60 : memref<128xi32, #tpu.memory_space<hbm>>) target(%arg11 : memref<128xi32, #tpu.memory_space<vmem>>) target_semaphore(%arg27 : memref<!tpu.dma_semaphore, #tpu.memory_space<semaphore_mem>>)
    %add3A_61 = arith.constant 32 : i32
    %add3A_62 = arith.addi %add3A, %add3A_61 : i32
    %mul3A_63 = arith.constant 128 : i32
    %mul3A_64 = arith.muli %add3A_62, %mul3A_63 : i32
    %multiple_of3A_65 = tpu.assume_multiple %mul3A_64, 128 : i32
    %dma_start3A_66 = arith.constant 0 : i32
    %dma_start3A_67 = tpu.memref_slice %arg3[%dma_start3A_66, %multiple_of3A_65] : memref<2x320000xi32, #tpu.memory_space<hbm>> -> memref<1x128xi32, #tpu.memory_space<hbm>>
    %dma_start3A_68 = tpu.memref_squeeze %dma_start3A_67 : memref<1x128xi32, #tpu.memory_space<hbm>> -> memref<128xi32, #tpu.memory_space<hbm>>
    %dma_start3A_69 = tpu.memref_slice %arg3[%dma_start3A_66, %multiple_of3A_65] : memref<2x320000xi32, #tpu.memory_space<hbm>> -> memref<1x128xi32, #tpu.memory_space<hbm>>
    %dma_start3A_70 = tpu.memref_squeeze %dma_start3A_69 : memref<1x128xi32, #tpu.memory_space<hbm>> -> memref<128xi32, #tpu.memory_space<hbm>>
    tpu.enqueue_dma source(%dma_start3A_70 : memref<128xi32, #tpu.memory_space<hbm>>) target(%arg6 : memref<128xi32, #tpu.memory_space<vmem>>) target_semaphore(%arg22 : memref<!tpu.dma_semaphore, #tpu.memory_space<semaphore_mem>>)
    %dma_start3A_71 = arith.constant 1 : i32
    %dma_start3A_72 = tpu.memref_slice %arg3[%dma_start3A_71, %multiple_of3A_65] : memref<2x320000xi32, #tpu.memory_space<hbm>> -> memref<1x128xi32, #tpu.memory_space<hbm>>
    %dma_start3A_73 = tpu.memref_squeeze %dma_start3A_72 : memref<1x128xi32, #tpu.memory_space<hbm>> -> memref<128xi32, #tpu.memory_space<hbm>>
    %dma_start3A_74 = tpu.memref_slice %arg3[%dma_start3A_71, %multiple_of3A_65] : memref<2x320000xi32, #tpu.memory_space<hbm>> -> memref<1x128xi32, #tpu.memory_space<hbm>>
    %dma_start3A_75 = tpu.memref_squeeze %dma_start3A_74 : memref<1x128xi32, #tpu.memory_space<hbm>> -> memref<128xi32, #tpu.memory_space<hbm>>
    tpu.enqueue_dma source(%dma_start3A_75 : memref<128xi32, #tpu.memory_space<hbm>>) target(%arg12 : memref<128xi32, #tpu.memory_space<vmem>>) target_semaphore(%arg28 : memref<!tpu.dma_semaphore, #tpu.memory_space<semaphore_mem>>)
    %add3A_76 = arith.constant 64 : i32
    %add3A_77 = arith.addi %add3A, %add3A_76 : i32
    %mul3A_78 = arith.constant 128 : i32
    %mul3A_79 = arith.muli %add3A_77, %mul3A_78 : i32
    %multiple_of3A_80 = tpu.assume_multiple %mul3A_79, 128 : i32
    %dma_start3A_81 = arith.constant 0 : i32
    %dma_start3A_82 = tpu.memref_slice %arg3[%dma_start3A_81, %multiple_of3A_80] : memref<2x320000xi32, #tpu.memory_space<hbm>> -> memref<1x128xi32, #tpu.memory_space<hbm>>
    %dma_start3A_83 = tpu.memref_squeeze %dma_start3A_82 : memref<1x128xi32, #tpu.memory_space<hbm>> -> memref<128xi32, #tpu.memory_space<hbm>>
    %dma_start3A_84 = tpu.memref_slice %arg3[%dma_start3A_81, %multiple_of3A_80] : memref<2x320000xi32, #tpu.memory_space<hbm>> -> memref<1x128xi32, #tpu.memory_space<hbm>>
    %dma_start3A_85 = tpu.memref_squeeze %dma_start3A_84 : memref<1x128xi32, #tpu.memory_space<hbm>> -> memref<128xi32, #tpu.memory_space<hbm>>
    tpu.enqueue_dma source(%dma_start3A_85 : memref<128xi32, #tpu.memory_space<hbm>>) target(%arg7 : memref<128xi32, #tpu.memory_space<vmem>>) target_semaphore(%arg23 : memref<!tpu.dma_semaphore, #tpu.memory_space<semaphore_mem>>)
    %dma_start3A_86 = arith.constant 1 : i32
    %dma_start3A_87 = tpu.memref_slice %arg3[%dma_start3A_86, %multiple_of3A_80] : memref<2x320000xi32, #tpu.memory_space<hbm>> -> memref<1x128xi32, #tpu.memory_space<hbm>>
    %dma_start3A_88 = tpu.memref_squeeze %dma_start3A_87 : memref<1x128xi32, #tpu.memory_space<hbm>> -> memref<128xi32, #tpu.memory_space<hbm>>
    %dma_start3A_89 = tpu.memref_slice %arg3[%dma_start3A_86, %multiple_of3A_80] : memref<2x320000xi32, #tpu.memory_space<hbm>> -> memref<1x128xi32, #tpu.memory_space<hbm>>
    %dma_start3A_90 = tpu.memref_squeeze %dma_start3A_89 : memref<1x128xi32, #tpu.memory_space<hbm>> -> memref<128xi32, #tpu.memory_space<hbm>>
    tpu.enqueue_dma source(%dma_start3A_90 : memref<128xi32, #tpu.memory_space<hbm>>) target(%arg13 : memref<128xi32, #tpu.memory_space<vmem>>) target_semaphore(%arg29 : memref<!tpu.dma_semaphore, #tpu.memory_space<semaphore_mem>>)
    %scan3A_91 = arith.constant 0 : i32
    %scan3A_92 = arith.constant 14 : i32
    %scan3A_93 = arith.addi %scan3A_91, %scan3A_92 : i32
    %scan3A_94 = arith.constant 1 : i32
    scf.for %scan3A_105 = %scan3A_91 to %scan3A_93 step %scan3A_94  : i32 {
      %mul3A_106 = arith.constant 1 : i32
      %mul3A_107 = arith.muli %scan3A_105, %mul3A_106 : i32
      %add3A_108 = arith.constant 0 : i32
      %add3A_109 = arith.addi %add3A_108, %mul3A_107 : i32
      %mul3A_110 = arith.constant 6 : i32
      %mul3A_111 = arith.muli %mul3A_110, %add3A_109 : i32
      %add3A_112 = arith.constant 0 : i32
      %add3A_113 = arith.addi %mul3A_111, %add3A_112 : i32
      %ge3A = arith.constant 3 : i32
      %ge3A_114 = arith.cmpi sge, %add3A_113, %ge3A : i32
      %sub3A_115 = arith.constant 3 : i32
      %sub3A_116 = arith.subi %add3A_113, %sub3A_115 : i32
      %lt3A_117 = arith.cmpi slt, %sub3A_116, %select_n3A : i32
      %and3A_118 = arith.andi %ge3A_114, %lt3A_117 : i1
      %convert_element_type3A_119 = arith.extui %and3A_118 : i1 to i32
      %cond3A_120 = arith.constant 0 : i32
      %cond3A_121 = arith.cmpi ne, %convert_element_type3A_119, %cond3A_120 : i32
      scf.if %cond3A_121 {
        %dma_wait3A = arith.constant 0 : i32
        %dma_wait3A_301 = arith.constant 0 : i32
        %dma_wait3A_302 = tpu.memref_slice %arg20[%dma_wait3A, %dma_wait3A_301] : memref<10000x128xf32, #tpu.memory_space<vmem_shared>> -> memref<10000x128xf32, #tpu.memory_space<vmem_shared>>
        tpu.wait_indirect_dma semaphore(%arg36 : memref<!tpu.dma_semaphore, #tpu.memory_space<semaphore_mem>>) src(%arg17 : memref<128x128xf32, #tpu.memory_space<vmem>>) dst(%dma_wait3A_302 : memref<10000x128xf32, #tpu.memory_space<vmem_shared>>)
      } else {
      }
      %lt3A_122 = arith.cmpi slt, %add3A_113, %select_n3A : i32
      %convert_element_type3A_123 = arith.extui %lt3A_122 : i1 to i32
      %cond3A_124 = arith.constant 0 : i32
      %cond3A_125 = arith.cmpi ne, %convert_element_type3A_123, %cond3A_124 : i32
      scf.if %cond3A_125 {
        %mul3A_301 = arith.constant 32 : i32
        %mul3A_302 = arith.muli %mul3A_301, %add3A_113 : i32
        %add3A_303 = arith.addi %add3A, %mul3A_302 : i32
        %mul3A_304 = arith.constant 128 : i32
        %mul3A_305 = arith.muli %add3A_303, %mul3A_304 : i32
        %multiple_of3A_306 = tpu.assume_multiple %mul3A_305, 128 : i32
        %dma_wait3A = arith.constant 0 : i32
        %dma_wait3A_307 = tpu.memref_slice %arg3[%dma_wait3A, %multiple_of3A_306] : memref<2x320000xi32, #tpu.memory_space<hbm>> -> memref<1x128xi32, #tpu.memory_space<hbm>>
        %dma_wait3A_308 = tpu.memref_squeeze %dma_wait3A_307 : memref<1x128xi32, #tpu.memory_space<hbm>> -> memref<128xi32, #tpu.memory_space<hbm>>
        %dma_wait3A_309 = tpu.memref_slice %arg3[%dma_wait3A, %multiple_of3A_306] : memref<2x320000xi32, #tpu.memory_space<hbm>> -> memref<1x128xi32, #tpu.memory_space<hbm>>
        %dma_wait3A_310 = tpu.memref_squeeze %dma_wait3A_309 : memref<1x128xi32, #tpu.memory_space<hbm>> -> memref<128xi32, #tpu.memory_space<hbm>>
        tpu.wait_dma2 semaphore(%arg21 : memref<!tpu.dma_semaphore, #tpu.memory_space<semaphore_mem>>) src(%dma_wait3A_310 : memref<128xi32, #tpu.memory_space<hbm>>) dst(%arg5 : memref<128xi32, #tpu.memory_space<vmem>>)
        %dma_wait3A_311 = arith.constant 1 : i32
        %dma_wait3A_312 = tpu.memref_slice %arg3[%dma_wait3A_311, %multiple_of3A_306] : memref<2x320000xi32, #tpu.memory_space<hbm>> -> memref<1x128xi32, #tpu.memory_space<hbm>>
        %dma_wait3A_313 = tpu.memref_squeeze %dma_wait3A_312 : memref<1x128xi32, #tpu.memory_space<hbm>> -> memref<128xi32, #tpu.memory_space<hbm>>
        %dma_wait3A_314 = tpu.memref_slice %arg3[%dma_wait3A_311, %multiple_of3A_306] : memref<2x320000xi32, #tpu.memory_space<hbm>> -> memref<1x128xi32, #tpu.memory_space<hbm>>
        %dma_wait3A_315 = tpu.memref_squeeze %dma_wait3A_314 : memref<1x128xi32, #tpu.memory_space<hbm>> -> memref<128xi32, #tpu.memory_space<hbm>>
        tpu.wait_dma2 semaphore(%arg27 : memref<!tpu.dma_semaphore, #tpu.memory_space<semaphore_mem>>) src(%dma_wait3A_315 : memref<128xi32, #tpu.memory_space<hbm>>) dst(%arg11 : memref<128xi32, #tpu.memory_space<vmem>>)
        %dma_start3A_316 = arith.constant 0 : i32
        %dma_start3A_317 = arith.constant 0 : i32
        %dma_start3A_318 = tpu.memref_slice %arg2[%dma_start3A_316, %dma_start3A_317] : memref<10000x128xf32, #tpu.memory_space<hbm>> -> memref<10000x128xf32, #tpu.memory_space<hbm>>
        tpu.enqueue_indirect_dma source(%dma_start3A_318 : memref<10000x128xf32, #tpu.memory_space<hbm>>) target(%arg17 : memref<128x128xf32, #tpu.memory_space<vmem>>) offsets(%arg5 : memref<128xi32, #tpu.memory_space<vmem>>) semaphore(%arg33 : memref<!tpu.dma_semaphore, #tpu.memory_space<semaphore_mem>>)
      } else {
      }
      %ge3A_126 = arith.constant 1 : i32
      %ge3A_127 = arith.cmpi sge, %add3A_113, %ge3A_126 : i32
      %sub3A_128 = arith.constant 1 : i32
      %sub3A_129 = arith.subi %add3A_113, %sub3A_128 : i32
      %lt3A_130 = arith.cmpi slt, %sub3A_129, %select_n3A : i32
      %and3A_131 = arith.andi %ge3A_127, %lt3A_130 : i1
      %convert_element_type3A_132 = arith.extui %and3A_131 : i1 to i32
      %cond3A_133 = arith.constant 0 : i32
      %cond3A_134 = arith.cmpi ne, %convert_element_type3A_132, %cond3A_133 : i32
      scf.if %cond3A_134 {
        %dma_wait3A = arith.constant 0 : i32
        %dma_wait3A_301 = arith.constant 0 : i32
        %dma_wait3A_302 = tpu.memref_slice %arg2[%dma_wait3A, %dma_wait3A_301] : memref<10000x128xf32, #tpu.memory_space<hbm>> -> memref<10000x128xf32, #tpu.memory_space<hbm>>
        tpu.wait_indirect_dma semaphore(%arg35 : memref<!tpu.dma_semaphore, #tpu.memory_space<semaphore_mem>>) src(%dma_wait3A_302 : memref<10000x128xf32, #tpu.memory_space<hbm>>) dst(%arg19 : memref<128x128xf32, #tpu.memory_space<vmem>>)
        %dma_start3A_303 = arith.constant 0 : i32
        %dma_start3A_304 = arith.constant 0 : i32
        %dma_start3A_305 = tpu.memref_slice %arg20[%dma_start3A_303, %dma_start3A_304] : memref<10000x128xf32, #tpu.memory_space<vmem_shared>> -> memref<10000x128xf32, #tpu.memory_space<vmem_shared>>
        tpu.enqueue_indirect_dma source(%arg19 : memref<128x128xf32, #tpu.memory_space<vmem>>) target(%dma_start3A_305 : memref<10000x128xf32, #tpu.memory_space<vmem_shared>>) offsets(%arg16 : memref<128xi32, #tpu.memory_space<vmem>>) semaphore(%arg38 : memref<!tpu.dma_semaphore, #tpu.memory_space<semaphore_mem>>) {add = true}
      } else {
      }
      %add3A_135 = arith.constant 3 : i32
      %add3A_136 = arith.addi %add3A_113, %add3A_135 : i32
      %lt3A_137 = arith.cmpi slt, %add3A_136, %select_n3A : i32
      %convert_element_type3A_138 = arith.extui %lt3A_137 : i1 to i32
      %cond3A_139 = arith.constant 0 : i32
      %cond3A_140 = arith.cmpi ne, %convert_element_type3A_138, %cond3A_139 : i32
      scf.if %cond3A_140 {
        %add3A_301 = arith.constant 3 : i32
        %add3A_302 = arith.addi %add3A_113, %add3A_301 : i32
        %mul3A_303 = arith.constant 32 : i32
        %mul3A_304 = arith.muli %mul3A_303, %add3A_302 : i32
        %add3A_305 = arith.addi %add3A, %mul3A_304 : i32
        %mul3A_306 = arith.constant 128 : i32
        %mul3A_307 = arith.muli %add3A_305, %mul3A_306 : i32
        %multiple_of3A_308 = tpu.assume_multiple %mul3A_307, 128 : i32
        %dma_start3A_309 = arith.constant 0 : i32
        %dma_start3A_310 = tpu.memref_slice %arg3[%dma_start3A_309, %multiple_of3A_308] : memref<2x320000xi32, #tpu.memory_space<hbm>> -> memref<1x128xi32, #tpu.memory_space<hbm>>
        %dma_start3A_311 = tpu.memref_squeeze %dma_start3A_310 : memref<1x128xi32, #tpu.memory_space<hbm>> -> memref<128xi32, #tpu.memory_space<hbm>>
        %dma_start3A_312 = tpu.memref_slice %arg3[%dma_start3A_309, %multiple_of3A_308] : memref<2x320000xi32, #tpu.memory_space<hbm>> -> memref<1x128xi32, #tpu.memory_space<hbm>>
        %dma_start3A_313 = tpu.memref_squeeze %dma_start3A_312 : memref<1x128xi32, #tpu.memory_space<hbm>> -> memref<128xi32, #tpu.memory_space<hbm>>
        tpu.enqueue_dma source(%dma_start3A_313 : memref<128xi32, #tpu.memory_space<hbm>>) target(%arg8 : memref<128xi32, #tpu.memory_space<vmem>>) target_semaphore(%arg24 : memref<!tpu.dma_semaphore, #tpu.memory_space<semaphore_mem>>)
        %dma_start3A_314 = arith.constant 1 : i32
        %dma_start3A_315 = tpu.memref_slice %arg3[%dma_start3A_314, %multiple_of3A_308] : memref<2x320000xi32, #tpu.memory_space<hbm>> -> memref<1x128xi32, #tpu.memory_space<hbm>>
        %dma_start3A_316 = tpu.memref_squeeze %dma_start3A_315 : memref<1x128xi32, #tpu.memory_space<hbm>> -> memref<128xi32, #tpu.memory_space<hbm>>
        %dma_start3A_317 = tpu.memref_slice %arg3[%dma_start3A_314, %multiple_of3A_308] : memref<2x320000xi32, #tpu.memory_space<hbm>> -> memref<1x128xi32, #tpu.memory_space<hbm>>
        %dma_start3A_318 = tpu.memref_squeeze %dma_start3A_317 : memref<1x128xi32, #tpu.memory_space<hbm>> -> memref<128xi32, #tpu.memory_space<hbm>>
        tpu.enqueue_dma source(%dma_start3A_318 : memref<128xi32, #tpu.memory_space<hbm>>) target(%arg14 : memref<128xi32, #tpu.memory_space<vmem>>) target_semaphore(%arg30 : memref<!tpu.dma_semaphore, #tpu.memory_space<semaphore_mem>>)
      } else {
      }
      %mul3A_141 = arith.constant 6 : i32
      %mul3A_142 = arith.muli %mul3A_141, %add3A_109 : i32
      %add3A_143 = arith.constant 1 : i32
      %add3A_144 = arith.addi %mul3A_142, %add3A_143 : i32
      %ge3A_145 = arith.constant 3 : i32
      %ge3A_146 = arith.cmpi sge, %add3A_144, %ge3A_145 : i32
      %sub3A_147 = arith.constant 3 : i32
      %sub3A_148 = arith.subi %add3A_144, %sub3A_147 : i32
      %lt3A_149 = arith.cmpi slt, %sub3A_148, %select_n3A : i32
      %and3A_150 = arith.andi %ge3A_146, %lt3A_149 : i1
      %convert_element_type3A_151 = arith.extui %and3A_150 : i1 to i32
      %cond3A_152 = arith.constant 0 : i32
      %cond3A_153 = arith.cmpi ne, %convert_element_type3A_151, %cond3A_152 : i32
      scf.if %cond3A_153 {
        %dma_wait3A = arith.constant 0 : i32
        %dma_wait3A_301 = arith.constant 0 : i32
        %dma_wait3A_302 = tpu.memref_slice %arg20[%dma_wait3A, %dma_wait3A_301] : memref<10000x128xf32, #tpu.memory_space<vmem_shared>> -> memref<10000x128xf32, #tpu.memory_space<vmem_shared>>
        tpu.wait_indirect_dma semaphore(%arg37 : memref<!tpu.dma_semaphore, #tpu.memory_space<semaphore_mem>>) src(%arg18 : memref<128x128xf32, #tpu.memory_space<vmem>>) dst(%dma_wait3A_302 : memref<10000x128xf32, #tpu.memory_space<vmem_shared>>)
      } else {
      }
      %lt3A_154 = arith.cmpi slt, %add3A_144, %select_n3A : i32
      %convert_element_type3A_155 = arith.extui %lt3A_154 : i1 to i32
      %cond3A_156 = arith.constant 0 : i32
      %cond3A_157 = arith.cmpi ne, %convert_element_type3A_155, %cond3A_156 : i32
      scf.if %cond3A_157 {
        %mul3A_301 = arith.constant 32 : i32
        %mul3A_302 = arith.muli %mul3A_301, %add3A_144 : i32
        %add3A_303 = arith.addi %add3A, %mul3A_302 : i32
        %mul3A_304 = arith.constant 128 : i32
        %mul3A_305 = arith.muli %add3A_303, %mul3A_304 : i32
        %multiple_of3A_306 = tpu.assume_multiple %mul3A_305, 128 : i32
        %dma_wait3A = arith.constant 0 : i32
        %dma_wait3A_307 = tpu.memref_slice %arg3[%dma_wait3A, %multiple_of3A_306] : memref<2x320000xi32, #tpu.memory_space<hbm>> -> memref<1x128xi32, #tpu.memory_space<hbm>>
        %dma_wait3A_308 = tpu.memref_squeeze %dma_wait3A_307 : memref<1x128xi32, #tpu.memory_space<hbm>> -> memref<128xi32, #tpu.memory_space<hbm>>
        %dma_wait3A_309 = tpu.memref_slice %arg3[%dma_wait3A, %multiple_of3A_306] : memref<2x320000xi32, #tpu.memory_space<hbm>> -> memref<1x128xi32, #tpu.memory_space<hbm>>
        %dma_wait3A_310 = tpu.memref_squeeze %dma_wait3A_309 : memref<1x128xi32, #tpu.memory_space<hbm>> -> memref<128xi32, #tpu.memory_space<hbm>>
        tpu.wait_dma2 semaphore(%arg22 : memref<!tpu.dma_semaphore, #tpu.memory_space<semaphore_mem>>) src(%dma_wait3A_310 : memref<128xi32, #tpu.memory_space<hbm>>) dst(%arg6 : memref<128xi32, #tpu.memory_space<vmem>>)
        %dma_wait3A_311 = arith.constant 1 : i32
        %dma_wait3A_312 = tpu.memref_slice %arg3[%dma_wait3A_311, %multiple_of3A_306] : memref<2x320000xi32, #tpu.memory_space<hbm>> -> memref<1x128xi32, #tpu.memory_space<hbm>>
        %dma_wait3A_313 = tpu.memref_squeeze %dma_wait3A_312 : memref<1x128xi32, #tpu.memory_space<hbm>> -> memref<128xi32, #tpu.memory_space<hbm>>
        %dma_wait3A_314 = tpu.memref_slice %arg3[%dma_wait3A_311, %multiple_of3A_306] : memref<2x320000xi32, #tpu.memory_space<hbm>> -> memref<1x128xi32, #tpu.memory_space<hbm>>
        %dma_wait3A_315 = tpu.memref_squeeze %dma_wait3A_314 : memref<1x128xi32, #tpu.memory_space<hbm>> -> memref<128xi32, #tpu.memory_space<hbm>>
        tpu.wait_dma2 semaphore(%arg28 : memref<!tpu.dma_semaphore, #tpu.memory_space<semaphore_mem>>) src(%dma_wait3A_315 : memref<128xi32, #tpu.memory_space<hbm>>) dst(%arg12 : memref<128xi32, #tpu.memory_space<vmem>>)
        %dma_start3A_316 = arith.constant 0 : i32
        %dma_start3A_317 = arith.constant 0 : i32
        %dma_start3A_318 = tpu.memref_slice %arg2[%dma_start3A_316, %dma_start3A_317] : memref<10000x128xf32, #tpu.memory_space<hbm>> -> memref<10000x128xf32, #tpu.memory_space<hbm>>
        tpu.enqueue_indirect_dma source(%dma_start3A_318 : memref<10000x128xf32, #tpu.memory_space<hbm>>) target(%arg18 : memref<128x128xf32, #tpu.memory_space<vmem>>) offsets(%arg6 : memref<128xi32, #tpu.memory_space<vmem>>) semaphore(%arg34 : memref<!tpu.dma_semaphore, #tpu.memory_space<semaphore_mem>>)
      } else {
      }
      %ge3A_158 = arith.constant 1 : i32
      %ge3A_159 = arith.cmpi sge, %add3A_144, %ge3A_158 : i32
      %sub3A_160 = arith.constant 1 : i32
      %sub3A_161 = arith.subi %add3A_144, %sub3A_160 : i32
      %lt3A_162 = arith.cmpi slt, %sub3A_161, %select_n3A : i32
      %and3A_163 = arith.andi %ge3A_159, %lt3A_162 : i1
      %convert_element_type3A_164 = arith.extui %and3A_163 : i1 to i32
      %cond3A_165 = arith.constant 0 : i32
      %cond3A_166 = arith.cmpi ne, %convert_element_type3A_164, %cond3A_165 : i32
      scf.if %cond3A_166 {
        %dma_wait3A = arith.constant 0 : i32
        %dma_wait3A_301 = arith.constant 0 : i32
        %dma_wait3A_302 = tpu.memref_slice %arg2[%dma_wait3A, %dma_wait3A_301] : memref<10000x128xf32, #tpu.memory_space<hbm>> -> memref<10000x128xf32, #tpu.memory_space<hbm>>
        tpu.wait_indirect_dma semaphore(%arg33 : memref<!tpu.dma_semaphore, #tpu.memory_space<semaphore_mem>>) src(%dma_wait3A_302 : memref<10000x128xf32, #tpu.memory_space<hbm>>) dst(%arg17 : memref<128x128xf32, #tpu.memory_space<vmem>>)
        %dma_start3A_303 = arith.constant 0 : i32
        %dma_start3A_304 = arith.constant 0 : i32
        %dma_start3A_305 = tpu.memref_slice %arg20[%dma_start3A_303, %dma_start3A_304] : memref<10000x128xf32, #tpu.memory_space<vmem_shared>> -> memref<10000x128xf32, #tpu.memory_space<vmem_shared>>
        tpu.enqueue_indirect_dma source(%arg17 : memref<128x128xf32, #tpu.memory_space<vmem>>) target(%dma_start3A_305 : memref<10000x128xf32, #tpu.memory_space<vmem_shared>>) offsets(%arg11 : memref<128xi32, #tpu.memory_space<vmem>>) semaphore(%arg36 : memref<!tpu.dma_semaphore, #tpu.memory_space<semaphore_mem>>) {add = true}
      } else {
      }
      %add3A_167 = arith.constant 3 : i32
      %add3A_168 = arith.addi %add3A_144, %add3A_167 : i32
      %lt3A_169 = arith.cmpi slt, %add3A_168, %select_n3A : i32
      %convert_element_type3A_170 = arith.extui %lt3A_169 : i1 to i32
      %cond3A_171 = arith.constant 0 : i32
      %cond3A_172 = arith.cmpi ne, %convert_element_type3A_170, %cond3A_171 : i32
      scf.if %cond3A_172 {
        %add3A_301 = arith.constant 3 : i32
        %add3A_302 = arith.addi %add3A_144, %add3A_301 : i32
        %mul3A_303 = arith.constant 32 : i32
        %mul3A_304 = arith.muli %mul3A_303, %add3A_302 : i32
        %add3A_305 = arith.addi %add3A, %mul3A_304 : i32
        %mul3A_306 = arith.constant 128 : i32
        %mul3A_307 = arith.muli %add3A_305, %mul3A_306 : i32
        %multiple_of3A_308 = tpu.assume_multiple %mul3A_307, 128 : i32
        %dma_start3A_309 = arith.constant 0 : i32
        %dma_start3A_310 = tpu.memref_slice %arg3[%dma_start3A_309, %multiple_of3A_308] : memref<2x320000xi32, #tpu.memory_space<hbm>> -> memref<1x128xi32, #tpu.memory_space<hbm>>
        %dma_start3A_311 = tpu.memref_squeeze %dma_start3A_310 : memref<1x128xi32, #tpu.memory_space<hbm>> -> memref<128xi32, #tpu.memory_space<hbm>>
        %dma_start3A_312 = tpu.memref_slice %arg3[%dma_start3A_309, %multiple_of3A_308] : memref<2x320000xi32, #tpu.memory_space<hbm>> -> memref<1x128xi32, #tpu.memory_space<hbm>>
        %dma_start3A_313 = tpu.memref_squeeze %dma_start3A_312 : memref<1x128xi32, #tpu.memory_space<hbm>> -> memref<128xi32, #tpu.memory_space<hbm>>
        tpu.enqueue_dma source(%dma_start3A_313 : memref<128xi32, #tpu.memory_space<hbm>>) target(%arg9 : memref<128xi32, #tpu.memory_space<vmem>>) target_semaphore(%arg25 : memref<!tpu.dma_semaphore, #tpu.memory_space<semaphore_mem>>)
        %dma_start3A_314 = arith.constant 1 : i32
        %dma_start3A_315 = tpu.memref_slice %arg3[%dma_start3A_314, %multiple_of3A_308] : memref<2x320000xi32, #tpu.memory_space<hbm>> -> memref<1x128xi32, #tpu.memory_space<hbm>>
        %dma_start3A_316 = tpu.memref_squeeze %dma_start3A_315 : memref<1x128xi32, #tpu.memory_space<hbm>> -> memref<128xi32, #tpu.memory_space<hbm>>
        %dma_start3A_317 = tpu.memref_slice %arg3[%dma_start3A_314, %multiple_of3A_308] : memref<2x320000xi32, #tpu.memory_space<hbm>> -> memref<1x128xi32, #tpu.memory_space<hbm>>
        %dma_start3A_318 = tpu.memref_squeeze %dma_start3A_317 : memref<1x128xi32, #tpu.memory_space<hbm>> -> memref<128xi32, #tpu.memory_space<hbm>>
        tpu.enqueue_dma source(%dma_start3A_318 : memref<128xi32, #tpu.memory_space<hbm>>) target(%arg15 : memref<128xi32, #tpu.memory_space<vmem>>) target_semaphore(%arg31 : memref<!tpu.dma_semaphore, #tpu.memory_space<semaphore_mem>>)
      } else {
      }
      %mul3A_173 = arith.constant 6 : i32
      %mul3A_174 = arith.muli %mul3A_173, %add3A_109 : i32
      %add3A_175 = arith.constant 2 : i32
      %add3A_176 = arith.addi %mul3A_174, %add3A_175 : i32
      %ge3A_177 = arith.constant 3 : i32
      %ge3A_178 = arith.cmpi sge, %add3A_176, %ge3A_177 : i32
      %sub3A_179 = arith.constant 3 : i32
      %sub3A_180 = arith.subi %add3A_176, %sub3A_179 : i32
      %lt3A_181 = arith.cmpi slt, %sub3A_180, %select_n3A : i32
      %and3A_182 = arith.andi %ge3A_178, %lt3A_181 : i1
      %convert_element_type3A_183 = arith.extui %and3A_182 : i1 to i32
      %cond3A_184 = arith.constant 0 : i32
      %cond3A_185 = arith.cmpi ne, %convert_element_type3A_183, %cond3A_184 : i32
      scf.if %cond3A_185 {
        %dma_wait3A = arith.constant 0 : i32
        %dma_wait3A_301 = arith.constant 0 : i32
        %dma_wait3A_302 = tpu.memref_slice %arg20[%dma_wait3A, %dma_wait3A_301] : memref<10000x128xf32, #tpu.memory_space<vmem_shared>> -> memref<10000x128xf32, #tpu.memory_space<vmem_shared>>
        tpu.wait_indirect_dma semaphore(%arg38 : memref<!tpu.dma_semaphore, #tpu.memory_space<semaphore_mem>>) src(%arg19 : memref<128x128xf32, #tpu.memory_space<vmem>>) dst(%dma_wait3A_302 : memref<10000x128xf32, #tpu.memory_space<vmem_shared>>)
      } else {
      }
      %lt3A_186 = arith.cmpi slt, %add3A_176, %select_n3A : i32
      %convert_element_type3A_187 = arith.extui %lt3A_186 : i1 to i32
      %cond3A_188 = arith.constant 0 : i32
      %cond3A_189 = arith.cmpi ne, %convert_element_type3A_187, %cond3A_188 : i32
      scf.if %cond3A_189 {
        %mul3A_301 = arith.constant 32 : i32
        %mul3A_302 = arith.muli %mul3A_301, %add3A_176 : i32
        %add3A_303 = arith.addi %add3A, %mul3A_302 : i32
        %mul3A_304 = arith.constant 128 : i32
        %mul3A_305 = arith.muli %add3A_303, %mul3A_304 : i32
        %multiple_of3A_306 = tpu.assume_multiple %mul3A_305, 128 : i32
        %dma_wait3A = arith.constant 0 : i32
        %dma_wait3A_307 = tpu.memref_slice %arg3[%dma_wait3A, %multiple_of3A_306] : memref<2x320000xi32, #tpu.memory_space<hbm>> -> memref<1x128xi32, #tpu.memory_space<hbm>>
        %dma_wait3A_308 = tpu.memref_squeeze %dma_wait3A_307 : memref<1x128xi32, #tpu.memory_space<hbm>> -> memref<128xi32, #tpu.memory_space<hbm>>
        %dma_wait3A_309 = tpu.memref_slice %arg3[%dma_wait3A, %multiple_of3A_306] : memref<2x320000xi32, #tpu.memory_space<hbm>> -> memref<1x128xi32, #tpu.memory_space<hbm>>
        %dma_wait3A_310 = tpu.memref_squeeze %dma_wait3A_309 : memref<1x128xi32, #tpu.memory_space<hbm>> -> memref<128xi32, #tpu.memory_space<hbm>>
        tpu.wait_dma2 semaphore(%arg23 : memref<!tpu.dma_semaphore, #tpu.memory_space<semaphore_mem>>) src(%dma_wait3A_310 : memref<128xi32, #tpu.memory_space<hbm>>) dst(%arg7 : memref<128xi32, #tpu.memory_space<vmem>>)
        %dma_wait3A_311 = arith.constant 1 : i32
        %dma_wait3A_312 = tpu.memref_slice %arg3[%dma_wait3A_311, %multiple_of3A_306] : memref<2x320000xi32, #tpu.memory_space<hbm>> -> memref<1x128xi32, #tpu.memory_space<hbm>>
        %dma_wait3A_313 = tpu.memref_squeeze %dma_wait3A_312 : memref<1x128xi32, #tpu.memory_space<hbm>> -> memref<128xi32, #tpu.memory_space<hbm>>
        %dma_wait3A_314 = tpu.memref_slice %arg3[%dma_wait3A_311, %multiple_of3A_306] : memref<2x320000xi32, #tpu.memory_space<hbm>> -> memref<1x128xi32, #tpu.memory_space<hbm>>
        %dma_wait3A_315 = tpu.memref_squeeze %dma_wait3A_314 : memref<1x128xi32, #tpu.memory_space<hbm>> -> memref<128xi32, #tpu.memory_space<hbm>>
        tpu.wait_dma2 semaphore(%arg29 : memref<!tpu.dma_semaphore, #tpu.memory_space<semaphore_mem>>) src(%dma_wait3A_315 : memref<128xi32, #tpu.memory_space<hbm>>) dst(%arg13 : memref<128xi32, #tpu.memory_space<vmem>>)
        %dma_start3A_316 = arith.constant 0 : i32
        %dma_start3A_317 = arith.constant 0 : i32
        %dma_start3A_318 = tpu.memref_slice %arg2[%dma_start3A_316, %dma_start3A_317] : memref<10000x128xf32, #tpu.memory_space<hbm>> -> memref<10000x128xf32, #tpu.memory_space<hbm>>
        tpu.enqueue_indirect_dma source(%dma_start3A_318 : memref<10000x128xf32, #tpu.memory_space<hbm>>) target(%arg19 : memref<128x128xf32, #tpu.memory_space<vmem>>) offsets(%arg7 : memref<128xi32, #tpu.memory_space<vmem>>) semaphore(%arg35 : memref<!tpu.dma_semaphore, #tpu.memory_space<semaphore_mem>>)
      } else {
      }
      %ge3A_190 = arith.constant 1 : i32
      %ge3A_191 = arith.cmpi sge, %add3A_176, %ge3A_190 : i32
      %sub3A_192 = arith.constant 1 : i32
      %sub3A_193 = arith.subi %add3A_176, %sub3A_192 : i32
      %lt3A_194 = arith.cmpi slt, %sub3A_193, %select_n3A : i32
      %and3A_195 = arith.andi %ge3A_191, %lt3A_194 : i1
      %convert_element_type3A_196 = arith.extui %and3A_195 : i1 to i32
      %cond3A_197 = arith.constant 0 : i32
      %cond3A_198 = arith.cmpi ne, %convert_element_type3A_196, %cond3A_197 : i32
      scf.if %cond3A_198 {
        %dma_wait3A = arith.constant 0 : i32
        %dma_wait3A_301 = arith.constant 0 : i32
        %dma_wait3A_302 = tpu.memref_slice %arg2[%dma_wait3A, %dma_wait3A_301] : memref<10000x128xf32, #tpu.memory_space<hbm>> -> memref<10000x128xf32, #tpu.memory_space<hbm>>
        tpu.wait_indirect_dma semaphore(%arg34 : memref<!tpu.dma_semaphore, #tpu.memory_space<semaphore_mem>>) src(%dma_wait3A_302 : memref<10000x128xf32, #tpu.memory_space<hbm>>) dst(%arg18 : memref<128x128xf32, #tpu.memory_space<vmem>>)
        %dma_start3A_303 = arith.constant 0 : i32
        %dma_start3A_304 = arith.constant 0 : i32
        %dma_start3A_305 = tpu.memref_slice %arg20[%dma_start3A_303, %dma_start3A_304] : memref<10000x128xf32, #tpu.memory_space<vmem_shared>> -> memref<10000x128xf32, #tpu.memory_space<vmem_shared>>
        tpu.enqueue_indirect_dma source(%arg18 : memref<128x128xf32, #tpu.memory_space<vmem>>) target(%dma_start3A_305 : memref<10000x128xf32, #tpu.memory_space<vmem_shared>>) offsets(%arg12 : memref<128xi32, #tpu.memory_space<vmem>>) semaphore(%arg37 : memref<!tpu.dma_semaphore, #tpu.memory_space<semaphore_mem>>) {add = true}
      } else {
      }
      %add3A_199 = arith.constant 3 : i32
      %add3A_200 = arith.addi %add3A_176, %add3A_199 : i32
      %lt3A_201 = arith.cmpi slt, %add3A_200, %select_n3A : i32
      %convert_element_type3A_202 = arith.extui %lt3A_201 : i1 to i32
      %cond3A_203 = arith.constant 0 : i32
      %cond3A_204 = arith.cmpi ne, %convert_element_type3A_202, %cond3A_203 : i32
      scf.if %cond3A_204 {
        %add3A_301 = arith.constant 3 : i32
        %add3A_302 = arith.addi %add3A_176, %add3A_301 : i32
        %mul3A_303 = arith.constant 32 : i32
        %mul3A_304 = arith.muli %mul3A_303, %add3A_302 : i32
        %add3A_305 = arith.addi %add3A, %mul3A_304 : i32
        %mul3A_306 = arith.constant 128 : i32
        %mul3A_307 = arith.muli %add3A_305, %mul3A_306 : i32
        %multiple_of3A_308 = tpu.assume_multiple %mul3A_307, 128 : i32
        %dma_start3A_309 = arith.constant 0 : i32
        %dma_start3A_310 = tpu.memref_slice %arg3[%dma_start3A_309, %multiple_of3A_308] : memref<2x320000xi32, #tpu.memory_space<hbm>> -> memref<1x128xi32, #tpu.memory_space<hbm>>
        %dma_start3A_311 = tpu.memref_squeeze %dma_start3A_310 : memref<1x128xi32, #tpu.memory_space<hbm>> -> memref<128xi32, #tpu.memory_space<hbm>>
        %dma_start3A_312 = tpu.memref_slice %arg3[%dma_start3A_309, %multiple_of3A_308] : memref<2x320000xi32, #tpu.memory_space<hbm>> -> memref<1x128xi32, #tpu.memory_space<hbm>>
        %dma_start3A_313 = tpu.memref_squeeze %dma_start3A_312 : memref<1x128xi32, #tpu.memory_space<hbm>> -> memref<128xi32, #tpu.memory_space<hbm>>
        tpu.enqueue_dma source(%dma_start3A_313 : memref<128xi32, #tpu.memory_space<hbm>>) target(%arg10 : memref<128xi32, #tpu.memory_space<vmem>>) target_semaphore(%arg26 : memref<!tpu.dma_semaphore, #tpu.memory_space<semaphore_mem>>)
        %dma_start3A_314 = arith.constant 1 : i32
        %dma_start3A_315 = tpu.memref_slice %arg3[%dma_start3A_314, %multiple_of3A_308] : memref<2x320000xi32, #tpu.memory_space<hbm>> -> memref<1x128xi32, #tpu.memory_space<hbm>>
        %dma_start3A_316 = tpu.memref_squeeze %dma_start3A_315 : memref<1x128xi32, #tpu.memory_space<hbm>> -> memref<128xi32, #tpu.memory_space<hbm>>
        %dma_start3A_317 = tpu.memref_slice %arg3[%dma_start3A_314, %multiple_of3A_308] : memref<2x320000xi32, #tpu.memory_space<hbm>> -> memref<1x128xi32, #tpu.memory_space<hbm>>
        %dma_start3A_318 = tpu.memref_squeeze %dma_start3A_317 : memref<1x128xi32, #tpu.memory_space<hbm>> -> memref<128xi32, #tpu.memory_space<hbm>>
        tpu.enqueue_dma source(%dma_start3A_318 : memref<128xi32, #tpu.memory_space<hbm>>) target(%arg16 : memref<128xi32, #tpu.memory_space<vmem>>) target_semaphore(%arg32 : memref<!tpu.dma_semaphore, #tpu.memory_space<semaphore_mem>>)
      } else {
      }
      %mul3A_205 = arith.constant 6 : i32
      %mul3A_206 = arith.muli %mul3A_205, %add3A_109 : i32
      %add3A_207 = arith.constant 3 : i32
      %add3A_208 = arith.addi %mul3A_206, %add3A_207 : i32
      %ge3A_209 = arith.constant 3 : i32
      %ge3A_210 = arith.cmpi sge, %add3A_208, %ge3A_209 : i32
      %sub3A_211 = arith.constant 3 : i32
      %sub3A_212 = arith.subi %add3A_208, %sub3A_211 : i32
      %lt3A_213 = arith.cmpi slt, %sub3A_212, %select_n3A : i32
      %and3A_214 = arith.andi %ge3A_210, %lt3A_213 : i1
      %convert_element_type3A_215 = arith.extui %and3A_214 : i1 to i32
      %cond3A_216 = arith.constant 0 : i32
      %cond3A_217 = arith.cmpi ne, %convert_element_type3A_215, %cond3A_216 : i32
      scf.if %cond3A_217 {
        %dma_wait3A = arith.constant 0 : i32
        %dma_wait3A_301 = arith.constant 0 : i32
        %dma_wait3A_302 = tpu.memref_slice %arg20[%dma_wait3A, %dma_wait3A_301] : memref<10000x128xf32, #tpu.memory_space<vmem_shared>> -> memref<10000x128xf32, #tpu.memory_space<vmem_shared>>
        tpu.wait_indirect_dma semaphore(%arg36 : memref<!tpu.dma_semaphore, #tpu.memory_space<semaphore_mem>>) src(%arg17 : memref<128x128xf32, #tpu.memory_space<vmem>>) dst(%dma_wait3A_302 : memref<10000x128xf32, #tpu.memory_space<vmem_shared>>)
      } else {
      }
      %lt3A_218 = arith.cmpi slt, %add3A_208, %select_n3A : i32
      %convert_element_type3A_219 = arith.extui %lt3A_218 : i1 to i32
      %cond3A_220 = arith.constant 0 : i32
      %cond3A_221 = arith.cmpi ne, %convert_element_type3A_219, %cond3A_220 : i32
      scf.if %cond3A_221 {
        %mul3A_301 = arith.constant 32 : i32
        %mul3A_302 = arith.muli %mul3A_301, %add3A_208 : i32
        %add3A_303 = arith.addi %add3A, %mul3A_302 : i32
        %mul3A_304 = arith.constant 128 : i32
        %mul3A_305 = arith.muli %add3A_303, %mul3A_304 : i32
        %multiple_of3A_306 = tpu.assume_multiple %mul3A_305, 128 : i32
        %dma_wait3A = arith.constant 0 : i32
        %dma_wait3A_307 = tpu.memref_slice %arg3[%dma_wait3A, %multiple_of3A_306] : memref<2x320000xi32, #tpu.memory_space<hbm>> -> memref<1x128xi32, #tpu.memory_space<hbm>>
        %dma_wait3A_308 = tpu.memref_squeeze %dma_wait3A_307 : memref<1x128xi32, #tpu.memory_space<hbm>> -> memref<128xi32, #tpu.memory_space<hbm>>
        %dma_wait3A_309 = tpu.memref_slice %arg3[%dma_wait3A, %multiple_of3A_306] : memref<2x320000xi32, #tpu.memory_space<hbm>> -> memref<1x128xi32, #tpu.memory_space<hbm>>
        %dma_wait3A_310 = tpu.memref_squeeze %dma_wait3A_309 : memref<1x128xi32, #tpu.memory_space<hbm>> -> memref<128xi32, #tpu.memory_space<hbm>>
        tpu.wait_dma2 semaphore(%arg24 : memref<!tpu.dma_semaphore, #tpu.memory_space<semaphore_mem>>) src(%dma_wait3A_310 : memref<128xi32, #tpu.memory_space<hbm>>) dst(%arg8 : memref<128xi32, #tpu.memory_space<vmem>>)
        %dma_wait3A_311 = arith.constant 1 : i32
        %dma_wait3A_312 = tpu.memref_slice %arg3[%dma_wait3A_311, %multiple_of3A_306] : memref<2x320000xi32, #tpu.memory_space<hbm>> -> memref<1x128xi32, #tpu.memory_space<hbm>>
        %dma_wait3A_313 = tpu.memref_squeeze %dma_wait3A_312 : memref<1x128xi32, #tpu.memory_space<hbm>> -> memref<128xi32, #tpu.memory_space<hbm>>
        %dma_wait3A_314 = tpu.memref_slice %arg3[%dma_wait3A_311, %multiple_of3A_306] : memref<2x320000xi32, #tpu.memory_space<hbm>> -> memref<1x128xi32, #tpu.memory_space<hbm>>
        %dma_wait3A_315 = tpu.memref_squeeze %dma_wait3A_314 : memref<1x128xi32, #tpu.memory_space<hbm>> -> memref<128xi32, #tpu.memory_space<hbm>>
        tpu.wait_dma2 semaphore(%arg30 : memref<!tpu.dma_semaphore, #tpu.memory_space<semaphore_mem>>) src(%dma_wait3A_315 : memref<128xi32, #tpu.memory_space<hbm>>) dst(%arg14 : memref<128xi32, #tpu.memory_space<vmem>>)
        %dma_start3A_316 = arith.constant 0 : i32
        %dma_start3A_317 = arith.constant 0 : i32
        %dma_start3A_318 = tpu.memref_slice %arg2[%dma_start3A_316, %dma_start3A_317] : memref<10000x128xf32, #tpu.memory_space<hbm>> -> memref<10000x128xf32, #tpu.memory_space<hbm>>
        tpu.enqueue_indirect_dma source(%dma_start3A_318 : memref<10000x128xf32, #tpu.memory_space<hbm>>) target(%arg17 : memref<128x128xf32, #tpu.memory_space<vmem>>) offsets(%arg8 : memref<128xi32, #tpu.memory_space<vmem>>) semaphore(%arg33 : memref<!tpu.dma_semaphore, #tpu.memory_space<semaphore_mem>>)
      } else {
      }
      %ge3A_222 = arith.constant 1 : i32
      %ge3A_223 = arith.cmpi sge, %add3A_208, %ge3A_222 : i32
      %sub3A_224 = arith.constant 1 : i32
      %sub3A_225 = arith.subi %add3A_208, %sub3A_224 : i32
      %lt3A_226 = arith.cmpi slt, %sub3A_225, %select_n3A : i32
      %and3A_227 = arith.andi %ge3A_223, %lt3A_226 : i1
      %convert_element_type3A_228 = arith.extui %and3A_227 : i1 to i32
      %cond3A_229 = arith.constant 0 : i32
      %cond3A_230 = arith.cmpi ne, %convert_element_type3A_228, %cond3A_229 : i32
      scf.if %cond3A_230 {
        %dma_wait3A = arith.constant 0 : i32
        %dma_wait3A_301 = arith.constant 0 : i32
        %dma_wait3A_302 = tpu.memref_slice %arg2[%dma_wait3A, %dma_wait3A_301] : memref<10000x128xf32, #tpu.memory_space<hbm>> -> memref<10000x128xf32, #tpu.memory_space<hbm>>
        tpu.wait_indirect_dma semaphore(%arg35 : memref<!tpu.dma_semaphore, #tpu.memory_space<semaphore_mem>>) src(%dma_wait3A_302 : memref<10000x128xf32, #tpu.memory_space<hbm>>) dst(%arg19 : memref<128x128xf32, #tpu.memory_space<vmem>>)
        %dma_start3A_303 = arith.constant 0 : i32
        %dma_start3A_304 = arith.constant 0 : i32
        %dma_start3A_305 = tpu.memref_slice %arg20[%dma_start3A_303, %dma_start3A_304] : memref<10000x128xf32, #tpu.memory_space<vmem_shared>> -> memref<10000x128xf32, #tpu.memory_space<vmem_shared>>
        tpu.enqueue_indirect_dma source(%arg19 : memref<128x128xf32, #tpu.memory_space<vmem>>) target(%dma_start3A_305 : memref<10000x128xf32, #tpu.memory_space<vmem_shared>>) offsets(%arg13 : memref<128xi32, #tpu.memory_space<vmem>>) semaphore(%arg38 : memref<!tpu.dma_semaphore, #tpu.memory_space<semaphore_mem>>) {add = true}
      } else {
      }
      %add3A_231 = arith.constant 3 : i32
      %add3A_232 = arith.addi %add3A_208, %add3A_231 : i32
      %lt3A_233 = arith.cmpi slt, %add3A_232, %select_n3A : i32
      %convert_element_type3A_234 = arith.extui %lt3A_233 : i1 to i32
      %cond3A_235 = arith.constant 0 : i32
      %cond3A_236 = arith.cmpi ne, %convert_element_type3A_234, %cond3A_235 : i32
      scf.if %cond3A_236 {
        %add3A_301 = arith.constant 3 : i32
        %add3A_302 = arith.addi %add3A_208, %add3A_301 : i32
        %mul3A_303 = arith.constant 32 : i32
        %mul3A_304 = arith.muli %mul3A_303, %add3A_302 : i32
        %add3A_305 = arith.addi %add3A, %mul3A_304 : i32
        %mul3A_306 = arith.constant 128 : i32
        %mul3A_307 = arith.muli %add3A_305, %mul3A_306 : i32
        %multiple_of3A_308 = tpu.assume_multiple %mul3A_307, 128 : i32
        %dma_start3A_309 = arith.constant 0 : i32
        %dma_start3A_310 = tpu.memref_slice %arg3[%dma_start3A_309, %multiple_of3A_308] : memref<2x320000xi32, #tpu.memory_space<hbm>> -> memref<1x128xi32, #tpu.memory_space<hbm>>
        %dma_start3A_311 = tpu.memref_squeeze %dma_start3A_310 : memref<1x128xi32, #tpu.memory_space<hbm>> -> memref<128xi32, #tpu.memory_space<hbm>>
        %dma_start3A_312 = tpu.memref_slice %arg3[%dma_start3A_309, %multiple_of3A_308] : memref<2x320000xi32, #tpu.memory_space<hbm>> -> memref<1x128xi32, #tpu.memory_space<hbm>>
        %dma_start3A_313 = tpu.memref_squeeze %dma_start3A_312 : memref<1x128xi32, #tpu.memory_space<hbm>> -> memref<128xi32, #tpu.memory_space<hbm>>
        tpu.enqueue_dma source(%dma_start3A_313 : memref<128xi32, #tpu.memory_space<hbm>>) target(%arg5 : memref<128xi32, #tpu.memory_space<vmem>>) target_semaphore(%arg21 : memref<!tpu.dma_semaphore, #tpu.memory_space<semaphore_mem>>)
        %dma_start3A_314 = arith.constant 1 : i32
        %dma_start3A_315 = tpu.memref_slice %arg3[%dma_start3A_314, %multiple_of3A_308] : memref<2x320000xi32, #tpu.memory_space<hbm>> -> memref<1x128xi32, #tpu.memory_space<hbm>>
        %dma_start3A_316 = tpu.memref_squeeze %dma_start3A_315 : memref<1x128xi32, #tpu.memory_space<hbm>> -> memref<128xi32, #tpu.memory_space<hbm>>
        %dma_start3A_317 = tpu.memref_slice %arg3[%dma_start3A_314, %multiple_of3A_308] : memref<2x320000xi32, #tpu.memory_space<hbm>> -> memref<1x128xi32, #tpu.memory_space<hbm>>
        %dma_start3A_318 = tpu.memref_squeeze %dma_start3A_317 : memref<1x128xi32, #tpu.memory_space<hbm>> -> memref<128xi32, #tpu.memory_space<hbm>>
        tpu.enqueue_dma source(%dma_start3A_318 : memref<128xi32, #tpu.memory_space<hbm>>) target(%arg11 : memref<128xi32, #tpu.memory_space<vmem>>) target_semaphore(%arg27 : memref<!tpu.dma_semaphore, #tpu.memory_space<semaphore_mem>>)
      } else {
      }
      %mul3A_237 = arith.constant 6 : i32
      %mul3A_238 = arith.muli %mul3A_237, %add3A_109 : i32
      %add3A_239 = arith.constant 4 : i32
      %add3A_240 = arith.addi %mul3A_238, %add3A_239 : i32
      %ge3A_241 = arith.constant 3 : i32
      %ge3A_242 = arith.cmpi sge, %add3A_240, %ge3A_241 : i32
      %sub3A_243 = arith.constant 3 : i32
      %sub3A_244 = arith.subi %add3A_240, %sub3A_243 : i32
      %lt3A_245 = arith.cmpi slt, %sub3A_244, %select_n3A : i32
      %and3A_246 = arith.andi %ge3A_242, %lt3A_245 : i1
      %convert_element_type3A_247 = arith.extui %and3A_246 : i1 to i32
      %cond3A_248 = arith.constant 0 : i32
      %cond3A_249 = arith.cmpi ne, %convert_element_type3A_247, %cond3A_248 : i32
      scf.if %cond3A_249 {
        %dma_wait3A = arith.constant 0 : i32
        %dma_wait3A_301 = arith.constant 0 : i32
        %dma_wait3A_302 = tpu.memref_slice %arg20[%dma_wait3A, %dma_wait3A_301] : memref<10000x128xf32, #tpu.memory_space<vmem_shared>> -> memref<10000x128xf32, #tpu.memory_space<vmem_shared>>
        tpu.wait_indirect_dma semaphore(%arg37 : memref<!tpu.dma_semaphore, #tpu.memory_space<semaphore_mem>>) src(%arg18 : memref<128x128xf32, #tpu.memory_space<vmem>>) dst(%dma_wait3A_302 : memref<10000x128xf32, #tpu.memory_space<vmem_shared>>)
      } else {
      }
      %lt3A_250 = arith.cmpi slt, %add3A_240, %select_n3A : i32
      %convert_element_type3A_251 = arith.extui %lt3A_250 : i1 to i32
      %cond3A_252 = arith.constant 0 : i32
      %cond3A_253 = arith.cmpi ne, %convert_element_type3A_251, %cond3A_252 : i32
      scf.if %cond3A_253 {
        %mul3A_301 = arith.constant 32 : i32
        %mul3A_302 = arith.muli %mul3A_301, %add3A_240 : i32
        %add3A_303 = arith.addi %add3A, %mul3A_302 : i32
        %mul3A_304 = arith.constant 128 : i32
        %mul3A_305 = arith.muli %add3A_303, %mul3A_304 : i32
        %multiple_of3A_306 = tpu.assume_multiple %mul3A_305, 128 : i32
        %dma_wait3A = arith.constant 0 : i32
        %dma_wait3A_307 = tpu.memref_slice %arg3[%dma_wait3A, %multiple_of3A_306] : memref<2x320000xi32, #tpu.memory_space<hbm>> -> memref<1x128xi32, #tpu.memory_space<hbm>>
        %dma_wait3A_308 = tpu.memref_squeeze %dma_wait3A_307 : memref<1x128xi32, #tpu.memory_space<hbm>> -> memref<128xi32, #tpu.memory_space<hbm>>
        %dma_wait3A_309 = tpu.memref_slice %arg3[%dma_wait3A, %multiple_of3A_306] : memref<2x320000xi32, #tpu.memory_space<hbm>> -> memref<1x128xi32, #tpu.memory_space<hbm>>
        %dma_wait3A_310 = tpu.memref_squeeze %dma_wait3A_309 : memref<1x128xi32, #tpu.memory_space<hbm>> -> memref<128xi32, #tpu.memory_space<hbm>>
        tpu.wait_dma2 semaphore(%arg25 : memref<!tpu.dma_semaphore, #tpu.memory_space<semaphore_mem>>) src(%dma_wait3A_310 : memref<128xi32, #tpu.memory_space<hbm>>) dst(%arg9 : memref<128xi32, #tpu.memory_space<vmem>>)
        %dma_wait3A_311 = arith.constant 1 : i32
        %dma_wait3A_312 = tpu.memref_slice %arg3[%dma_wait3A_311, %multiple_of3A_306] : memref<2x320000xi32, #tpu.memory_space<hbm>> -> memref<1x128xi32, #tpu.memory_space<hbm>>
        %dma_wait3A_313 = tpu.memref_squeeze %dma_wait3A_312 : memref<1x128xi32, #tpu.memory_space<hbm>> -> memref<128xi32, #tpu.memory_space<hbm>>
        %dma_wait3A_314 = tpu.memref_slice %arg3[%dma_wait3A_311, %multiple_of3A_306] : memref<2x320000xi32, #tpu.memory_space<hbm>> -> memref<1x128xi32, #tpu.memory_space<hbm>>
        %dma_wait3A_315 = tpu.memref_squeeze %dma_wait3A_314 : memref<1x128xi32, #tpu.memory_space<hbm>> -> memref<128xi32, #tpu.memory_space<hbm>>
        tpu.wait_dma2 semaphore(%arg31 : memref<!tpu.dma_semaphore, #tpu.memory_space<semaphore_mem>>) src(%dma_wait3A_315 : memref<128xi32, #tpu.memory_space<hbm>>) dst(%arg15 : memref<128xi32, #tpu.memory_space<vmem>>)
        %dma_start3A_316 = arith.constant 0 : i32
        %dma_start3A_317 = arith.constant 0 : i32
        %dma_start3A_318 = tpu.memref_slice %arg2[%dma_start3A_316, %dma_start3A_317] : memref<10000x128xf32, #tpu.memory_space<hbm>> -> memref<10000x128xf32, #tpu.memory_space<hbm>>
        tpu.enqueue_indirect_dma source(%dma_start3A_318 : memref<10000x128xf32, #tpu.memory_space<hbm>>) target(%arg18 : memref<128x128xf32, #tpu.memory_space<vmem>>) offsets(%arg9 : memref<128xi32, #tpu.memory_space<vmem>>) semaphore(%arg34 : memref<!tpu.dma_semaphore, #tpu.memory_space<semaphore_mem>>)
      } else {
      }
      %ge3A_254 = arith.constant 1 : i32
      %ge3A_255 = arith.cmpi sge, %add3A_240, %ge3A_254 : i32
      %sub3A_256 = arith.constant 1 : i32
      %sub3A_257 = arith.subi %add3A_240, %sub3A_256 : i32
      %lt3A_258 = arith.cmpi slt, %sub3A_257, %select_n3A : i32
      %and3A_259 = arith.andi %ge3A_255, %lt3A_258 : i1
      %convert_element_type3A_260 = arith.extui %and3A_259 : i1 to i32
      %cond3A_261 = arith.constant 0 : i32
      %cond3A_262 = arith.cmpi ne, %convert_element_type3A_260, %cond3A_261 : i32
      scf.if %cond3A_262 {
        %dma_wait3A = arith.constant 0 : i32
        %dma_wait3A_301 = arith.constant 0 : i32
        %dma_wait3A_302 = tpu.memref_slice %arg2[%dma_wait3A, %dma_wait3A_301] : memref<10000x128xf32, #tpu.memory_space<hbm>> -> memref<10000x128xf32, #tpu.memory_space<hbm>>
        tpu.wait_indirect_dma semaphore(%arg33 : memref<!tpu.dma_semaphore, #tpu.memory_space<semaphore_mem>>) src(%dma_wait3A_302 : memref<10000x128xf32, #tpu.memory_space<hbm>>) dst(%arg17 : memref<128x128xf32, #tpu.memory_space<vmem>>)
        %dma_start3A_303 = arith.constant 0 : i32
        %dma_start3A_304 = arith.constant 0 : i32
        %dma_start3A_305 = tpu.memref_slice %arg20[%dma_start3A_303, %dma_start3A_304] : memref<10000x128xf32, #tpu.memory_space<vmem_shared>> -> memref<10000x128xf32, #tpu.memory_space<vmem_shared>>
        tpu.enqueue_indirect_dma source(%arg17 : memref<128x128xf32, #tpu.memory_space<vmem>>) target(%dma_start3A_305 : memref<10000x128xf32, #tpu.memory_space<vmem_shared>>) offsets(%arg14 : memref<128xi32, #tpu.memory_space<vmem>>) semaphore(%arg36 : memref<!tpu.dma_semaphore, #tpu.memory_space<semaphore_mem>>) {add = true}
      } else {
      }
      %add3A_263 = arith.constant 3 : i32
      %add3A_264 = arith.addi %add3A_240, %add3A_263 : i32
      %lt3A_265 = arith.cmpi slt, %add3A_264, %select_n3A : i32
      %convert_element_type3A_266 = arith.extui %lt3A_265 : i1 to i32
      %cond3A_267 = arith.constant 0 : i32
      %cond3A_268 = arith.cmpi ne, %convert_element_type3A_266, %cond3A_267 : i32
      scf.if %cond3A_268 {
        %add3A_301 = arith.constant 3 : i32
        %add3A_302 = arith.addi %add3A_240, %add3A_301 : i32
        %mul3A_303 = arith.constant 32 : i32
        %mul3A_304 = arith.muli %mul3A_303, %add3A_302 : i32
        %add3A_305 = arith.addi %add3A, %mul3A_304 : i32
        %mul3A_306 = arith.constant 128 : i32
        %mul3A_307 = arith.muli %add3A_305, %mul3A_306 : i32
        %multiple_of3A_308 = tpu.assume_multiple %mul3A_307, 128 : i32
        %dma_start3A_309 = arith.constant 0 : i32
        %dma_start3A_310 = tpu.memref_slice %arg3[%dma_start3A_309, %multiple_of3A_308] : memref<2x320000xi32, #tpu.memory_space<hbm>> -> memref<1x128xi32, #tpu.memory_space<hbm>>
        %dma_start3A_311 = tpu.memref_squeeze %dma_start3A_310 : memref<1x128xi32, #tpu.memory_space<hbm>> -> memref<128xi32, #tpu.memory_space<hbm>>
        %dma_start3A_312 = tpu.memref_slice %arg3[%dma_start3A_309, %multiple_of3A_308] : memref<2x320000xi32, #tpu.memory_space<hbm>> -> memref<1x128xi32, #tpu.memory_space<hbm>>
        %dma_start3A_313 = tpu.memref_squeeze %dma_start3A_312 : memref<1x128xi32, #tpu.memory_space<hbm>> -> memref<128xi32, #tpu.memory_space<hbm>>
        tpu.enqueue_dma source(%dma_start3A_313 : memref<128xi32, #tpu.memory_space<hbm>>) target(%arg6 : memref<128xi32, #tpu.memory_space<vmem>>) target_semaphore(%arg22 : memref<!tpu.dma_semaphore, #tpu.memory_space<semaphore_mem>>)
        %dma_start3A_314 = arith.constant 1 : i32
        %dma_start3A_315 = tpu.memref_slice %arg3[%dma_start3A_314, %multiple_of3A_308] : memref<2x320000xi32, #tpu.memory_space<hbm>> -> memref<1x128xi32, #tpu.memory_space<hbm>>
        %dma_start3A_316 = tpu.memref_squeeze %dma_start3A_315 : memref<1x128xi32, #tpu.memory_space<hbm>> -> memref<128xi32, #tpu.memory_space<hbm>>
        %dma_start3A_317 = tpu.memref_slice %arg3[%dma_start3A_314, %multiple_of3A_308] : memref<2x320000xi32, #tpu.memory_space<hbm>> -> memref<1x128xi32, #tpu.memory_space<hbm>>
        %dma_start3A_318 = tpu.memref_squeeze %dma_start3A_317 : memref<1x128xi32, #tpu.memory_space<hbm>> -> memref<128xi32, #tpu.memory_space<hbm>>
        tpu.enqueue_dma source(%dma_start3A_318 : memref<128xi32, #tpu.memory_space<hbm>>) target(%arg12 : memref<128xi32, #tpu.memory_space<vmem>>) target_semaphore(%arg28 : memref<!tpu.dma_semaphore, #tpu.memory_space<semaphore_mem>>)
      } else {
      }
      %mul3A_269 = arith.constant 6 : i32
      %mul3A_270 = arith.muli %mul3A_269, %add3A_109 : i32
      %add3A_271 = arith.constant 5 : i32
      %add3A_272 = arith.addi %mul3A_270, %add3A_271 : i32
      %ge3A_273 = arith.constant 3 : i32
      %ge3A_274 = arith.cmpi sge, %add3A_272, %ge3A_273 : i32
      %sub3A_275 = arith.constant 3 : i32
      %sub3A_276 = arith.subi %add3A_272, %sub3A_275 : i32
      %lt3A_277 = arith.cmpi slt, %sub3A_276, %select_n3A : i32
      %and3A_278 = arith.andi %ge3A_274, %lt3A_277 : i1
      %convert_element_type3A_279 = arith.extui %and3A_278 : i1 to i32
      %cond3A_280 = arith.constant 0 : i32
      %cond3A_281 = arith.cmpi ne, %convert_element_type3A_279, %cond3A_280 : i32
      scf.if %cond3A_281 {
        %dma_wait3A = arith.constant 0 : i32
        %dma_wait3A_301 = arith.constant 0 : i32
        %dma_wait3A_302 = tpu.memref_slice %arg20[%dma_wait3A, %dma_wait3A_301] : memref<10000x128xf32, #tpu.memory_space<vmem_shared>> -> memref<10000x128xf32, #tpu.memory_space<vmem_shared>>
        tpu.wait_indirect_dma semaphore(%arg38 : memref<!tpu.dma_semaphore, #tpu.memory_space<semaphore_mem>>) src(%arg19 : memref<128x128xf32, #tpu.memory_space<vmem>>) dst(%dma_wait3A_302 : memref<10000x128xf32, #tpu.memory_space<vmem_shared>>)
      } else {
      }
      %lt3A_282 = arith.cmpi slt, %add3A_272, %select_n3A : i32
      %convert_element_type3A_283 = arith.extui %lt3A_282 : i1 to i32
      %cond3A_284 = arith.constant 0 : i32
      %cond3A_285 = arith.cmpi ne, %convert_element_type3A_283, %cond3A_284 : i32
      scf.if %cond3A_285 {
        %mul3A_301 = arith.constant 32 : i32
        %mul3A_302 = arith.muli %mul3A_301, %add3A_272 : i32
        %add3A_303 = arith.addi %add3A, %mul3A_302 : i32
        %mul3A_304 = arith.constant 128 : i32
        %mul3A_305 = arith.muli %add3A_303, %mul3A_304 : i32
        %multiple_of3A_306 = tpu.assume_multiple %mul3A_305, 128 : i32
        %dma_wait3A = arith.constant 0 : i32
        %dma_wait3A_307 = tpu.memref_slice %arg3[%dma_wait3A, %multiple_of3A_306] : memref<2x320000xi32, #tpu.memory_space<hbm>> -> memref<1x128xi32, #tpu.memory_space<hbm>>
        %dma_wait3A_308 = tpu.memref_squeeze %dma_wait3A_307 : memref<1x128xi32, #tpu.memory_space<hbm>> -> memref<128xi32, #tpu.memory_space<hbm>>
        %dma_wait3A_309 = tpu.memref_slice %arg3[%dma_wait3A, %multiple_of3A_306] : memref<2x320000xi32, #tpu.memory_space<hbm>> -> memref<1x128xi32, #tpu.memory_space<hbm>>
        %dma_wait3A_310 = tpu.memref_squeeze %dma_wait3A_309 : memref<1x128xi32, #tpu.memory_space<hbm>> -> memref<128xi32, #tpu.memory_space<hbm>>
        tpu.wait_dma2 semaphore(%arg26 : memref<!tpu.dma_semaphore, #tpu.memory_space<semaphore_mem>>) src(%dma_wait3A_310 : memref<128xi32, #tpu.memory_space<hbm>>) dst(%arg10 : memref<128xi32, #tpu.memory_space<vmem>>)
        %dma_wait3A_311 = arith.constant 1 : i32
        %dma_wait3A_312 = tpu.memref_slice %arg3[%dma_wait3A_311, %multiple_of3A_306] : memref<2x320000xi32, #tpu.memory_space<hbm>> -> memref<1x128xi32, #tpu.memory_space<hbm>>
        %dma_wait3A_313 = tpu.memref_squeeze %dma_wait3A_312 : memref<1x128xi32, #tpu.memory_space<hbm>> -> memref<128xi32, #tpu.memory_space<hbm>>
        %dma_wait3A_314 = tpu.memref_slice %arg3[%dma_wait3A_311, %multiple_of3A_306] : memref<2x320000xi32, #tpu.memory_space<hbm>> -> memref<1x128xi32, #tpu.memory_space<hbm>>
        %dma_wait3A_315 = tpu.memref_squeeze %dma_wait3A_314 : memref<1x128xi32, #tpu.memory_space<hbm>> -> memref<128xi32, #tpu.memory_space<hbm>>
        tpu.wait_dma2 semaphore(%arg32 : memref<!tpu.dma_semaphore, #tpu.memory_space<semaphore_mem>>) src(%dma_wait3A_315 : memref<128xi32, #tpu.memory_space<hbm>>) dst(%arg16 : memref<128xi32, #tpu.memory_space<vmem>>)
        %dma_start3A_316 = arith.constant 0 : i32
        %dma_start3A_317 = arith.constant 0 : i32
        %dma_start3A_318 = tpu.memref_slice %arg2[%dma_start3A_316, %dma_start3A_317] : memref<10000x128xf32, #tpu.memory_space<hbm>> -> memref<10000x128xf32, #tpu.memory_space<hbm>>
        tpu.enqueue_indirect_dma source(%dma_start3A_318 : memref<10000x128xf32, #tpu.memory_space<hbm>>) target(%arg19 : memref<128x128xf32, #tpu.memory_space<vmem>>) offsets(%arg10 : memref<128xi32, #tpu.memory_space<vmem>>) semaphore(%arg35 : memref<!tpu.dma_semaphore, #tpu.memory_space<semaphore_mem>>)
      } else {
      }
      %ge3A_286 = arith.constant 1 : i32
      %ge3A_287 = arith.cmpi sge, %add3A_272, %ge3A_286 : i32
      %sub3A_288 = arith.constant 1 : i32
      %sub3A_289 = arith.subi %add3A_272, %sub3A_288 : i32
      %lt3A_290 = arith.cmpi slt, %sub3A_289, %select_n3A : i32
      %and3A_291 = arith.andi %ge3A_287, %lt3A_290 : i1
      %convert_element_type3A_292 = arith.extui %and3A_291 : i1 to i32
      %cond3A_293 = arith.constant 0 : i32
      %cond3A_294 = arith.cmpi ne, %convert_element_type3A_292, %cond3A_293 : i32
      scf.if %cond3A_294 {
        %dma_wait3A = arith.constant 0 : i32
        %dma_wait3A_301 = arith.constant 0 : i32
        %dma_wait3A_302 = tpu.memref_slice %arg2[%dma_wait3A, %dma_wait3A_301] : memref<10000x128xf32, #tpu.memory_space<hbm>> -> memref<10000x128xf32, #tpu.memory_space<hbm>>
        tpu.wait_indirect_dma semaphore(%arg34 : memref<!tpu.dma_semaphore, #tpu.memory_space<semaphore_mem>>) src(%dma_wait3A_302 : memref<10000x128xf32, #tpu.memory_space<hbm>>) dst(%arg18 : memref<128x128xf32, #tpu.memory_space<vmem>>)
        %dma_start3A_303 = arith.constant 0 : i32
        %dma_start3A_304 = arith.constant 0 : i32
        %dma_start3A_305 = tpu.memref_slice %arg20[%dma_start3A_303, %dma_start3A_304] : memref<10000x128xf32, #tpu.memory_space<vmem_shared>> -> memref<10000x128xf32, #tpu.memory_space<vmem_shared>>
        tpu.enqueue_indirect_dma source(%arg18 : memref<128x128xf32, #tpu.memory_space<vmem>>) target(%dma_start3A_305 : memref<10000x128xf32, #tpu.memory_space<vmem_shared>>) offsets(%arg15 : memref<128xi32, #tpu.memory_space<vmem>>) semaphore(%arg37 : memref<!tpu.dma_semaphore, #tpu.memory_space<semaphore_mem>>) {add = true}
      } else {
      }
      %add3A_295 = arith.constant 3 : i32
      %add3A_296 = arith.addi %add3A_272, %add3A_295 : i32
      %lt3A_297 = arith.cmpi slt, %add3A_296, %select_n3A : i32
      %convert_element_type3A_298 = arith.extui %lt3A_297 : i1 to i32
      %cond3A_299 = arith.constant 0 : i32
      %cond3A_300 = arith.cmpi ne, %convert_element_type3A_298, %cond3A_299 : i32
      scf.if %cond3A_300 {
        %add3A_301 = arith.constant 3 : i32
        %add3A_302 = arith.addi %add3A_272, %add3A_301 : i32
        %mul3A_303 = arith.constant 32 : i32
        %mul3A_304 = arith.muli %mul3A_303, %add3A_302 : i32
        %add3A_305 = arith.addi %add3A, %mul3A_304 : i32
        %mul3A_306 = arith.constant 128 : i32
        %mul3A_307 = arith.muli %add3A_305, %mul3A_306 : i32
        %multiple_of3A_308 = tpu.assume_multiple %mul3A_307, 128 : i32
        %dma_start3A_309 = arith.constant 0 : i32
        %dma_start3A_310 = tpu.memref_slice %arg3[%dma_start3A_309, %multiple_of3A_308] : memref<2x320000xi32, #tpu.memory_space<hbm>> -> memref<1x128xi32, #tpu.memory_space<hbm>>
        %dma_start3A_311 = tpu.memref_squeeze %dma_start3A_310 : memref<1x128xi32, #tpu.memory_space<hbm>> -> memref<128xi32, #tpu.memory_space<hbm>>
        %dma_start3A_312 = tpu.memref_slice %arg3[%dma_start3A_309, %multiple_of3A_308] : memref<2x320000xi32, #tpu.memory_space<hbm>> -> memref<1x128xi32, #tpu.memory_space<hbm>>
        %dma_start3A_313 = tpu.memref_squeeze %dma_start3A_312 : memref<1x128xi32, #tpu.memory_space<hbm>> -> memref<128xi32, #tpu.memory_space<hbm>>
        tpu.enqueue_dma source(%dma_start3A_313 : memref<128xi32, #tpu.memory_space<hbm>>) target(%arg7 : memref<128xi32, #tpu.memory_space<vmem>>) target_semaphore(%arg23 : memref<!tpu.dma_semaphore, #tpu.memory_space<semaphore_mem>>)
        %dma_start3A_314 = arith.constant 1 : i32
        %dma_start3A_315 = tpu.memref_slice %arg3[%dma_start3A_314, %multiple_of3A_308] : memref<2x320000xi32, #tpu.memory_space<hbm>> -> memref<1x128xi32, #tpu.memory_space<hbm>>
        %dma_start3A_316 = tpu.memref_squeeze %dma_start3A_315 : memref<1x128xi32, #tpu.memory_space<hbm>> -> memref<128xi32, #tpu.memory_space<hbm>>
        %dma_start3A_317 = tpu.memref_slice %arg3[%dma_start3A_314, %multiple_of3A_308] : memref<2x320000xi32, #tpu.memory_space<hbm>> -> memref<1x128xi32, #tpu.memory_space<hbm>>
        %dma_start3A_318 = tpu.memref_squeeze %dma_start3A_317 : memref<1x128xi32, #tpu.memory_space<hbm>> -> memref<128xi32, #tpu.memory_space<hbm>>
        tpu.enqueue_dma source(%dma_start3A_318 : memref<128xi32, #tpu.memory_space<hbm>>) target(%arg13 : memref<128xi32, #tpu.memory_space<vmem>>) target_semaphore(%arg29 : memref<!tpu.dma_semaphore, #tpu.memory_space<semaphore_mem>>)
      } else {
      }
    }
    %scan3A_95 = arith.constant 14 : i32
    %barrier3A_96 = arith.constant 0 : index
    tpu.barrier barrier_id(%barrier3A_96)
    %mul3A_97 = arith.constant 624 : i32
    %mul3A_98 = arith.muli %arg1, %mul3A_97 : i32
    %lt3A = arith.constant 15 : i32
    %lt3A_99 = arith.cmpi slt, %arg1, %lt3A : i32
    %convert_element_type3A = arith.extui %lt3A_99 : i1 to i32
    %cond3A = arith.constant 0 : i32
    %cond3A_100 = arith.cmpi ne, %convert_element_type3A, %cond3A : i32
    scf.if %cond3A_100 {
      "tpu.region"() ({
        %run_scoped3A = tpu.sem_alloc : memref<!tpu.dma_semaphore, #tpu.memory_space<semaphore_mem>>
        %dma_start3A_105 = arith.constant 0 : i32
        %dma_start3A_106 = tpu.memref_slice %arg4[%arg0, %mul3A_98, %dma_start3A_105] : memref<2x10000x128xf32, #tpu.memory_space<hbm>> -> memref<1x624x128xf32, #tpu.memory_space<hbm>>
        %dma_start3A_107 = tpu.memref_squeeze %dma_start3A_106 : memref<1x624x128xf32, #tpu.memory_space<hbm>> -> memref<624x128xf32, #tpu.memory_space<hbm>>
        %dma_start3A_108 = arith.constant 0 : i32
        %dma_start3A_109 = tpu.memref_slice %arg20[%mul3A_98, %dma_start3A_108] : memref<10000x128xf32, #tpu.memory_space<vmem_shared>> -> memref<624x128xf32, #tpu.memory_space<vmem_shared>>
        tpu.enqueue_dma source(%dma_start3A_109 : memref<624x128xf32, #tpu.memory_space<vmem_shared>>) target(%dma_start3A_107 : memref<624x128xf32, #tpu.memory_space<hbm>>) target_semaphore(%run_scoped3A : memref<!tpu.dma_semaphore, #tpu.memory_space<semaphore_mem>>)
        %dma_wait3A = arith.constant 0 : i32
        %dma_wait3A_110 = tpu.memref_slice %arg4[%arg0, %mul3A_98, %dma_wait3A] : memref<2x10000x128xf32, #tpu.memory_space<hbm>> -> memref<1x624x128xf32, #tpu.memory_space<hbm>>
        %dma_wait3A_111 = tpu.memref_squeeze %dma_wait3A_110 : memref<1x624x128xf32, #tpu.memory_space<hbm>> -> memref<624x128xf32, #tpu.memory_space<hbm>>
        %dma_wait3A_112 = arith.constant 0 : i32
        %dma_wait3A_113 = tpu.memref_slice %arg20[%mul3A_98, %dma_wait3A_112] : memref<10000x128xf32, #tpu.memory_space<vmem_shared>> -> memref<624x128xf32, #tpu.memory_space<vmem_shared>>
        tpu.wait_dma2 semaphore(%run_scoped3A : memref<!tpu.dma_semaphore, #tpu.memory_space<semaphore_mem>>) src(%dma_wait3A_113 : memref<624x128xf32, #tpu.memory_space<vmem_shared>>) dst(%dma_wait3A_111 : memref<624x128xf32, #tpu.memory_space<hbm>>)
        tpu.yield
      }) : () -> ()
    } else {
    }
    %eq3A = arith.constant 15 : i32
    %eq3A_101 = arith.cmpi eq, %arg1, %eq3A : i32
    %convert_element_type3A_102 = arith.extui %eq3A_101 : i1 to i32
    %cond3A_103 = arith.constant 0 : i32
    %cond3A_104 = arith.cmpi ne, %convert_element_type3A_102, %cond3A_103 : i32
    scf.if %cond3A_104 {
      "tpu.region"() ({
        %run_scoped3A = tpu.sem_alloc : memref<!tpu.dma_semaphore, #tpu.memory_space<semaphore_mem>>
        %dma_start3A_105 = arith.constant 9360 : i32
        %dma_start3A_106 = arith.constant 0 : i32
        %dma_start3A_107 = tpu.memref_slice %arg4[%arg0, %dma_start3A_105, %dma_start3A_106] : memref<2x10000x128xf32, #tpu.memory_space<hbm>> -> memref<1x640x128xf32, #tpu.memory_space<hbm>>
        %dma_start3A_108 = tpu.memref_squeeze %dma_start3A_107 : memref<1x640x128xf32, #tpu.memory_space<hbm>> -> memref<640x128xf32, #tpu.memory_space<hbm>>
        %dma_start3A_109 = arith.constant 9360 : i32
        %dma_start3A_110 = arith.constant 0 : i32
        %dma_start3A_111 = tpu.memref_slice %arg20[%dma_start3A_109, %dma_start3A_110] : memref<10000x128xf32, #tpu.memory_space<vmem_shared>> -> memref<640x128xf32, #tpu.memory_space<vmem_shared>>
        tpu.enqueue_dma source(%dma_start3A_111 : memref<640x128xf32, #tpu.memory_space<vmem_shared>>) target(%dma_start3A_108 : memref<640x128xf32, #tpu.memory_space<hbm>>) target_semaphore(%run_scoped3A : memref<!tpu.dma_semaphore, #tpu.memory_space<semaphore_mem>>)
        %dma_wait3A = arith.constant 9360 : i32
        %dma_wait3A_112 = arith.constant 0 : i32
        %dma_wait3A_113 = tpu.memref_slice %arg4[%arg0, %dma_wait3A, %dma_wait3A_112] : memref<2x10000x128xf32, #tpu.memory_space<hbm>> -> memref<1x640x128xf32, #tpu.memory_space<hbm>>
        %dma_wait3A_114 = tpu.memref_squeeze %dma_wait3A_113 : memref<1x640x128xf32, #tpu.memory_space<hbm>> -> memref<640x128xf32, #tpu.memory_space<hbm>>
        %dma_wait3A_115 = arith.constant 9360 : i32
        %dma_wait3A_116 = arith.constant 0 : i32
        %dma_wait3A_117 = tpu.memref_slice %arg20[%dma_wait3A_115, %dma_wait3A_116] : memref<10000x128xf32, #tpu.memory_space<vmem_shared>> -> memref<640x128xf32, #tpu.memory_space<vmem_shared>>
        tpu.wait_dma2 semaphore(%run_scoped3A : memref<!tpu.dma_semaphore, #tpu.memory_space<semaphore_mem>>) src(%dma_wait3A_117 : memref<640x128xf32, #tpu.memory_space<vmem_shared>>) dst(%dma_wait3A_114 : memref<640x128xf32, #tpu.memory_space<hbm>>)
        tpu.yield
      }) : () -> ()
    } else {
    }
    return
  }
}

module attributes {stable_mosaic.version = 14 : i64} {
  func.func @body(%arg0: i32, %arg1: memref<1024x128xf32, #tpu.memory_space<vmem>>, %arg2: memref<128x128xf32, #tpu.memory_space<vmem>>, %arg3: memref<32x1024xi32, #tpu.memory_space<vmem>>, %arg4: memref<1024x128xf32, #tpu.memory_space<vmem>>) attributes {dimension_semantics = [#tpu.dimension_semantics<arbitrary>], iteration_bounds = array<i64: 10>, scalar_prefetch = 0 : i64, scratch_operands = 0 : i64, tpu.core_type = #tpu.core_type<tc>, window_params = [{transform_indices = @transform_0, window_bounds = array<i64: 1024, 128>}, {pipeline_mode = #tpu.pipeline_mode<synchronous>, transform_indices = @transform_1, window_bounds = array<i64: 128, 128>}, {transform_indices = @transform_2, window_bounds = array<i64: 32, 1024>}, {transform_indices = @transform_3, window_bounds = array<i64: 1024, 128>}]} {
    %get3A = arith.constant 0 : index
    %get3A_0 = arith.constant 0 : index
    %get3A_1 = vector.load %arg3[%get3A, %get3A_0] : memref<32x1024xi32, #tpu.memory_space<vmem>>, vector<32x1024xi32>
    %convert_element_type3A = arith.sitofp %get3A_1 : vector<32x1024xi32> to vector<32x1024xf32>
    %broadcast_in_dim3A = arith.constant 1.000000e+00 : f32
    %broadcast_in_dim3A_2 = vector.broadcast %broadcast_in_dim3A : f32 to vector<32x1xf32>
    %dot_general3A = arith.constant dense<0.000000e+00> : vector<1024x1xf32>
    %dot_general3A_3 = tpu.matmul %convert_element_type3A, %broadcast_in_dim3A_2, %dot_general3A {dimension_numbers = #tpu.dot_dimension_numbers<[0], [0], [1], [1], [0, 1, 1, 1], [], []>, transpose_lhs_hint = false} : vector<32x1024xf32>, vector<32x1xf32>, vector<1024x1xf32> -> vector<1024x1xf32>
    %add3A = arith.constant 1.000000e+00 : f32
    %add3A_4 = vector.broadcast %add3A : f32 to vector<1024x1xf32>
    %add3A_5 = arith.addf %dot_general3A_3, %add3A_4 : vector<1024x1xf32>
    %get3A_6 = arith.constant 0 : index
    %get3A_7 = arith.constant 0 : index
    %get3A_8 = vector.load %arg1[%get3A_6, %get3A_7] : memref<1024x128xf32, #tpu.memory_space<vmem>>, vector<1024x128xf32>
    %get3A_9 = arith.constant 0 : index
    %get3A_10 = arith.constant 0 : index
    %get3A_11 = vector.load %arg2[%get3A_9, %get3A_10] : memref<128x128xf32, #tpu.memory_space<vmem>>, vector<128x128xf32>
    %dot_general3A_12 = arith.constant dense<0.000000e+00> : vector<1024x128xf32>
    %dot_general3A_13 = tpu.matmul %get3A_8, %get3A_11, %dot_general3A_12 {dimension_numbers = #tpu.dot_dimension_numbers<[1], [0], [0], [1], [0, 0, 1, 1], [], []>, transpose_lhs_hint = false} : vector<1024x128xf32>, vector<128x128xf32>, vector<1024x128xf32> -> vector<1024x128xf32>
    %rsqrt3A = math.rsqrt %add3A_5 : vector<1024x1xf32>
    %mul3A = vector.broadcast %rsqrt3A : vector<1024x1xf32> to vector<1024x128xf32>
    %mul3A_14 = arith.mulf %dot_general3A_13, %mul3A : vector<1024x128xf32>
    %swap3A = arith.constant 0 : index
    %swap3A_15 = arith.constant 0 : index
    %swap3A_16 = vector.load %arg4[%swap3A, %swap3A_15] : memref<1024x128xf32, #tpu.memory_space<vmem>>, vector<1024x128xf32>
    tpu.vector_store %arg4[%swap3A, %swap3A_15], %mul3A_14 {strides = array<i32>} : memref<1024x128xf32, #tpu.memory_space<vmem>>, vector<1024x128xf32>,
    return
  }
  func.func @transform_0(%arg0: i32) -> (i32, i32) {
    %c0_i32 = arith.constant 0 : i32
    %c0_i32_0 = arith.constant 0 : i32
    return %arg0, %c0_i32 : i32, i32
  }
  func.func @transform_1(%arg0: i32) -> (i32, i32) {
    %c0_i32 = arith.constant 0 : i32
    %c0_i32_0 = arith.constant 0 : i32
    %c0_i32_1 = arith.constant 0 : i32
    return %c0_i32, %c0_i32_0 : i32, i32
  }
  func.func @transform_2(%arg0: i32) -> (i32, i32) {
    %c0_i32 = arith.constant 0 : i32
    %c0_i32_0 = arith.constant 0 : i32
    return %c0_i32, %arg0 : i32, i32
  }
  func.func @transform_3(%arg0: i32) -> (i32, i32) {
    %c0_i32 = arith.constant 0 : i32
    %c0_i32_0 = arith.constant 0 : i32
    return %arg0, %c0_i32 : i32, i32
  }
}

module attributes {stable_mosaic.version = 14 : i64} {
  func.func @body(%arg0: i32, %arg1: memref<1024x128xf32, #tpu.memory_space<vmem>>, %arg2: memref<1024x128xf32, #tpu.memory_space<vmem>>, %arg3: memref<1024x128xf32, #tpu.memory_space<vmem>>, %arg4: memref<32x1024xi32, #tpu.memory_space<vmem>>, %arg5: memref<1x128xf32, #tpu.memory_space<vmem>>, %arg6: memref<1024x128xf32, #tpu.memory_space<vmem>>) attributes {dimension_semantics = [#tpu.dimension_semantics<arbitrary>], iteration_bounds = array<i64: 10>, scalar_prefetch = 0 : i64, scratch_operands = 0 : i64, tpu.core_type = #tpu.core_type<tc>, window_params = [{transform_indices = @transform_0, window_bounds = array<i64: 1024, 128>}, {transform_indices = @transform_1, window_bounds = array<i64: 1024, 128>}, {transform_indices = @transform_2, window_bounds = array<i64: 1024, 128>}, {transform_indices = @transform_3, window_bounds = array<i64: 32, 1024>}, {pipeline_mode = #tpu.pipeline_mode<synchronous>, transform_indices = @transform_4, window_bounds = array<i64: 1, 128>}, {transform_indices = @transform_5, window_bounds = array<i64: 1024, 128>}]} {
    %get3A = arith.constant 0 : index
    %get3A_0 = arith.constant 0 : index
    %get3A_1 = vector.load %arg4[%get3A, %get3A_0] : memref<32x1024xi32, #tpu.memory_space<vmem>>, vector<32x1024xi32>
    %convert_element_type3A = arith.sitofp %get3A_1 : vector<32x1024xi32> to vector<32x1024xf32>
    %broadcast_in_dim3A = arith.constant 1.000000e+00 : f32
    %broadcast_in_dim3A_2 = vector.broadcast %broadcast_in_dim3A : f32 to vector<32x1xf32>
    %dot_general3A = arith.constant dense<0.000000e+00> : vector<1024x1xf32>
    %dot_general3A_3 = tpu.matmul %convert_element_type3A, %broadcast_in_dim3A_2, %dot_general3A {dimension_numbers = #tpu.dot_dimension_numbers<[0], [0], [1], [1], [0, 1, 1, 1], [], []>, transpose_lhs_hint = false} : vector<32x1024xf32>, vector<32x1xf32>, vector<1024x1xf32> -> vector<1024x1xf32>
    %add3A = arith.constant 1.000000e+00 : f32
    %add3A_4 = vector.broadcast %add3A : f32 to vector<1024x1xf32>
    %add3A_5 = arith.addf %dot_general3A_3, %add3A_4 : vector<1024x1xf32>
    %get3A_6 = arith.constant 0 : index
    %get3A_7 = arith.constant 0 : index
    %get3A_8 = vector.load %arg1[%get3A_6, %get3A_7] : memref<1024x128xf32, #tpu.memory_space<vmem>>, vector<1024x128xf32>
    %get3A_9 = arith.constant 0 : index
    %get3A_10 = arith.constant 0 : index
    %get3A_11 = vector.load %arg2[%get3A_9, %get3A_10] : memref<1024x128xf32, #tpu.memory_space<vmem>>, vector<1024x128xf32>
    %add3A_12 = arith.addf %get3A_8, %get3A_11 : vector<1024x128xf32>
    %get3A_13 = arith.constant 0 : index
    %get3A_14 = arith.constant 0 : index
    %get3A_15 = vector.load %arg3[%get3A_13, %get3A_14] : memref<1024x128xf32, #tpu.memory_space<vmem>>, vector<1024x128xf32>
    %add3A_16 = arith.addf %add3A_12, %get3A_15 : vector<1024x128xf32>
    %rsqrt3A = math.rsqrt %add3A_5 : vector<1024x1xf32>
    %mul3A = vector.broadcast %rsqrt3A : vector<1024x1xf32> to vector<1024x128xf32>
    %mul3A_17 = arith.mulf %add3A_16, %mul3A : vector<1024x128xf32>
    %get3A_18 = arith.constant 0 : index
    %get3A_19 = arith.constant 0 : index
    %get3A_20 = vector.load %arg5[%get3A_18, %get3A_19] : memref<1x128xf32, #tpu.memory_space<vmem>>, vector<1x128xf32>
    %add3A_21 = vector.broadcast %get3A_20 : vector<1x128xf32> to vector<1024x128xf32>
    %add3A_22 = arith.addf %mul3A_17, %add3A_21 : vector<1024x128xf32>
    %max3A = arith.constant 0.000000e+00 : f32
    %max3A_23 = vector.broadcast %max3A : f32 to vector<1024x128xf32>
    %max3A_24 = arith.maximumf %add3A_22, %max3A_23 : vector<1024x128xf32>
    %swap3A = arith.constant 0 : index
    %swap3A_25 = arith.constant 0 : index
    %swap3A_26 = vector.load %arg6[%swap3A, %swap3A_25] : memref<1024x128xf32, #tpu.memory_space<vmem>>, vector<1024x128xf32>
    tpu.vector_store %arg6[%swap3A, %swap3A_25], %max3A_24 {strides = array<i32>} : memref<1024x128xf32, #tpu.memory_space<vmem>>, vector<1024x128xf32>,
    return
  }
  func.func @transform_0(%arg0: i32) -> (i32, i32) {
    %c0_i32 = arith.constant 0 : i32
    %c0_i32_0 = arith.constant 0 : i32
    return %arg0, %c0_i32 : i32, i32
  }
  func.func @transform_1(%arg0: i32) -> (i32, i32) {
    %c0_i32 = arith.constant 0 : i32
    %c0_i32_0 = arith.constant 0 : i32
    return %arg0, %c0_i32 : i32, i32
  }
  func.func @transform_2(%arg0: i32) -> (i32, i32) {
    %c0_i32 = arith.constant 0 : i32
    %c0_i32_0 = arith.constant 0 : i32
    return %arg0, %c0_i32 : i32, i32
  }
  func.func @transform_3(%arg0: i32) -> (i32, i32) {
    %c0_i32 = arith.constant 0 : i32
    %c0_i32_0 = arith.constant 0 : i32
    return %c0_i32, %arg0 : i32, i32
  }
  func.func @transform_4(%arg0: i32) -> (i32, i32) {
    %c0_i32 = arith.constant 0 : i32
    %c0_i32_0 = arith.constant 0 : i32
    %c0_i32_1 = arith.constant 0 : i32
    return %c0_i32, %c0_i32_0 : i32, i32
  }
  func.func @transform_5(%arg0: i32) -> (i32, i32) {
    %c0_i32 = arith.constant 0 : i32
    %c0_i32_0 = arith.constant 0 : i32
    return %arg0, %c0_i32 : i32, i32
  }
}

</mosaic_0001>

<sc_bundles>
// kernel: kernel.6.cloned.1.call-start
scs
__scs_entry_jumppad:
0x0: {  	(pc) =	sbr.rel $0x88, $3  }
0x1: {  	(tag) =	ssettag $0x0;
	lr =	simm.s32 $0x1  }
0x2: {  	[smem:$0x3F9D] =	sst lr;
	_ =	strace $0xD0000000  }
0x3: {  	_ = 	snop  }
0x4: {  	_ = 	snop  }
0x5: {  	_ = 	snop  }
0x6: {  	_ = 	snop  }
0x7: {  	_ = 	snop  }
__scs_overlays_trampoline_lowered:
0x8: {  	[smem:$0x3FAC] =	sst s0  }
0x9: {  	[smem:$0x3FAD] =	sst s1  }
0xa: {  	[smem:$0x3FAE] =	sst s2  }
0xb: {  	[smem:$0x3FAF] =	sst s3  }
0xc: {  	[smem:$0x3FB0] =	sst s4  }
0xd: {  	[smem:$0x3FB1] =	sst s5  }
0xe: {  	[smem:$0x3FB2] =	sst s6  }
0xf: {  	[smem:$0x3FB3] =	sst s7  }
0x10: {  	[smem:$0x3FB4] =	sst s8  }
0x11: {  	[smem:$0x3FB5] =	sst s9;
	s0 =	simm.s32 @!p0 $0x0  }
0x12: {  	s1 =	sld [smem:$0x3F9B];
	s0 =	simm.s32 @p0 $0x1  }
0x13: {  	[smem:$0x3FB6] =	sst s0;
	s0 =	simm.s32 @!p1 $0x0  }
0x14: {  	s2 =	sld [smem:$0x3F9A];
	s0 =	simm.s32 @p1 $0x1  }
0x15: {  	[smem:$0x3FB7] =	sst s0;
	s0 =	simm.s32 @!p2 $0x0  }
0x16: {  	s3 =	sld [smem:$0x3FDB];
	s0 =	simm.s32 @p2 $0x1  }
0x17: {  	s4 =	simm.s32 $0x1BF5;
	[smem:$0x3FB9] =	sst s0  }
0x18: {  	s0 =	sld [smem:$0x3F9C];
	_ =	swait.ge [sflag:s4], $0x0  }
0x19: {  	s7 =	sld [smem:$0x3F9D]  }
0x1a: {  	s8 =	sadd.s32 $0xFFFFE003, lr  }
0x1b: {  	s9 =	sadd.s32 $0xFFFFFEF7, lr;
	s5 =	simm.s32 $0xFFFFFFFF;
	p2 =	slt.u32 s8, $0xFFFFF086  }
0x1c: {  	p1 =	slt.u32 s9, $0xF7A;
	s5 =	simm.s32 @!p2 $0x0  }
0x1d: {  	s5 =	simm.s32 @p1 $0x1;
	p0 =	seq.s32 s7, s2  }
0x1e: {  	s7 =	smul.u32 @!p0 $0xF7A, s2;
	p2 =	seq.s32 @!p0 s5, $0x0  }
0x1f: {  	s9 =	smul.u32 $0xF7A, s1;
	s8 =	simm.s32 @!p0 $0x1BF5;
	p2 =	por !p2, p0  }
0x20: {  	[sflag:s8] =	ssyncset.s32 @!p0 $0xFFFFF086;
	s6 =	sadd.s32 @!p0 s3, s7;
	s7 =	simm.s32 @!p0 $0x108  }
0x21: {  	s3 =	sadd.s32 s3, s9;
	s6 =	sadd.s32 @!p0 $0x88, s6;
	s7 =	simm.s32 @p2 $0x1082  }
0x22: {  	[simem:s7], [sflag:s8] =	dma.local @!p0 [hbm:s6], $0xF7A  }
0x23: {  	s9 =	sor.u32 $0xD0000000, s2;
	s6 =	simm.s32 $0x108;
	_ =	swait.ge @!p0 [sflag:s8], $0x0  }
0x24: {  	s3 =	sadd.s32 $0x88, s3;
	s6 =	simm.s32 @!p1 $0x1082;
	[sflag:s4] =	ssyncset.s32 $0xFFFFF086  }
0x25: {  	[simem:s6], [sflag:s4] =	dma.local [hbm:s3], $0xF7A  }
0x26: {  	[smem:$0x3F9D] =	sst s1;
	(tag) =	ssettag s2;
	_ =	strace s9  }
0x27: {  	s1 =	sld [smem:$0x3FAD]  }
0x28: {  	s2 =	sld [smem:$0x3FAE]  }
0x29: {  	s4 =	sld [smem:$0x3FB0]  }
0x2a: {  	p0 =	seq.s32 s5, $0x0;
	s5 =	sld [smem:$0x3FB1]  }
0x2b: {  	s6 =	sld [smem:$0x3FB2]  }
0x2c: {  	s7 =	sld [smem:$0x3FB3]  }
0x2d: {  	s3 =	simm.s32 $0x108;
	s8 =	sld [smem:$0x3FB4]  }
0x2e: {  	s3 =	simm.s32 @!p0 $0x1082;
	s9 =	sld [smem:$0x3FB5]  }
0x2f: {  	lr =	sadd.s32 s0, s3;
	s0 =	sld [smem:$0x3FAC]  }
0x30: {  	s3 =	sld [smem:$0x3FAF]  }
0x31: {  	[smem:$0x3FB8] =	sst s10  }
0x32: {  	s10 =	sld [smem:$0x3FB6];
	_ =	sdelay $0x3  }
0x33: {  	p0 =	seq.s32 s10, $0x1;
	s10 =	sld [smem:$0x3FB8];
	_ =	sdelay $0x3  }
0x34: {  	[smem:$0x3FB8] =	sst s10  }
0x35: {  	s10 =	sld [smem:$0x3FB7];
	_ =	sdelay $0x3  }
0x36: {  	p1 =	seq.s32 s10, $0x1;
	s10 =	sld [smem:$0x3FB8];
	_ =	sdelay $0x3  }
0x37: {  	[smem:$0x3FB8] =	sst s10  }
0x38: {  	s10 =	sld [smem:$0x3FB9]  }
0x39: {  	_ = 	snop;
	(pc) =	sbr.ind lr, $3  }
0x3a: {  	_ = 	snop  }
0x3b: {  	_ = 	snop  }
0x3c: {  	p2 =	seq.s32 s10, $0x1;
	s10 =	sld [smem:$0x3FB8]  }
0x3d: {  	_ =	shalt  }
0x3e: {  	_ =	shalt  }
0x3f: {  	_ =	shalt  }
0x40: {  	_ =	shalt  }
0x41: {  	_ =	shalt  }
0x42: {  	_ =	shalt  }
0x43: {  	_ =	shalt  }
0x44: {  	_ =	shalt  }
0x45: {  	_ =	shalt  }
0x46: {  	_ =	shalt  }
0x47: {  	_ =	shalt  }
0x48: {  	_ =	shalt  }
0x49: {  	_ =	shalt  }
0x4a: {  	_ =	shalt  }
0x4b: {  	_ =	shalt  }
0x4c: {  	_ =	shalt  }
0x4d: {  	_ =	shalt  }
0x4e: {  	_ =	shalt  }
0x4f: {  	_ =	shalt  }
0x50: {  	_ =	shalt  }
0x51: {  	_ =	shalt  }
0x52: {  	_ =	shalt  }
0x53: {  	_ =	shalt  }
0x54: {  	_ =	shalt  }
0x55: {  	_ =	shalt  }
0x56: {  	_ =	shalt  }
0x57: {  	_ =	shalt  }
0x58: {  	_ =	shalt  }
0x59: {  	_ =	shalt  }
0x5a: {  	_ =	shalt  }
0x5b: {  	_ =	shalt  }
0x5c: {  	_ =	shalt  }
0x5d: {  	_ =	shalt  }
0x5e: {  	_ =	shalt  }
0x5f: {  	_ =	shalt  }
0x60: {  	_ =	shalt  }
0x61: {  	_ =	shalt  }
0x62: {  	_ =	shalt  }
0x63: {  	_ =	shalt  }
0x64: {  	_ =	shalt  }
0x65: {  	_ =	shalt  }
0x66: {  	_ =	shalt  }
0x67: {  	_ =	shalt  }
0x68: {  	_ =	shalt  }
0x69: {  	_ =	shalt  }
0x6a: {  	_ =	shalt  }
0x6b: {  	_ =	shalt  }
0x6c: {  	_ =	shalt  }
0x6d: {  	_ =	shalt  }
0x6e: {  	_ =	shalt  }
0x6f: {  	_ =	shalt  }
0x70: {  	_ =	shalt  }
0x71: {  	_ =	shalt  }
0x72: {  	_ =	shalt  }
0x73: {  	_ =	shalt  }
0x74: {  	_ =	shalt  }
0x75: {  	_ =	shalt  }
0x76: {  	_ =	shalt  }
0x77: {  	_ =	shalt  }
0x78: {  	_ =	shalt  }
0x79: {  	_ =	shalt  }
0x7a: {  	_ =	shalt  }
0x7b: {  	_ =	shalt  }
0x7c: {  	_ =	shalt  }
0x7d: {  	_ =	shalt  }
0x7e: {  	_ =	shalt  }
0x7f: {  	_ =	shalt  }
0x80: {  	_ =	shalt  }
0x81: {  	_ =	shalt  }
0x82: {  	_ =	shalt  }
0x83: {  	_ =	shalt  }
0x84: {  	_ =	shalt  }
0x85: {  	_ =	shalt  }
0x86: {  	_ =	shalt  }
0x87: {  	_ =	shalt  }
.Lfunc_end0:
.L_simem_size_0:
called_computation_lowered:
.L_overlay_start_0:
0x88: {  	s2 =	sld [smem:$0x3FD9]  }
0x89: {  	s3 =	sld [smem:$0x3FFE];
	_ =	sdelay $0x1  }
0x8a: {  	s1 =	srdreg.scid  }
0x8b: {  	s0 =	sand.u32 $0x1, s1  }
0x8c: {  	s18 =	sshll.u32 s0, $0xA;
	s2 =	sadd.s32 s3, s2  }
0x8d: {  	s2 =	sadd.s32 s2, s18  }
0x8e: {  	[smem:$0x3FC4] =	sst s2  }
0x8f: {  	_ = 	snop  }
0x90: {  	s2 =	sld [smem:$0x3FC8]  }
0x91: {  	s19 =	sld [smem:$0x3FD0];
	(tm) =	ssettm $0x1  }
0x92: {  	s4 =	sld [smem:$0x3FFB];
	_ =	sdelay $0x3  }
0x93: {  	_ =	strace s4  }
0x94: {  	s4 =	sld [smem:$0x3FFC];
	_ =	sdelay $0x3  }
0x95: {  	_ =	strace s4  }
0x96: {  	s4 =	sld [smem:$0x3FFD];
	_ =	sdelay $0x3  }
0x97: {  	_ =	strace s4  }
0x98: {  	_ =	strace $0x8FFFFFFF  }
0x99: {  	s20 =	sld [smem:$0x3FDB];
	_ =	sdelay $0x1  }
0x9a: {  	s5 =	simm.s32 $_scs_section_size  }
0x9b: {  	s6 =	simm.s32 $_size__tile_overlayer_lowered;
	s7 =	simm.s32 $_tile_overlayer_lowered  }
0x9c: {  	s23 =	simm.s32 $0x1BFF;
	s22 =	sshll.u32 s7, $0x1;
	s4 =	sadd.s32 s5, s20  }
0x9d: {  	s8 =	simm.s32 $0x0;
	s21 =	sshll.u32 s6, $0x1;
	s6 =	sadd.s32 s22, s4  }
0x9e: {  	[timem:s8], [sflag:s23] =	dma.local [hbm:s6], s21  }
0x9f: {  	_ =	swait.ge [sflag:s23], s21  }
0xa0: {  	s5 =	ssub.s32 $0x0, s21;
	[sflag:s23] =	ssyncset.done $0x0  }
0xa1: {  	[sflag:s23] =	ssyncadd.s32 s5;
	_ =	sdelay $0x1  }
0xa2: {  	s24 =	simm.s32 $0x1B8B  }
0xa3: {  	_ =	swait.ge [sflag:s24], $0x1  }
0xa4: {  	[sflag:s24] =	ssyncset.done $0x0  }
0xa5: {  	s25 =	simm.s32 $0x1B8E;
	[sflag:s24] =	ssyncadd.s32 $0xFFFFFFFF  }
0xa6: {  	s26 =	simm.s32 $execute0_lowered;
	[smem:$0x3FD2] =	sst s25  }
0xa7: {  	s5 =	sshll.u32 s26, $0x1;
	_ =	strace $0x80000046;
	[dreg:$0x1] =	wrdreg $0xFFFFFFFF  }
0xa8: {  	s28 =	simm.s32 $_size_execute0_lowered;
	s4 =	sadd.s32 s4, s5;
	[dreg:$0x0] =	wrdreg $0x0  }
0xa9: {  	s5 =	sshll.u32 s28, $0x1;
	[dreg:$0x2] =	wrdreg s4  }
0xaa: {  	[dreg:$0x3] =	wrdreg s5  }
0xab: {  	[dreg:$0x4] =	wrdreg $0xC0  }
0xac: {  	_ =	task [dreg:s8], $0x5FFFF  }
0xad: {  	[dreg:$0x1] =	wrdreg $0xFFFFFFFF  }
0xae: {  	[dreg:$0x0] =	wrdreg $0x60  }
0xaf: {  	[dreg:$0x2] =	wrdreg s2  }
0xb0: {  	[dreg:$0x3] =	wrdreg s19  }
0xb1: {  	[dreg:$0x4] =	wrdreg $0x9  }
0xb2: {  	_ =	task.clear_ibuf [dreg:s8], $0x5FFFF;
	_ =	strace $0x90000046  }
0xb3: {  	s29 =	simm.s32 $0x9;
	_ =	strace $0x80000048  }
0xb4: {  	_ =	swait.ge [sflag:s29], $0x1  }
0xb5: {  	[sflag:s29] =	ssyncadd.s32 $0xFFFFFFFF  }
0xb6: {  	_ =	strace $0x90000048  }
0xb7: {  	_ =	sfence  }
0xb8: {  	s30 =	sld [smem:$0x0];
	_ =	sdelay $0x2  }
0xb9: {  	s31 =	sshll.u32 s1, $0xD;
	s1 =	sshrl.u32 s1, $0x2  }
0xba: {  	s3 =	sand.u32 $0x4000, s31;
	s1 =	sadd.s32 s1, s30  }
0xbb: {  	s0 =	sor.u32 s3, s0;
	s1 =	sshll.u32 s1, $0x11  }
0xbc: {  	s0 =	sor.u32 s1, s0  }
0xbd: {  	s0 =	sadd.s32 $0x8F2B, s0  }
0xbe: {  	[sflag:s0] =	ssyncadd.remote.s32 $0x1  }
0xbf: {  	_ =	sfence.sel $0xFFFF  }
0xc0: {  	[dreg:$0x0] =	wrdreg $0xFFFFFFFF;
	(pc) =	sbr.abs _section_cstart, $3  }
0xc1: {  	[dreg:$0x1] =	wrdreg $0xFFFFFFFF  }
0xc2: {  	_ =	task.clear_ibuf [dreg:s8], $0x2FFFF;
	_ =	strace $0x9FFFFFFF  }
0xc3: {  	(tm) =	ssettm $0x7FFFFFFF  }
tec
execute0_lowered:
.L_overlay_start_1:
0x0: {  	(tag) =	ssettag $0x1  }
0x1: {  	s4 =	rddreg [dreg:$0x0]  }
0x2: {  	s1 =	srdreg.scid;
	s0 =	stileid.u32  }
0x3: {  	s5 =	rddreg [dreg:$0x1];
	s15 =	simm.s32 $0x3;
	s16 =	simm.s32 $0x0  }
0x4: {  	s3 =	sand.u32 $0x1, s1;
	s2 =	sshll.u32 s0, $0x1;
	s1 =	rddreg [dreg:$0x2]  }
0x5: {  	s8 =	sshrl.u32 s0, $0x2;
	s11 =	smul.u32 $0x9C, s0;
	s12 =	sadd.s32 $0x10, s4  }
0x6: {  	p0 =	sgt.u32 s0, $0x1;
	s6 =	sor.u32 s3, s2;
	s8 =	smul.u32 $0x13C00, s8  }
0x7: {  	s2 =	simm.s32 $0x0;
	s9 =	ssub.s32 $0x2, s3;
	s14 =	smul.u32 $0x4E, s3  }
0x8: {  	s7 =	smul.u32 $0x9C0, s6;
	[smem:$0x7FF] =	sst s2;
	s10 =	sshrl.u32 s9, $0x1  }
0x9: {  	s13 =	sshll.u32 s6, $0x7;
	s6 =	sshll.u32 s6, $0x5;
	_ =	strace $0x80000047  }
0xa: {  	s9 =	ssub.s32 s9, s10;
	s28 =	sand.u32 $0x380, s13;
	s29 =	sadd.s32 s14, s11  }
0xb: {  	s4 =	sadd.s32 s6, s4;
	s10 =	simm.s32 $0x100;
	s11 =	simm.s32 $0x1  }
.Ltmp0:
0xc: {  	s13 =	simm.s32 $0x2;
	s14 =	simm.s32 $0x400;
	(pc) =	sbr.rel .LBB2_1-.Ltmp0, $4  }
0xd: {  	s3 =	sadd.s32 s7, s12;
	s7 =	sor.u32 s8, s28;
	s31 =	sshll.u32 s29, $0x5  }
0xe: {  	s4 =	sadd.s32 $0x13810, s4;
	s6 =	smax.u32 s9, $0x1;
	s9 =	simm.s32 $0x80  }
0xf: {  	s30 =	sshrl.u32 s7, $0x3;
	s8 =	sadd.s32 s12, s31;
	s12 =	simm.s32 $0x600  }
0x10: {  	v0 =	vimm.s32 $0x0;
	s5 =	sadd.s32 s5, s30;
	s7 =	sadd.s32 $0xC0, s8;
	s8 =	sadd.s32 $0x180, s8  }
.LBB2_7:
0x11: {  	s17 =	simm.s32 @!p0 $0x0  }
0x12: {  	[tilespmem:s17], [sflag:$0x3] =	stream.linear.gather @!p0 [hbm4b:s4+s17], $0x80, $0x38;
	[tilespmem:$0x2D80] =	vst v63  }
0x13: {  	s17 =	simm.s32 @!p0 $0x3  }
0x14: {  	_ =	swait.ge @!p0 [sflag:s17], $0x80  }
0x15: {  	[sflag:s17] =	ssyncset.done @!p0 $0x0  }
0x16: {  	[sflag:s17] =	ssyncadd.s32 @!p0 $0xFFFFFF80  }
0x17: {  	v1 =	vld @!p0 [tilespmem:$0x0];
	_ =	sdelay $0x4  }
0x18: {  	(xrf1) =	vunique.msk.u32 @!p0 $0xffff, v1;
	_ =	sdelay $0xd  }
0x19: {  	_, v2, vm0 =	vpop @!p0 (xrf1);
	_ =	sdelay $0x4  }
0x1a: {  	s17 =	simm.s32 @!p0 $0x600  }
0x1b: {  	[tilespmem:v1+s17+$0x0] =	vst.idx.add.s32.msk @!p0 vm0, v2  }
0x1c: {  	v1 =	vld @!p0 [tilespmem:$0x10];
	_ =	sdelay $0x4  }
0x1d: {  	(xrf1) =	vunique.msk.u32 @!p0 $0xffff, v1;
	_ =	sdelay $0xd  }
0x1e: {  	_, v2, vm0 =	vpop @!p0 (xrf1);
	_ =	sdelay $0x5  }
0x1f: {  	[tilespmem:v1+s17+$0x0] =	vst.idx.add.s32.msk @!p0 vm0, v2  }
0x20: {  	v1 =	vld @!p0 [tilespmem:$0x20];
	_ =	sdelay $0x4  }
0x21: {  	(xrf1) =	vunique.msk.u32 @!p0 $0xffff, v1;
	_ =	sdelay $0xd  }
0x22: {  	_, v2, vm0 =	vpop @!p0 (xrf1);
	_ =	sdelay $0x5  }
0x23: {  	[tilespmem:v1+s17+$0x0] =	vst.idx.add.s32.msk @!p0 vm0, v2  }
0x24: {  	v1 =	vld @!p0 [tilespmem:$0x30];
	_ =	sdelay $0x4  }
0x25: {  	(xrf1) =	vunique.msk.u32 @!p0 $0xffff, v1;
	_ =	sdelay $0xd  }
0x26: {  	_, v2, vm0 =	vpop @!p0 (xrf1);
	_ =	sdelay $0x5  }
0x27: {  	[tilespmem:v1+s17+$0x0] =	vst.idx.add.s32.msk @!p0 vm0, v2  }
0x28: {  	v1 =	vld @!p0 [tilespmem:$0x40];
	_ =	sdelay $0x4  }
0x29: {  	(xrf1) =	vunique.msk.u32 @!p0 $0xffff, v1;
	_ =	sdelay $0xd  }
0x2a: {  	_, v2, vm0 =	vpop @!p0 (xrf1);
	_ =	sdelay $0x5  }
0x2b: {  	[tilespmem:v1+s17+$0x0] =	vst.idx.add.s32.msk @!p0 vm0, v2  }
0x2c: {  	v1 =	vld @!p0 [tilespmem:$0x50];
	_ =	sdelay $0x4  }
0x2d: {  	(xrf1) =	vunique.msk.u32 @!p0 $0xffff, v1;
	_ =	sdelay $0xd  }
0x2e: {  	_, v2, vm0 =	vpop @!p0 (xrf1);
	_ =	sdelay $0x5  }
0x2f: {  	[tilespmem:v1+s17+$0x0] =	vst.idx.add.s32.msk @!p0 vm0, v2  }
0x30: {  	v1 =	vld @!p0 [tilespmem:$0x60];
	_ =	sdelay $0x4  }
0x31: {  	(xrf1) =	vunique.msk.u32 @!p0 $0xffff, v1;
	_ =	sdelay $0xd  }
0x32: {  	_, v2, vm0 =	vpop @!p0 (xrf1);
	_ =	sdelay $0x5  }
0x33: {  	[tilespmem:v1+s17+$0x0] =	vst.idx.add.s32.msk @!p0 vm0, v2  }
0x34: {  	v1 =	vld @!p0 [tilespmem:$0x70];
	_ =	sdelay $0x4  }
0x35: {  	(xrf1) =	vunique.msk.u32 @!p0 $0xffff, v1;
	_ =	sdelay $0xd  }
0x36: {  	_, v2, vm0 =	vpop @!p0 (xrf1);
	_ =	sdelay $0x3  }
0x37: {  	s16 =	sadd.s32 $0x1, s16  }
0x38: {  	p1 =	sne.s32 s16, s6  }
.Ltmp1:
0x39: {  	[tilespmem:v1+s17+$0x0] =	vst.idx.add.s32.msk @!p0 vm0, v2;
	(pc) =	sbr.rel @!p1 .LBB2_8-.Ltmp1, $4  }
0x3a: {  	[hbm4b:s5+s9] =	stream.strided.scatter [tilespmem:s12], [sflag:$0x3], $0x2780, s14, s9, $0x38;
	[tilespmem:$0x2D80] =	vst v63  }
0x3b: {  	_ =	swait.ge [sflag:s15], $0x2780  }
0x3c: {  	[sflag:s15] =	ssyncset.done $0x0  }
0x3d: {  	[sflag:s15] =	ssyncadd.s32 $0xFFFFD880  }
.LBB2_1:
0x3e: {  	s17 =	simm.s32 $0x40;
	s18 =	simm.s32 $0x0  }
.LBB2_2:
0x3f: {  	p1 =	sne.s32 s17, $0x9DC0;
	[tilespmem:s18+$0x600] =	vst v0;
	s18 =	smov.u32 s17;
	s17 =	sadd.s32 $0x40, s17  }
.Ltmp2:
0x40: {  	(pc) =	sbr.rel @p1 .LBB2_2-.Ltmp2, $2  }
0x41: {  	_ =	sdelay $0x2  }
0x42: {  	s18 =	sshra.s32 s18, $0x2  }
.Ltmp3:
0x43: {  	(pc) =	sbr.rel .LBB2_4-.Ltmp3, $3  }
0x44: {  	_ =	sdelay $0x1  }
0x45: {  	[tilespmem:s18+$0x600] =	vst v0;
	s17 =	simm.s32 $0x1;
	s18 =	smov.u32 s8;
	s19 =	smov.u32 s7  }
0x46: {  	[tilespmem:s2], [sflag:$0x1] =	stream.strided.gather [hbm4b:s3+s9], $0x300, s10, s9, $0x38;
	[tilespmem:$0x2D80] =	vst v63  }
.LBB2_6:
0x47: {  	s17 =	sadd.s32 $0x2, s17  }
0x48: {  	p1 =	sne.s32 s17, $0xF  }
.Ltmp4:
0x49: {  	_ = 	snop;
	(pc) =	sbr.rel @!p1 .LBB2_7-.Ltmp4, $2  }
0x4a: {  	_ =	sdelay $0x2  }
0x4b: {  	s19 =	sadd.s32 $0x180, s19;
	s18 =	sadd.s32 $0x180, s18  }
.LBB2_4:
0x4c: {  	_ =	swait.ge [sflag:s11], $0x300;
	p1 =	sgt.u32 s17, $0xC  }
0x4d: {  	[sflag:s11] =	ssyncset.done $0x0;
	s20 =	simm.s32 @!p1 $0x80  }
0x4e: {  	s21 =	simm.s32 @!p1 $0x100;
	s22 =	simm.s32 @!p1 $0x300;
	[sflag:s11] =	ssyncadd.s32 $0xFFFFFD00  }
0x4f: {  	[tilespmem:s22], [sflag:$0x2] =	stream.strided.gather @!p1 [hbm4b:s19+s20], $0x300, s21, s20, $0x38;
	[tilespmem:$0x2D80] =	vst v63  }
0x50: {  	v1 =	vld [tilespmem:$0x0];
	_ =	sdelay $0x4  }
0x51: {  	(xrf1) =	vunique.msk.u32 $0xffff, v1;
	_ =	sdelay $0xd  }
0x52: {  	_, v2, vm0 =	vpop (xrf1);
	_ =	sdelay $0x5  }
0x53: {  	[tilespmem:v1+s12+$0x0] =	vst.idx.add.s32.msk vm0, v2  }
0x54: {  	v1 =	vld [tilespmem:$0x10];
	_ =	sdelay $0x4  }
0x55: {  	(xrf1) =	vunique.msk.u32 $0xffff, v1;
	_ =	sdelay $0xd  }
0x56: {  	_, v2, vm0 =	vpop (xrf1);
	_ =	sdelay $0x5  }
0x57: {  	[tilespmem:v1+s12+$0x0] =	vst.idx.add.s32.msk vm0, v2  }
0x58: {  	v1 =	vld [tilespmem:$0x20];
	_ =	sdelay $0x4  }
0x59: {  	(xrf1) =	vunique.msk.u32 $0xffff, v1;
	_ =	sdelay $0xd  }
0x5a: {  	_, v2, vm0 =	vpop (xrf1);
	_ =	sdelay $0x5  }
0x5b: {  	[tilespmem:v1+s12+$0x0] =	vst.idx.add.s32.msk vm0, v2  }
0x5c: {  	v1 =	vld [tilespmem:$0x30];
	_ =	sdelay $0x4  }
0x5d: {  	(xrf1) =	vunique.msk.u32 $0xffff, v1;
	_ =	sdelay $0xd  }
0x5e: {  	_, v2, vm0 =	vpop (xrf1);
	_ =	sdelay $0x5  }
0x5f: {  	[tilespmem:v1+s12+$0x0] =	vst.idx.add.s32.msk vm0, v2  }
0x60: {  	v1 =	vld [tilespmem:$0x40];
	_ =	sdelay $0x4  }
0x61: {  	(xrf1) =	vunique.msk.u32 $0xffff, v1;
	_ =	sdelay $0xd  }
0x62: {  	_, v2, vm0 =	vpop (xrf1);
	_ =	sdelay $0x5  }
0x63: {  	[tilespmem:v1+s12+$0x0] =	vst.idx.add.s32.msk vm0, v2  }
0x64: {  	v1 =	vld [tilespmem:$0x50];
	_ =	sdelay $0x4  }
0x65: {  	(xrf1) =	vunique.msk.u32 $0xffff, v1;
	_ =	sdelay $0xd  }
0x66: {  	_, v2, vm0 =	vpop (xrf1);
	_ =	sdelay $0x5  }
0x67: {  	[tilespmem:v1+s12+$0x0] =	vst.idx.add.s32.msk vm0, v2  }
0x68: {  	v1 =	vld [tilespmem:$0x60];
	_ =	sdelay $0x4  }
0x69: {  	(xrf1) =	vunique.msk.u32 $0xffff, v1;
	_ =	sdelay $0xd  }
0x6a: {  	_, v2, vm0 =	vpop (xrf1);
	_ =	sdelay $0x5  }
0x6b: {  	[tilespmem:v1+s12+$0x0] =	vst.idx.add.s32.msk vm0, v2  }
0x6c: {  	v1 =	vld [tilespmem:$0x70];
	_ =	sdelay $0x4  }
0x6d: {  	(xrf1) =	vunique.msk.u32 $0xffff, v1;
	_ =	sdelay $0xd  }
0x6e: {  	_, v2, vm0 =	vpop (xrf1);
	_ =	sdelay $0x5  }
0x6f: {  	[tilespmem:v1+s12+$0x0] =	vst.idx.add.s32.msk vm0, v2  }
0x70: {  	v1 =	vld [tilespmem:$0x80];
	_ =	sdelay $0x4  }
0x71: {  	(xrf1) =	vunique.msk.u32 $0xffff, v1;
	_ =	sdelay $0xd  }
0x72: {  	_, v2, vm0 =	vpop (xrf1);
	_ =	sdelay $0x5  }
0x73: {  	[tilespmem:v1+s12+$0x0] =	vst.idx.add.s32.msk vm0, v2  }
0x74: {  	v1 =	vld [tilespmem:$0x90];
	_ =	sdelay $0x4  }
0x75: {  	(xrf1) =	vunique.msk.u32 $0xffff, v1;
	_ =	sdelay $0xd  }
0x76: {  	_, v2, vm0 =	vpop (xrf1);
	_ =	sdelay $0x5  }
0x77: {  	[tilespmem:v1+s12+$0x0] =	vst.idx.add.s32.msk vm0, v2  }
0x78: {  	v1 =	vld [tilespmem:$0xA0];
	_ =	sdelay $0x4  }
0x79: {  	(xrf1) =	vunique.msk.u32 $0xffff, v1;
	_ =	sdelay $0xd  }
0x7a: {  	_, v2, vm0 =	vpop (xrf1);
	_ =	sdelay $0x5  }
0x7b: {  	[tilespmem:v1+s12+$0x0] =	vst.idx.add.s32.msk vm0, v2  }
0x7c: {  	v1 =	vld [tilespmem:$0xB0];
	_ =	sdelay $0x4  }
0x7d: {  	(xrf1) =	vunique.msk.u32 $0xffff, v1;
	_ =	sdelay $0xd  }
0x7e: {  	_, v2, vm0 =	vpop (xrf1);
	_ =	sdelay $0x5  }
0x7f: {  	[tilespmem:v1+s12+$0x0] =	vst.idx.add.s32.msk vm0, v2  }
0x80: {  	v1 =	vld [tilespmem:$0xC0];
	_ =	sdelay $0x4  }
0x81: {  	(xrf1) =	vunique.msk.u32 $0xffff, v1;
	_ =	sdelay $0xd  }
0x82: {  	_, v2, vm0 =	vpop (xrf1);
	_ =	sdelay $0x5  }
0x83: {  	[tilespmem:v1+s12+$0x0] =	vst.idx.add.s32.msk vm0, v2  }
0x84: {  	v1 =	vld [tilespmem:$0xD0];
	_ =	sdelay $0x4  }
0x85: {  	(xrf1) =	vunique.msk.u32 $0xffff, v1;
	_ =	sdelay $0xd  }
0x86: {  	_, v2, vm0 =	vpop (xrf1);
	_ =	sdelay $0x5  }
0x87: {  	[tilespmem:v1+s12+$0x0] =	vst.idx.add.s32.msk vm0, v2  }
0x88: {  	v1 =	vld [tilespmem:$0xE0];
	_ =	sdelay $0x4  }
0x89: {  	(xrf1) =	vunique.msk.u32 $0xffff, v1;
	_ =	sdelay $0xd  }
0x8a: {  	_, v2, vm0 =	vpop (xrf1);
	_ =	sdelay $0x5  }
0x8b: {  	[tilespmem:v1+s12+$0x0] =	vst.idx.add.s32.msk vm0, v2  }
0x8c: {  	v1 =	vld [tilespmem:$0xF0];
	_ =	sdelay $0x4  }
0x8d: {  	(xrf1) =	vunique.msk.u32 $0xffff, v1;
	_ =	sdelay $0xd  }
0x8e: {  	_, v2, vm0 =	vpop (xrf1);
	_ =	sdelay $0x5  }
0x8f: {  	[tilespmem:v1+s12+$0x0] =	vst.idx.add.s32.msk vm0, v2  }
0x90: {  	v1 =	vld [tilespmem:$0x100];
	_ =	sdelay $0x4  }
0x91: {  	(xrf1) =	vunique.msk.u32 $0xffff, v1;
	_ =	sdelay $0xd  }
0x92: {  	_, v2, vm0 =	vpop (xrf1);
	_ =	sdelay $0x5  }
0x93: {  	[tilespmem:v1+s12+$0x0] =	vst.idx.add.s32.msk vm0, v2  }
0x94: {  	v1 =	vld [tilespmem:$0x110];
	_ =	sdelay $0x4  }
0x95: {  	(xrf1) =	vunique.msk.u32 $0xffff, v1;
	_ =	sdelay $0xd  }
0x96: {  	_, v2, vm0 =	vpop (xrf1);
	_ =	sdelay $0x5  }
0x97: {  	[tilespmem:v1+s12+$0x0] =	vst.idx.add.s32.msk vm0, v2  }
0x98: {  	v1 =	vld [tilespmem:$0x120];
	_ =	sdelay $0x4  }
0x99: {  	(xrf1) =	vunique.msk.u32 $0xffff, v1;
	_ =	sdelay $0xd  }
0x9a: {  	_, v2, vm0 =	vpop (xrf1);
	_ =	sdelay $0x5  }
0x9b: {  	[tilespmem:v1+s12+$0x0] =	vst.idx.add.s32.msk vm0, v2  }
0x9c: {  	v1 =	vld [tilespmem:$0x130];
	_ =	sdelay $0x4  }
0x9d: {  	(xrf1) =	vunique.msk.u32 $0xffff, v1;
	_ =	sdelay $0xd  }
0x9e: {  	_, v2, vm0 =	vpop (xrf1);
	_ =	sdelay $0x5  }
0x9f: {  	[tilespmem:v1+s12+$0x0] =	vst.idx.add.s32.msk vm0, v2  }
0xa0: {  	v1 =	vld [tilespmem:$0x140];
	_ =	sdelay $0x4  }
0xa1: {  	(xrf1) =	vunique.msk.u32 $0xffff, v1;
	_ =	sdelay $0xd  }
0xa2: {  	_, v2, vm0 =	vpop (xrf1);
	_ =	sdelay $0x5  }
0xa3: {  	[tilespmem:v1+s12+$0x0] =	vst.idx.add.s32.msk vm0, v2  }
0xa4: {  	v1 =	vld [tilespmem:$0x150];
	_ =	sdelay $0x4  }
0xa5: {  	(xrf1) =	vunique.msk.u32 $0xffff, v1;
	_ =	sdelay $0xd  }
0xa6: {  	_, v2, vm0 =	vpop (xrf1);
	_ =	sdelay $0x5  }
0xa7: {  	[tilespmem:v1+s12+$0x0] =	vst.idx.add.s32.msk vm0, v2  }
0xa8: {  	v1 =	vld [tilespmem:$0x160];
	_ =	sdelay $0x4  }
0xa9: {  	(xrf1) =	vunique.msk.u32 $0xffff, v1;
	_ =	sdelay $0xd  }
0xaa: {  	_, v2, vm0 =	vpop (xrf1);
	_ =	sdelay $0x5  }
0xab: {  	[tilespmem:v1+s12+$0x0] =	vst.idx.add.s32.msk vm0, v2  }
0xac: {  	v1 =	vld [tilespmem:$0x170];
	_ =	sdelay $0x4  }
0xad: {  	(xrf1) =	vunique.msk.u32 $0xffff, v1;
	_ =	sdelay $0xd  }
0xae: {  	_, v2, vm0 =	vpop (xrf1);
	_ =	sdelay $0x5  }
0xaf: {  	[tilespmem:v1+s12+$0x0] =	vst.idx.add.s32.msk vm0, v2  }
0xb0: {  	v1 =	vld [tilespmem:$0x180];
	_ =	sdelay $0x4  }
0xb1: {  	(xrf1) =	vunique.msk.u32 $0xffff, v1;
	_ =	sdelay $0xd  }
0xb2: {  	_, v2, vm0 =	vpop (xrf1);
	_ =	sdelay $0x5  }
0xb3: {  	[tilespmem:v1+s12+$0x0] =	vst.idx.add.s32.msk vm0, v2  }
0xb4: {  	v1 =	vld [tilespmem:$0x190];
	_ =	sdelay $0x4  }
0xb5: {  	(xrf1) =	vunique.msk.u32 $0xffff, v1;
	_ =	sdelay $0xd  }
0xb6: {  	_, v2, vm0 =	vpop (xrf1);
	_ =	sdelay $0x5  }
0xb7: {  	[tilespmem:v1+s12+$0x0] =	vst.idx.add.s32.msk vm0, v2  }
0xb8: {  	v1 =	vld [tilespmem:$0x1A0];
	_ =	sdelay $0x4  }
0xb9: {  	(xrf1) =	vunique.msk.u32 $0xffff, v1;
	_ =	sdelay $0xd  }
0xba: {  	_, v2, vm0 =	vpop (xrf1);
	_ =	sdelay $0x5  }
0xbb: {  	[tilespmem:v1+s12+$0x0] =	vst.idx.add.s32.msk vm0, v2  }
0xbc: {  	v1 =	vld [tilespmem:$0x1B0];
	_ =	sdelay $0x4  }
0xbd: {  	(xrf1) =	vunique.msk.u32 $0xffff, v1;
	_ =	sdelay $0xd  }
0xbe: {  	_, v2, vm0 =	vpop (xrf1);
	_ =	sdelay $0x5  }
0xbf: {  	[tilespmem:v1+s12+$0x0] =	vst.idx.add.s32.msk vm0, v2  }
0xc0: {  	v1 =	vld [tilespmem:$0x1C0];
	_ =	sdelay $0x4  }
0xc1: {  	(xrf1) =	vunique.msk.u32 $0xffff, v1;
	_ =	sdelay $0xd  }
0xc2: {  	_, v2, vm0 =	vpop (xrf1);
	_ =	sdelay $0x5  }
0xc3: {  	[tilespmem:v1+s12+$0x0] =	vst.idx.add.s32.msk vm0, v2  }
0xc4: {  	v1 =	vld [tilespmem:$0x1D0];
	_ =	sdelay $0x4  }
0xc5: {  	(xrf1) =	vunique.msk.u32 $0xffff, v1;
	_ =	sdelay $0xd  }
0xc6: {  	_, v2, vm0 =	vpop (xrf1);
	_ =	sdelay $0x5  }
0xc7: {  	[tilespmem:v1+s12+$0x0] =	vst.idx.add.s32.msk vm0, v2  }
0xc8: {  	v1 =	vld [tilespmem:$0x1E0];
	_ =	sdelay $0x4  }
0xc9: {  	(xrf1) =	vunique.msk.u32 $0xffff, v1;
	_ =	sdelay $0xd  }
0xca: {  	_, v2, vm0 =	vpop (xrf1);
	_ =	sdelay $0x5  }
0xcb: {  	[tilespmem:v1+s12+$0x0] =	vst.idx.add.s32.msk vm0, v2  }
0xcc: {  	v1 =	vld [tilespmem:$0x1F0];
	_ =	sdelay $0x4  }
0xcd: {  	(xrf1) =	vunique.msk.u32 $0xffff, v1;
	_ =	sdelay $0xd  }
0xce: {  	_, v2, vm0 =	vpop (xrf1);
	_ =	sdelay $0x5  }
0xcf: {  	[tilespmem:v1+s12+$0x0] =	vst.idx.add.s32.msk vm0, v2  }
0xd0: {  	v1 =	vld [tilespmem:$0x200];
	_ =	sdelay $0x4  }
0xd1: {  	(xrf1) =	vunique.msk.u32 $0xffff, v1;
	_ =	sdelay $0xd  }
0xd2: {  	_, v2, vm0 =	vpop (xrf1);
	_ =	sdelay $0x5  }
0xd3: {  	[tilespmem:v1+s12+$0x0] =	vst.idx.add.s32.msk vm0, v2  }
0xd4: {  	v1 =	vld [tilespmem:$0x210];
	_ =	sdelay $0x4  }
0xd5: {  	(xrf1) =	vunique.msk.u32 $0xffff, v1;
	_ =	sdelay $0xd  }
0xd6: {  	_, v2, vm0 =	vpop (xrf1);
	_ =	sdelay $0x5  }
0xd7: {  	[tilespmem:v1+s12+$0x0] =	vst.idx.add.s32.msk vm0, v2  }
0xd8: {  	v1 =	vld [tilespmem:$0x220];
	_ =	sdelay $0x4  }
0xd9: {  	(xrf1) =	vunique.msk.u32 $0xffff, v1;
	_ =	sdelay $0xd  }
0xda: {  	_, v2, vm0 =	vpop (xrf1);
	_ =	sdelay $0x5  }
0xdb: {  	[tilespmem:v1+s12+$0x0] =	vst.idx.add.s32.msk vm0, v2  }
0xdc: {  	v1 =	vld [tilespmem:$0x230];
	_ =	sdelay $0x4  }
0xdd: {  	(xrf1) =	vunique.msk.u32 $0xffff, v1;
	_ =	sdelay $0xd  }
0xde: {  	_, v2, vm0 =	vpop (xrf1);
	_ =	sdelay $0x5  }
0xdf: {  	[tilespmem:v1+s12+$0x0] =	vst.idx.add.s32.msk vm0, v2  }
0xe0: {  	v1 =	vld [tilespmem:$0x240];
	_ =	sdelay $0x4  }
0xe1: {  	(xrf1) =	vunique.msk.u32 $0xffff, v1;
	_ =	sdelay $0xd  }
0xe2: {  	_, v2, vm0 =	vpop (xrf1);
	_ =	sdelay $0x5  }
0xe3: {  	[tilespmem:v1+s12+$0x0] =	vst.idx.add.s32.msk vm0, v2  }
0xe4: {  	v1 =	vld [tilespmem:$0x250];
	_ =	sdelay $0x4  }
0xe5: {  	(xrf1) =	vunique.msk.u32 $0xffff, v1;
	_ =	sdelay $0xd  }
0xe6: {  	_, v2, vm0 =	vpop (xrf1);
	_ =	sdelay $0x5  }
0xe7: {  	[tilespmem:v1+s12+$0x0] =	vst.idx.add.s32.msk vm0, v2  }
0xe8: {  	v1 =	vld [tilespmem:$0x260];
	_ =	sdelay $0x4  }
0xe9: {  	(xrf1) =	vunique.msk.u32 $0xffff, v1;
	_ =	sdelay $0xd  }
0xea: {  	_, v2, vm0 =	vpop (xrf1);
	_ =	sdelay $0x5  }
0xeb: {  	[tilespmem:v1+s12+$0x0] =	vst.idx.add.s32.msk vm0, v2  }
0xec: {  	v1 =	vld [tilespmem:$0x270];
	_ =	sdelay $0x4  }
0xed: {  	(xrf1) =	vunique.msk.u32 $0xffff, v1;
	_ =	sdelay $0xd  }
0xee: {  	_, v2, vm0 =	vpop (xrf1);
	_ =	sdelay $0x5  }
0xef: {  	[tilespmem:v1+s12+$0x0] =	vst.idx.add.s32.msk vm0, v2  }
0xf0: {  	v1 =	vld [tilespmem:$0x280];
	_ =	sdelay $0x4  }
0xf1: {  	(xrf1) =	vunique.msk.u32 $0xffff, v1;
	_ =	sdelay $0xd  }
0xf2: {  	_, v2, vm0 =	vpop (xrf1);
	_ =	sdelay $0x5  }
0xf3: {  	[tilespmem:v1+s12+$0x0] =	vst.idx.add.s32.msk vm0, v2  }
0xf4: {  	v1 =	vld [tilespmem:$0x290];
	_ =	sdelay $0x4  }
0xf5: {  	(xrf1) =	vunique.msk.u32 $0xffff, v1;
	_ =	sdelay $0xd  }
0xf6: {  	_, v2, vm0 =	vpop (xrf1);
	_ =	sdelay $0x5  }
0xf7: {  	[tilespmem:v1+s12+$0x0] =	vst.idx.add.s32.msk vm0, v2  }
0xf8: {  	v1 =	vld [tilespmem:$0x2A0];
	_ =	sdelay $0x4  }
0xf9: {  	(xrf1) =	vunique.msk.u32 $0xffff, v1;
	_ =	sdelay $0xd  }
0xfa: {  	_, v2, vm0 =	vpop (xrf1);
	_ =	sdelay $0x5  }
0xfb: {  	[tilespmem:v1+s12+$0x0] =	vst.idx.add.s32.msk vm0, v2  }
0xfc: {  	v1 =	vld [tilespmem:$0x2B0];
	_ =	sdelay $0x4  }
0xfd: {  	(xrf1) =	vunique.msk.u32 $0xffff, v1;
	_ =	sdelay $0xd  }
0xfe: {  	_, v2, vm0 =	vpop (xrf1);
	_ =	sdelay $0x5  }
0xff: {  	[tilespmem:v1+s12+$0x0] =	vst.idx.add.s32.msk vm0, v2  }
0x100: {  	v1 =	vld [tilespmem:$0x2C0];
	_ =	sdelay $0x4  }
0x101: {  	(xrf1) =	vunique.msk.u32 $0xffff, v1;
	_ =	sdelay $0xd  }
0x102: {  	_, v2, vm0 =	vpop (xrf1);
	_ =	sdelay $0x5  }
0x103: {  	[tilespmem:v1+s12+$0x0] =	vst.idx.add.s32.msk vm0, v2  }
0x104: {  	v1 =	vld [tilespmem:$0x2D0];
	_ =	sdelay $0x4  }
0x105: {  	(xrf1) =	vunique.msk.u32 $0xffff, v1;
	_ =	sdelay $0xd  }
0x106: {  	_, v2, vm0 =	vpop (xrf1);
	_ =	sdelay $0x5  }
0x107: {  	[tilespmem:v1+s12+$0x0] =	vst.idx.add.s32.msk vm0, v2  }
0x108: {  	v1 =	vld [tilespmem:$0x2E0];
	_ =	sdelay $0x4  }
0x109: {  	(xrf1) =	vunique.msk.u32 $0xffff, v1;
	_ =	sdelay $0xd  }
0x10a: {  	_, v2, vm0 =	vpop (xrf1);
	_ =	sdelay $0x5  }
0x10b: {  	[tilespmem:v1+s12+$0x0] =	vst.idx.add.s32.msk vm0, v2  }
0x10c: {  	v1 =	vld [tilespmem:$0x2F0];
	_ =	sdelay $0x4  }
0x10d: {  	(xrf1) =	vunique.msk.u32 $0xffff, v1;
	_ =	sdelay $0xd  }
0x10e: {  	_, v2, vm0 =	vpop (xrf1);
	_ =	sdelay $0x1  }
.Ltmp5:
0x10f: {  	_ = 	snop;
	(pc) =	sbr.rel @p1 .LBB2_6-.Ltmp5, $2  }
0x110: {  	_ =	sdelay $0x2  }
0x111: {  	[tilespmem:v1+s12+$0x0] =	vst.idx.add.s32.msk vm0, v2  }
0x112: {  	_ =	swait.ge [sflag:s13], $0x300  }
0x113: {  	[sflag:s13] =	ssyncset.done $0x0  }
0x114: {  	[sflag:s13] =	ssyncadd.s32 $0xFFFFFD00  }
0x115: {  	[tilespmem:s2], [sflag:$0x1] =	stream.strided.gather [hbm4b:s18+s9], $0x300, s10, s9, $0x38;
	[tilespmem:$0x2D80] =	vst v63  }
0x116: {  	v1 =	vld [tilespmem:$0x300];
	_ =	sdelay $0x4  }
0x117: {  	(xrf1) =	vunique.msk.u32 $0xffff, v1;
	_ =	sdelay $0xd  }
0x118: {  	_, v2, vm0 =	vpop (xrf1);
	_ =	sdelay $0x5  }
0x119: {  	[tilespmem:v1+s12+$0x0] =	vst.idx.add.s32.msk vm0, v2  }
0x11a: {  	v1 =	vld [tilespmem:$0x310];
	_ =	sdelay $0x4  }
0x11b: {  	(xrf1) =	vunique.msk.u32 $0xffff, v1;
	_ =	sdelay $0xd  }
0x11c: {  	_, v2, vm0 =	vpop (xrf1);
	_ =	sdelay $0x5  }
0x11d: {  	[tilespmem:v1+s12+$0x0] =	vst.idx.add.s32.msk vm0, v2  }
0x11e: {  	v1 =	vld [tilespmem:$0x320];
	_ =	sdelay $0x4  }
0x11f: {  	(xrf1) =	vunique.msk.u32 $0xffff, v1;
	_ =	sdelay $0xd  }
0x120: {  	_, v2, vm0 =	vpop (xrf1);
	_ =	sdelay $0x5  }
0x121: {  	[tilespmem:v1+s12+$0x0] =	vst.idx.add.s32.msk vm0, v2  }
0x122: {  	v1 =	vld [tilespmem:$0x330];
	_ =	sdelay $0x4  }
0x123: {  	(xrf1) =	vunique.msk.u32 $0xffff, v1;
	_ =	sdelay $0xd  }
0x124: {  	_, v2, vm0 =	vpop (xrf1);
	_ =	sdelay $0x5  }
0x125: {  	[tilespmem:v1+s12+$0x0] =	vst.idx.add.s32.msk vm0, v2  }
0x126: {  	v1 =	vld [tilespmem:$0x340];
	_ =	sdelay $0x4  }
0x127: {  	(xrf1) =	vunique.msk.u32 $0xffff, v1;
	_ =	sdelay $0xd  }
0x128: {  	_, v2, vm0 =	vpop (xrf1);
	_ =	sdelay $0x5  }
0x129: {  	[tilespmem:v1+s12+$0x0] =	vst.idx.add.s32.msk vm0, v2  }
0x12a: {  	v1 =	vld [tilespmem:$0x350];
	_ =	sdelay $0x4  }
0x12b: {  	(xrf1) =	vunique.msk.u32 $0xffff, v1;
	_ =	sdelay $0xd  }
0x12c: {  	_, v2, vm0 =	vpop (xrf1);
	_ =	sdelay $0x5  }
0x12d: {  	[tilespmem:v1+s12+$0x0] =	vst.idx.add.s32.msk vm0, v2  }
0x12e: {  	v1 =	vld [tilespmem:$0x360];
	_ =	sdelay $0x4  }
0x12f: {  	(xrf1) =	vunique.msk.u32 $0xffff, v1;
	_ =	sdelay $0xd  }
0x130: {  	_, v2, vm0 =	vpop (xrf1);
	_ =	sdelay $0x5  }
0x131: {  	[tilespmem:v1+s12+$0x0] =	vst.idx.add.s32.msk vm0, v2  }
0x132: {  	v1 =	vld [tilespmem:$0x370];
	_ =	sdelay $0x4  }
0x133: {  	(xrf1) =	vunique.msk.u32 $0xffff, v1;
	_ =	sdelay $0xd  }
0x134: {  	_, v2, vm0 =	vpop (xrf1);
	_ =	sdelay $0x5  }
0x135: {  	[tilespmem:v1+s12+$0x0] =	vst.idx.add.s32.msk vm0, v2  }
0x136: {  	v1 =	vld [tilespmem:$0x380];
	_ =	sdelay $0x4  }
0x137: {  	(xrf1) =	vunique.msk.u32 $0xffff, v1;
	_ =	sdelay $0xd  }
0x138: {  	_, v2, vm0 =	vpop (xrf1);
	_ =	sdelay $0x5  }
0x139: {  	[tilespmem:v1+s12+$0x0] =	vst.idx.add.s32.msk vm0, v2  }
0x13a: {  	v1 =	vld [tilespmem:$0x390];
	_ =	sdelay $0x4  }
0x13b: {  	(xrf1) =	vunique.msk.u32 $0xffff, v1;
	_ =	sdelay $0xd  }
0x13c: {  	_, v2, vm0 =	vpop (xrf1);
	_ =	sdelay $0x5  }
0x13d: {  	[tilespmem:v1+s12+$0x0] =	vst.idx.add.s32.msk vm0, v2  }
0x13e: {  	v1 =	vld [tilespmem:$0x3A0];
	_ =	sdelay $0x4  }
0x13f: {  	(xrf1) =	vunique.msk.u32 $0xffff, v1;
	_ =	sdelay $0xd  }
0x140: {  	_, v2, vm0 =	vpop (xrf1);
	_ =	sdelay $0x5  }
0x141: {  	[tilespmem:v1+s12+$0x0] =	vst.idx.add.s32.msk vm0, v2  }
0x142: {  	v1 =	vld [tilespmem:$0x3B0];
	_ =	sdelay $0x4  }
0x143: {  	(xrf1) =	vunique.msk.u32 $0xffff, v1;
	_ =	sdelay $0xd  }
0x144: {  	_, v2, vm0 =	vpop (xrf1);
	_ =	sdelay $0x5  }
0x145: {  	[tilespmem:v1+s12+$0x0] =	vst.idx.add.s32.msk vm0, v2  }
0x146: {  	v1 =	vld [tilespmem:$0x3C0];
	_ =	sdelay $0x4  }
0x147: {  	(xrf1) =	vunique.msk.u32 $0xffff, v1;
	_ =	sdelay $0xd  }
0x148: {  	_, v2, vm0 =	vpop (xrf1);
	_ =	sdelay $0x5  }
0x149: {  	[tilespmem:v1+s12+$0x0] =	vst.idx.add.s32.msk vm0, v2  }
0x14a: {  	v1 =	vld [tilespmem:$0x3D0];
	_ =	sdelay $0x4  }
0x14b: {  	(xrf1) =	vunique.msk.u32 $0xffff, v1;
	_ =	sdelay $0xd  }
0x14c: {  	_, v2, vm0 =	vpop (xrf1);
	_ =	sdelay $0x5  }
0x14d: {  	[tilespmem:v1+s12+$0x0] =	vst.idx.add.s32.msk vm0, v2  }
0x14e: {  	v1 =	vld [tilespmem:$0x3E0];
	_ =	sdelay $0x4  }
0x14f: {  	(xrf1) =	vunique.msk.u32 $0xffff, v1;
	_ =	sdelay $0xd  }
0x150: {  	_, v2, vm0 =	vpop (xrf1);
	_ =	sdelay $0x5  }
0x151: {  	[tilespmem:v1+s12+$0x0] =	vst.idx.add.s32.msk vm0, v2  }
0x152: {  	v1 =	vld [tilespmem:$0x3F0];
	_ =	sdelay $0x4  }
0x153: {  	(xrf1) =	vunique.msk.u32 $0xffff, v1;
	_ =	sdelay $0xd  }
0x154: {  	_, v2, vm0 =	vpop (xrf1);
	_ =	sdelay $0x5  }
0x155: {  	[tilespmem:v1+s12+$0x0] =	vst.idx.add.s32.msk vm0, v2  }
0x156: {  	v1 =	vld [tilespmem:$0x400];
	_ =	sdelay $0x4  }
0x157: {  	(xrf1) =	vunique.msk.u32 $0xffff, v1;
	_ =	sdelay $0xd  }
0x158: {  	_, v2, vm0 =	vpop (xrf1);
	_ =	sdelay $0x5  }
0x159: {  	[tilespmem:v1+s12+$0x0] =	vst.idx.add.s32.msk vm0, v2  }
0x15a: {  	v1 =	vld [tilespmem:$0x410];
	_ =	sdelay $0x4  }
0x15b: {  	(xrf1) =	vunique.msk.u32 $0xffff, v1;
	_ =	sdelay $0xd  }
0x15c: {  	_, v2, vm0 =	vpop (xrf1);
	_ =	sdelay $0x5  }
0x15d: {  	[tilespmem:v1+s12+$0x0] =	vst.idx.add.s32.msk vm0, v2  }
0x15e: {  	v1 =	vld [tilespmem:$0x420];
	_ =	sdelay $0x4  }
0x15f: {  	(xrf1) =	vunique.msk.u32 $0xffff, v1;
	_ =	sdelay $0xd  }
0x160: {  	_, v2, vm0 =	vpop (xrf1);
	_ =	sdelay $0x5  }
0x161: {  	[tilespmem:v1+s12+$0x0] =	vst.idx.add.s32.msk vm0, v2  }
0x162: {  	v1 =	vld [tilespmem:$0x430];
	_ =	sdelay $0x4  }
0x163: {  	(xrf1) =	vunique.msk.u32 $0xffff, v1;
	_ =	sdelay $0xd  }
0x164: {  	_, v2, vm0 =	vpop (xrf1);
	_ =	sdelay $0x5  }
0x165: {  	[tilespmem:v1+s12+$0x0] =	vst.idx.add.s32.msk vm0, v2  }
0x166: {  	v1 =	vld [tilespmem:$0x440];
	_ =	sdelay $0x4  }
0x167: {  	(xrf1) =	vunique.msk.u32 $0xffff, v1;
	_ =	sdelay $0xd  }
0x168: {  	_, v2, vm0 =	vpop (xrf1);
	_ =	sdelay $0x5  }
0x169: {  	[tilespmem:v1+s12+$0x0] =	vst.idx.add.s32.msk vm0, v2  }
0x16a: {  	v1 =	vld [tilespmem:$0x450];
	_ =	sdelay $0x4  }
0x16b: {  	(xrf1) =	vunique.msk.u32 $0xffff, v1;
	_ =	sdelay $0xd  }
0x16c: {  	_, v2, vm0 =	vpop (xrf1);
	_ =	sdelay $0x5  }
0x16d: {  	[tilespmem:v1+s12+$0x0] =	vst.idx.add.s32.msk vm0, v2  }
0x16e: {  	v1 =	vld [tilespmem:$0x460];
	_ =	sdelay $0x4  }
0x16f: {  	(xrf1) =	vunique.msk.u32 $0xffff, v1;
	_ =	sdelay $0xd  }
0x170: {  	_, v2, vm0 =	vpop (xrf1);
	_ =	sdelay $0x5  }
0x171: {  	[tilespmem:v1+s12+$0x0] =	vst.idx.add.s32.msk vm0, v2  }
0x172: {  	v1 =	vld [tilespmem:$0x470];
	_ =	sdelay $0x4  }
0x173: {  	(xrf1) =	vunique.msk.u32 $0xffff, v1;
	_ =	sdelay $0xd  }
0x174: {  	_, v2, vm0 =	vpop (xrf1);
	_ =	sdelay $0x5  }
0x175: {  	[tilespmem:v1+s12+$0x0] =	vst.idx.add.s32.msk vm0, v2  }
0x176: {  	v1 =	vld [tilespmem:$0x480];
	_ =	sdelay $0x4  }
0x177: {  	(xrf1) =	vunique.msk.u32 $0xffff, v1;
	_ =	sdelay $0xd  }
0x178: {  	_, v2, vm0 =	vpop (xrf1);
	_ =	sdelay $0x5  }
0x179: {  	[tilespmem:v1+s12+$0x0] =	vst.idx.add.s32.msk vm0, v2  }
0x17a: {  	v1 =	vld [tilespmem:$0x490];
	_ =	sdelay $0x4  }
0x17b: {  	(xrf1) =	vunique.msk.u32 $0xffff, v1;
	_ =	sdelay $0xd  }
0x17c: {  	_, v2, vm0 =	vpop (xrf1);
	_ =	sdelay $0x5  }
0x17d: {  	[tilespmem:v1+s12+$0x0] =	vst.idx.add.s32.msk vm0, v2  }
0x17e: {  	v1 =	vld [tilespmem:$0x4A0];
	_ =	sdelay $0x4  }
0x17f: {  	(xrf1) =	vunique.msk.u32 $0xffff, v1;
	_ =	sdelay $0xd  }
0x180: {  	_, v2, vm0 =	vpop (xrf1);
	_ =	sdelay $0x5  }
0x181: {  	[tilespmem:v1+s12+$0x0] =	vst.idx.add.s32.msk vm0, v2  }
0x182: {  	v1 =	vld [tilespmem:$0x4B0];
	_ =	sdelay $0x4  }
0x183: {  	(xrf1) =	vunique.msk.u32 $0xffff, v1;
	_ =	sdelay $0xd  }
0x184: {  	_, v2, vm0 =	vpop (xrf1);
	_ =	sdelay $0x5  }
0x185: {  	[tilespmem:v1+s12+$0x0] =	vst.idx.add.s32.msk vm0, v2  }
0x186: {  	v1 =	vld [tilespmem:$0x4C0];
	_ =	sdelay $0x4  }
0x187: {  	(xrf1) =	vunique.msk.u32 $0xffff, v1;
	_ =	sdelay $0xd  }
0x188: {  	_, v2, vm0 =	vpop (xrf1);
	_ =	sdelay $0x5  }
0x189: {  	[tilespmem:v1+s12+$0x0] =	vst.idx.add.s32.msk vm0, v2  }
0x18a: {  	v1 =	vld [tilespmem:$0x4D0];
	_ =	sdelay $0x4  }
0x18b: {  	(xrf1) =	vunique.msk.u32 $0xffff, v1;
	_ =	sdelay $0xd  }
0x18c: {  	_, v2, vm0 =	vpop (xrf1);
	_ =	sdelay $0x5  }
0x18d: {  	[tilespmem:v1+s12+$0x0] =	vst.idx.add.s32.msk vm0, v2  }
0x18e: {  	v1 =	vld [tilespmem:$0x4E0];
	_ =	sdelay $0x4  }
0x18f: {  	(xrf1) =	vunique.msk.u32 $0xffff, v1;
	_ =	sdelay $0xd  }
0x190: {  	_, v2, vm0 =	vpop (xrf1);
	_ =	sdelay $0x5  }
0x191: {  	[tilespmem:v1+s12+$0x0] =	vst.idx.add.s32.msk vm0, v2  }
0x192: {  	v1 =	vld [tilespmem:$0x4F0];
	_ =	sdelay $0x4  }
0x193: {  	(xrf1) =	vunique.msk.u32 $0xffff, v1;
	_ =	sdelay $0xd  }
0x194: {  	_, v2, vm0 =	vpop (xrf1);
	_ =	sdelay $0x5  }
0x195: {  	[tilespmem:v1+s12+$0x0] =	vst.idx.add.s32.msk vm0, v2  }
0x196: {  	v1 =	vld [tilespmem:$0x500];
	_ =	sdelay $0x4  }
0x197: {  	(xrf1) =	vunique.msk.u32 $0xffff, v1;
	_ =	sdelay $0xd  }
0x198: {  	_, v2, vm0 =	vpop (xrf1);
	_ =	sdelay $0x5  }
0x199: {  	[tilespmem:v1+s12+$0x0] =	vst.idx.add.s32.msk vm0, v2  }
0x19a: {  	v1 =	vld [tilespmem:$0x510];
	_ =	sdelay $0x4  }
0x19b: {  	(xrf1) =	vunique.msk.u32 $0xffff, v1;
	_ =	sdelay $0xd  }
0x19c: {  	_, v2, vm0 =	vpop (xrf1);
	_ =	sdelay $0x5  }
0x19d: {  	[tilespmem:v1+s12+$0x0] =	vst.idx.add.s32.msk vm0, v2  }
0x19e: {  	v1 =	vld [tilespmem:$0x520];
	_ =	sdelay $0x4  }
0x19f: {  	(xrf1) =	vunique.msk.u32 $0xffff, v1;
	_ =	sdelay $0xd  }
0x1a0: {  	_, v2, vm0 =	vpop (xrf1);
	_ =	sdelay $0x5  }
0x1a1: {  	[tilespmem:v1+s12+$0x0] =	vst.idx.add.s32.msk vm0, v2  }
0x1a2: {  	v1 =	vld [tilespmem:$0x530];
	_ =	sdelay $0x4  }
0x1a3: {  	(xrf1) =	vunique.msk.u32 $0xffff, v1;
	_ =	sdelay $0xd  }
0x1a4: {  	_, v2, vm0 =	vpop (xrf1);
	_ =	sdelay $0x5  }
0x1a5: {  	[tilespmem:v1+s12+$0x0] =	vst.idx.add.s32.msk vm0, v2  }
0x1a6: {  	v1 =	vld [tilespmem:$0x540];
	_ =	sdelay $0x4  }
0x1a7: {  	(xrf1) =	vunique.msk.u32 $0xffff, v1;
	_ =	sdelay $0xd  }
0x1a8: {  	_, v2, vm0 =	vpop (xrf1);
	_ =	sdelay $0x5  }
0x1a9: {  	[tilespmem:v1+s12+$0x0] =	vst.idx.add.s32.msk vm0, v2  }
0x1aa: {  	v1 =	vld [tilespmem:$0x550];
	_ =	sdelay $0x4  }
0x1ab: {  	(xrf1) =	vunique.msk.u32 $0xffff, v1;
	_ =	sdelay $0xd  }
0x1ac: {  	_, v2, vm0 =	vpop (xrf1);
	_ =	sdelay $0x5  }
0x1ad: {  	[tilespmem:v1+s12+$0x0] =	vst.idx.add.s32.msk vm0, v2  }
0x1ae: {  	v1 =	vld [tilespmem:$0x560];
	_ =	sdelay $0x4  }
0x1af: {  	(xrf1) =	vunique.msk.u32 $0xffff, v1;
	_ =	sdelay $0xd  }
0x1b0: {  	_, v2, vm0 =	vpop (xrf1);
	_ =	sdelay $0x5  }
0x1b1: {  	[tilespmem:v1+s12+$0x0] =	vst.idx.add.s32.msk vm0, v2  }
0x1b2: {  	v1 =	vld [tilespmem:$0x570];
	_ =	sdelay $0x4  }
0x1b3: {  	(xrf1) =	vunique.msk.u32 $0xffff, v1;
	_ =	sdelay $0xd  }
0x1b4: {  	_, v2, vm0 =	vpop (xrf1);
	_ =	sdelay $0x5  }
0x1b5: {  	[tilespmem:v1+s12+$0x0] =	vst.idx.add.s32.msk vm0, v2  }
0x1b6: {  	v1 =	vld [tilespmem:$0x580];
	_ =	sdelay $0x4  }
0x1b7: {  	(xrf1) =	vunique.msk.u32 $0xffff, v1;
	_ =	sdelay $0xd  }
0x1b8: {  	_, v2, vm0 =	vpop (xrf1);
	_ =	sdelay $0x5  }
0x1b9: {  	[tilespmem:v1+s12+$0x0] =	vst.idx.add.s32.msk vm0, v2  }
0x1ba: {  	v1 =	vld [tilespmem:$0x590];
	_ =	sdelay $0x4  }
0x1bb: {  	(xrf1) =	vunique.msk.u32 $0xffff, v1;
	_ =	sdelay $0xd  }
0x1bc: {  	_, v2, vm0 =	vpop (xrf1);
	_ =	sdelay $0x5  }
0x1bd: {  	[tilespmem:v1+s12+$0x0] =	vst.idx.add.s32.msk vm0, v2  }
0x1be: {  	v1 =	vld [tilespmem:$0x5A0];
	_ =	sdelay $0x4  }
0x1bf: {  	(xrf1) =	vunique.msk.u32 $0xffff, v1;
	_ =	sdelay $0xd  }
0x1c0: {  	_, v2, vm0 =	vpop (xrf1);
	_ =	sdelay $0x5  }
0x1c1: {  	[tilespmem:v1+s12+$0x0] =	vst.idx.add.s32.msk vm0, v2  }
0x1c2: {  	v1 =	vld [tilespmem:$0x5B0];
	_ =	sdelay $0x4  }
0x1c3: {  	(xrf1) =	vunique.msk.u32 $0xffff, v1;
	_ =	sdelay $0xd  }
0x1c4: {  	_, v2, vm0 =	vpop (xrf1);
	_ =	sdelay $0x5  }
0x1c5: {  	[tilespmem:v1+s12+$0x0] =	vst.idx.add.s32.msk vm0, v2  }
0x1c6: {  	v1 =	vld [tilespmem:$0x5C0];
	_ =	sdelay $0x4  }
0x1c7: {  	(xrf1) =	vunique.msk.u32 $0xffff, v1;
	_ =	sdelay $0xd  }
0x1c8: {  	_, v2, vm0 =	vpop (xrf1);
	_ =	sdelay $0x5  }
0x1c9: {  	[tilespmem:v1+s12+$0x0] =	vst.idx.add.s32.msk vm0, v2  }
0x1ca: {  	v1 =	vld [tilespmem:$0x5D0];
	_ =	sdelay $0x4  }
0x1cb: {  	(xrf1) =	vunique.msk.u32 $0xffff, v1;
	_ =	sdelay $0xd  }
0x1cc: {  	_, v2, vm0 =	vpop (xrf1);
	_ =	sdelay $0x5  }
0x1cd: {  	[tilespmem:v1+s12+$0x0] =	vst.idx.add.s32.msk vm0, v2  }
0x1ce: {  	v1 =	vld [tilespmem:$0x5E0];
	_ =	sdelay $0x4  }
0x1cf: {  	(xrf1) =	vunique.msk.u32 $0xffff, v1;
	_ =	sdelay $0xd  }
0x1d0: {  	_, v2, vm0 =	vpop (xrf1);
	_ =	sdelay $0x5  }
0x1d1: {  	[tilespmem:v1+s12+$0x0] =	vst.idx.add.s32.msk vm0, v2  }
0x1d2: {  	v1 =	vld [tilespmem:$0x5F0];
	_ =	sdelay $0x4  }
0x1d3: {  	(xrf1) =	vunique.msk.u32 $0xffff, v1;
	_ =	sdelay $0xd  }
0x1d4: {  	_, v2, vm0 =	vpop (xrf1);
	_ =	sdelay $0x1  }
.Ltmp6:
0x1d5: {  	_ = 	snop;
	(pc) =	sbr.rel .LBB2_6-.Ltmp6, $2  }
0x1d6: {  	_ =	sdelay $0x2  }
0x1d7: {  	[tilespmem:v1+s12+$0x0] =	vst.idx.add.s32.msk vm0, v2  }
.LBB2_8:
0x1d8: {  	_ =	sfence.sel $0x180000  }
0x1d9: {  	[bflag:$0x0] =	sbarrier.arrive $0xFFFF  }
0x1da: {  	p0 =	sne.s32 s0, $0x0;
	_ =	strace $0x90000047  }
0x1db: {  	s0 =	sadd.s32 @!p0 $0x100000, s1;
	[bflag:$0x2] =	sbarrier.arrive $0xFFFF  }
0x1dc: {  	[sflag:s0] =	ssyncadd.tile.s32 @!p0 $0x1;
	_ =	shalt  }
.Lfunc_end2:
_tile_overlayer_lowered:
.L_overlay_start_2:
0x1dd: {  	(tag) =	ssettag $0x2  }
0x1de: {  	s0 =	rddreg [dreg:$0x0];
	s2 =	stileid.u32  }
0x1df: {  	s1 =	rddreg [dreg:$0x1];
	p0 =	sne.s32 s2, $0x0  }
0x1e0: {  	s3 =	rddreg [dreg:$0x2];
	[bflag:$0x3] =	sbarrier.arrive $0xFFFF;
	s2 =	simm.s32 @!p0 $0x1C03  }
0x1e1: {  	[timem:s3], [sflag:s2] =	dma.local @!p0 [hbm:s0], s1  }
0x1e2: {  	s0 =	simm.s32 @!p0 $0x3  }
0x1e3: {  	_ =	swait.ge @!p0 [sflag:s0], s1  }
0x1e4: {  	s1 =	ssub.s32 @!p0 $0x0, s1;
	[sflag:s0] =	ssyncset.done @!p0 $0x0  }
0x1e5: {  	[sflag:s0] =	ssyncadd.s32 @!p0 s1  }
0x1e6: {  	[bflag:$0x3] =	sbarrier.arrive $0xFFFF  }
0x1e7: {  	_ =	shalt  }

// kernel: kernel.9.cloned.1.call-start
scs
__scs_entry_jumppad:
0x0: {  	(pc) =	sbr.rel $0x88, $3  }
0x1: {  	(tag) =	ssettag $0x0;
	lr =	simm.s32 $0x1  }
0x2: {  	[smem:$0x3F9D] =	sst lr;
	_ =	strace $0xD0000000  }
0x3: {  	_ = 	snop  }
0x4: {  	_ = 	snop  }
0x5: {  	_ = 	snop  }
0x6: {  	_ = 	snop  }
0x7: {  	_ = 	snop  }
__scs_overlays_trampoline_lowered:
0x8: {  	[smem:$0x3FAC] =	sst s0  }
0x9: {  	[smem:$0x3FAD] =	sst s1  }
0xa: {  	[smem:$0x3FAE] =	sst s2  }
0xb: {  	[smem:$0x3FAF] =	sst s3  }
0xc: {  	[smem:$0x3FB0] =	sst s4  }
0xd: {  	[smem:$0x3FB1] =	sst s5  }
0xe: {  	[smem:$0x3FB2] =	sst s6  }
0xf: {  	[smem:$0x3FB3] =	sst s7  }
0x10: {  	[smem:$0x3FB4] =	sst s8  }
0x11: {  	[smem:$0x3FB5] =	sst s9;
	s0 =	simm.s32 @!p0 $0x0  }
0x12: {  	s1 =	sld [smem:$0x3F9B];
	s0 =	simm.s32 @p0 $0x1  }
0x13: {  	[smem:$0x3FB6] =	sst s0;
	s0 =	simm.s32 @!p1 $0x0  }
0x14: {  	s2 =	sld [smem:$0x3F9A];
	s0 =	simm.s32 @p1 $0x1  }
0x15: {  	[smem:$0x3FB7] =	sst s0;
	s0 =	simm.s32 @!p2 $0x0  }
0x16: {  	s3 =	sld [smem:$0x3FDB];
	s0 =	simm.s32 @p2 $0x1  }
0x17: {  	s4 =	simm.s32 $0x1BF5;
	[smem:$0x3FB9] =	sst s0  }
0x18: {  	s0 =	sld [smem:$0x3F9C];
	_ =	swait.ge [sflag:s4], $0x0  }
0x19: {  	s7 =	sld [smem:$0x3F9D]  }
0x1a: {  	s8 =	sadd.s32 $0xFFFFE003, lr  }
0x1b: {  	s9 =	sadd.s32 $0xFFFFFEF7, lr;
	s5 =	simm.s32 $0xFFFFFFFF;
	p2 =	slt.u32 s8, $0xFFFFF086  }
0x1c: {  	p1 =	slt.u32 s9, $0xF7A;
	s5 =	simm.s32 @!p2 $0x0  }
0x1d: {  	s5 =	simm.s32 @p1 $0x1;
	p0 =	seq.s32 s7, s2  }
0x1e: {  	s7 =	smul.u32 @!p0 $0xF7A, s2;
	p2 =	seq.s32 @!p0 s5, $0x0  }
0x1f: {  	s9 =	smul.u32 $0xF7A, s1;
	s8 =	simm.s32 @!p0 $0x1BF5;
	p2 =	por !p2, p0  }
0x20: {  	[sflag:s8] =	ssyncset.s32 @!p0 $0xFFFFF086;
	s6 =	sadd.s32 @!p0 s3, s7;
	s7 =	simm.s32 @!p0 $0x108  }
0x21: {  	s3 =	sadd.s32 s3, s9;
	s6 =	sadd.s32 @!p0 $0x88, s6;
	s7 =	simm.s32 @p2 $0x1082  }
0x22: {  	[simem:s7], [sflag:s8] =	dma.local @!p0 [hbm:s6], $0xF7A  }
0x23: {  	s9 =	sor.u32 $0xD0000000, s2;
	s6 =	simm.s32 $0x108;
	_ =	swait.ge @!p0 [sflag:s8], $0x0  }
0x24: {  	s3 =	sadd.s32 $0x88, s3;
	s6 =	simm.s32 @!p1 $0x1082;
	[sflag:s4] =	ssyncset.s32 $0xFFFFF086  }
0x25: {  	[simem:s6], [sflag:s4] =	dma.local [hbm:s3], $0xF7A  }
0x26: {  	[smem:$0x3F9D] =	sst s1;
	(tag) =	ssettag s2;
	_ =	strace s9  }
0x27: {  	s1 =	sld [smem:$0x3FAD]  }
0x28: {  	s2 =	sld [smem:$0x3FAE]  }
0x29: {  	s4 =	sld [smem:$0x3FB0]  }
0x2a: {  	p0 =	seq.s32 s5, $0x0;
	s5 =	sld [smem:$0x3FB1]  }
0x2b: {  	s6 =	sld [smem:$0x3FB2]  }
0x2c: {  	s7 =	sld [smem:$0x3FB3]  }
0x2d: {  	s3 =	simm.s32 $0x108;
	s8 =	sld [smem:$0x3FB4]  }
0x2e: {  	s3 =	simm.s32 @!p0 $0x1082;
	s9 =	sld [smem:$0x3FB5]  }
0x2f: {  	lr =	sadd.s32 s0, s3;
	s0 =	sld [smem:$0x3FAC]  }
0x30: {  	s3 =	sld [smem:$0x3FAF]  }
0x31: {  	[smem:$0x3FB8] =	sst s10  }
0x32: {  	s10 =	sld [smem:$0x3FB6];
	_ =	sdelay $0x3  }
0x33: {  	p0 =	seq.s32 s10, $0x1;
	s10 =	sld [smem:$0x3FB8];
	_ =	sdelay $0x3  }
0x34: {  	[smem:$0x3FB8] =	sst s10  }
0x35: {  	s10 =	sld [smem:$0x3FB7];
	_ =	sdelay $0x3  }
0x36: {  	p1 =	seq.s32 s10, $0x1;
	s10 =	sld [smem:$0x3FB8];
	_ =	sdelay $0x3  }
0x37: {  	[smem:$0x3FB8] =	sst s10  }
0x38: {  	s10 =	sld [smem:$0x3FB9]  }
0x39: {  	_ = 	snop;
	(pc) =	sbr.ind lr, $3  }
0x3a: {  	_ = 	snop  }
0x3b: {  	_ = 	snop  }
0x3c: {  	p2 =	seq.s32 s10, $0x1;
	s10 =	sld [smem:$0x3FB8]  }
0x3d: {  	_ =	shalt  }
0x3e: {  	_ =	shalt  }
0x3f: {  	_ =	shalt  }
0x40: {  	_ =	shalt  }
0x41: {  	_ =	shalt  }
0x42: {  	_ =	shalt  }
0x43: {  	_ =	shalt  }
0x44: {  	_ =	shalt  }
0x45: {  	_ =	shalt  }
0x46: {  	_ =	shalt  }
0x47: {  	_ =	shalt  }
0x48: {  	_ =	shalt  }
0x49: {  	_ =	shalt  }
0x4a: {  	_ =	shalt  }
0x4b: {  	_ =	shalt  }
0x4c: {  	_ =	shalt  }
0x4d: {  	_ =	shalt  }
0x4e: {  	_ =	shalt  }
0x4f: {  	_ =	shalt  }
0x50: {  	_ =	shalt  }
0x51: {  	_ =	shalt  }
0x52: {  	_ =	shalt  }
0x53: {  	_ =	shalt  }
0x54: {  	_ =	shalt  }
0x55: {  	_ =	shalt  }
0x56: {  	_ =	shalt  }
0x57: {  	_ =	shalt  }
0x58: {  	_ =	shalt  }
0x59: {  	_ =	shalt  }
0x5a: {  	_ =	shalt  }
0x5b: {  	_ =	shalt  }
0x5c: {  	_ =	shalt  }
0x5d: {  	_ =	shalt  }
0x5e: {  	_ =	shalt  }
0x5f: {  	_ =	shalt  }
0x60: {  	_ =	shalt  }
0x61: {  	_ =	shalt  }
0x62: {  	_ =	shalt  }
0x63: {  	_ =	shalt  }
0x64: {  	_ =	shalt  }
0x65: {  	_ =	shalt  }
0x66: {  	_ =	shalt  }
0x67: {  	_ =	shalt  }
0x68: {  	_ =	shalt  }
0x69: {  	_ =	shalt  }
0x6a: {  	_ =	shalt  }
0x6b: {  	_ =	shalt  }
0x6c: {  	_ =	shalt  }
0x6d: {  	_ =	shalt  }
0x6e: {  	_ =	shalt  }
0x6f: {  	_ =	shalt  }
0x70: {  	_ =	shalt  }
0x71: {  	_ =	shalt  }
0x72: {  	_ =	shalt  }
0x73: {  	_ =	shalt  }
0x74: {  	_ =	shalt  }
0x75: {  	_ =	shalt  }
0x76: {  	_ =	shalt  }
0x77: {  	_ =	shalt  }
0x78: {  	_ =	shalt  }
0x79: {  	_ =	shalt  }
0x7a: {  	_ =	shalt  }
0x7b: {  	_ =	shalt  }
0x7c: {  	_ =	shalt  }
0x7d: {  	_ =	shalt  }
0x7e: {  	_ =	shalt  }
0x7f: {  	_ =	shalt  }
0x80: {  	_ =	shalt  }
0x81: {  	_ =	shalt  }
0x82: {  	_ =	shalt  }
0x83: {  	_ =	shalt  }
0x84: {  	_ =	shalt  }
0x85: {  	_ =	shalt  }
0x86: {  	_ =	shalt  }
0x87: {  	_ =	shalt  }
.Lfunc_end0:
.L_simem_size_0:
called_computation.1_lowered:
.L_overlay_start_0:
0x88: {  	s2 =	sld [smem:$0x3FD9]  }
0x89: {  	s3 =	sld [smem:$0x3FFE];
	_ =	sdelay $0x1  }
0x8a: {  	s1 =	srdreg.scid  }
0x8b: {  	s0 =	sand.u32 $0x1, s1  }
0x8c: {  	s17 =	sshll.u32 s0, $0xA;
	s2 =	sadd.s32 s3, s2  }
0x8d: {  	s2 =	sadd.s32 s2, s17  }
0x8e: {  	[smem:$0x3FC4] =	sst s2  }
0x8f: {  	_ = 	snop  }
0x90: {  	s2 =	sld [smem:$0x3FC8]  }
0x91: {  	s18 =	sld [smem:$0x3FD0];
	(tm) =	ssettm $0x1  }
0x92: {  	s4 =	sld [smem:$0x3FFB];
	_ =	sdelay $0x3  }
0x93: {  	_ =	strace s4  }
0x94: {  	s4 =	sld [smem:$0x3FFC];
	_ =	sdelay $0x3  }
0x95: {  	_ =	strace s4  }
0x96: {  	s4 =	sld [smem:$0x3FFD];
	_ =	sdelay $0x3  }
0x97: {  	_ =	strace s4  }
0x98: {  	_ =	strace $0x8FFFFFFF  }
0x99: {  	s19 =	sld [smem:$0x3FDB];
	_ =	sdelay $0x1  }
0x9a: {  	s5 =	simm.s32 $_scs_section_size  }
0x9b: {  	s6 =	simm.s32 $_size__tile_overlayer_lowered;
	s7 =	simm.s32 $_tile_overlayer_lowered  }
0x9c: {  	s22 =	simm.s32 $0x1BFF;
	s21 =	sshll.u32 s7, $0x1;
	s4 =	sadd.s32 s5, s19  }
0x9d: {  	s8 =	simm.s32 $0x0;
	s20 =	sshll.u32 s6, $0x1;
	s6 =	sadd.s32 s21, s4  }
0x9e: {  	[timem:s8], [sflag:s22] =	dma.local [hbm:s6], s20  }
0x9f: {  	_ =	swait.ge [sflag:s22], s20  }
0xa0: {  	s5 =	ssub.s32 $0x0, s20;
	[sflag:s22] =	ssyncset.done $0x0  }
0xa1: {  	[sflag:s22] =	ssyncadd.s32 s5;
	_ =	sdelay $0x1  }
0xa2: {  	s23 =	simm.s32 $0x1B8B  }
0xa3: {  	_ =	swait.ge [sflag:s23], $0x1  }
0xa4: {  	[sflag:s23] =	ssyncset.done $0x0  }
0xa5: {  	s25 =	simm.s32 $0x1B8E;
	s24 =	sld [smem:$0x3FFE];
	[sflag:s23] =	ssyncadd.s32 $0xFFFFFFFF  }
0xa6: {  	s26 =	simm.s32 $execute0_lowered;
	[smem:$0x3FD2] =	sst s25  }
0xa7: {  	s6 =	sshll.u32 s26, $0x1;
	_ =	strace $0x80000049;
	[dreg:$0x1] =	wrdreg $0xFFFFFFFF  }
0xa8: {  	s28 =	simm.s32 $_size_execute0_lowered;
	s4 =	sadd.s32 s4, s6;
	[dreg:$0x0] =	wrdreg $0x0  }
0xa9: {  	s6 =	sshll.u32 s28, $0x1;
	[dreg:$0x2] =	wrdreg s4  }
0xaa: {  	[dreg:$0x3] =	wrdreg s6  }
0xab: {  	[dreg:$0x4] =	wrdreg $0xC0  }
0xac: {  	_ =	task [dreg:s8], $0x5FFFF  }
0xad: {  	[dreg:$0x1] =	wrdreg $0xFFFFFFFF  }
0xae: {  	[dreg:$0x0] =	wrdreg $0x60  }
0xaf: {  	[dreg:$0x2] =	wrdreg s18  }
0xb0: {  	[dreg:$0x3] =	wrdreg s2  }
0xb1: {  	[dreg:$0x4] =	wrdreg s24  }
0xb2: {  	[dreg:$0x5] =	wrdreg $0xC6000  }
0xb3: {  	[dreg:$0x6] =	wrdreg $0x9  }
0xb4: {  	_ =	task.clear_ibuf [dreg:s8], $0x7FFFF;
	_ =	strace $0x90000049  }
0xb5: {  	s29 =	simm.s32 $0x9;
	_ =	strace $0x8000004B  }
0xb6: {  	_ =	swait.ge [sflag:s29], $0x1  }
0xb7: {  	[sflag:s29] =	ssyncadd.s32 $0xFFFFFFFF  }
0xb8: {  	_ =	strace $0x9000004B  }
0xb9: {  	_ =	sfence  }
0xba: {  	s30 =	sld [smem:$0x0];
	_ =	sdelay $0x2  }
0xbb: {  	s31 =	sshll.u32 s1, $0xD;
	s1 =	sshrl.u32 s1, $0x2  }
0xbc: {  	s3 =	sand.u32 $0x4000, s31;
	s1 =	sadd.s32 s1, s30  }
0xbd: {  	s0 =	sor.u32 s3, s0;
	s1 =	sshll.u32 s1, $0x11  }
0xbe: {  	s0 =	sor.u32 s1, s0  }
0xbf: {  	s0 =	sadd.s32 $0x8F2B, s0  }
0xc0: {  	[sflag:s0] =	ssyncadd.remote.s32 $0x1  }
0xc1: {  	_ =	sfence.sel $0xFFFF  }
0xc2: {  	[dreg:$0x0] =	wrdreg $0xFFFFFFFF;
	(pc) =	sbr.abs _section_cstart, $3  }
0xc3: {  	[dreg:$0x1] =	wrdreg $0xFFFFFFFF  }
0xc4: {  	_ =	task.clear_ibuf [dreg:s8], $0x2FFFF;
	_ =	strace $0x9FFFFFFF  }
0xc5: {  	(tm) =	ssettm $0x7FFFFFFF  }
tec
execute0_lowered:
.L_overlay_start_1:
0x0: {  	(tag) =	ssettag $0x1  }
0x1: {  	s1 =	rddreg [dreg:$0x0]  }
0x2: {  	s2 =	rddreg [dreg:$0x1]  }
0x3: {  	s0 =	rddreg [dreg:$0x2]  }
0x4: {  	s3 =	rddreg [dreg:$0x3];
	s5 =	simm.s32 $0x0;
	s4 =	srdreg.scid  }
0x5: {  	s13 =	stileid.u32;
	[smem:$0x7FF] =	sst s5  }
0x6: {  	s4 =	sand.u32 $0x1, s4;
	s6 =	smul.u32 $0x4E000, s13;
	s0 =	sadd.s32 $0x1600, s0  }
0x7: {  	s8 =	sshll.u32 s13, $0x1;
	s11 =	sadd.s32 $0x10, s2;
	s12 =	smul.u32 $0x13800, s13  }
0x8: {  	s15 =	sshll.u32 s13, $0x9;
	p0 =	seq.s32 s13, $0xF;
	s8 =	sor.u32 s4, s8  }
0x9: {  	_ =	strace $0x8000004A;
	s22 =	ssub.s32 $0x9E3, s8;
	s8 =	sshll.u32 s8, $0x5  }
0xa: {  	s7 =	ssub.s32 $0x2, s4;
	s14 =	sadd.s32 s2, s8;
	s8 =	sadd.s32 s8, s11  }
0xb: {  	s29 =	smul.u32 $0x138800, s4;
	s6 =	sshrl.u32 s6, $0x2;
	[dreg:$0x12] =	wrdreg s8  }
0xc: {  	s4 =	sshll.u32 s4, $0x8;
	s6 =	sadd.s32 s6, s3;
	[dreg:$0x11] =	wrdreg s14  }
0xd: {  	s9 =	sshrl.u32 s7, $0x1;
	s10 =	sadd.s32 $0x4000, s6;
	[dreg:$0xc] =	wrdreg s6  }
0xe: {  	s4 =	sor.u32 s4, s15;
	s23 =	sadd.s32 $0x8000, s6;
	[dreg:$0xd] =	wrdreg s10  }
0xf: {  	s9 =	ssub.s32 s7, s9;
	s24 =	sadd.s32 $0xC000, s6;
	[dreg:$0xe] =	wrdreg s23  }
0x10: {  	s7 =	sshrl.u32 s22, $0x5;
	s25 =	sadd.s32 $0x10000, s6;
	[dreg:$0xf] =	wrdreg s24  }
0x11: {  	s12 =	sadd.s32 s12, s29;
	s26 =	sadd.s32 $0x400, s14;
	[dreg:$0x10] =	wrdreg s25  }
0x12: {  	s17 =	sor.u32 $0x10000, s4;
	s28 =	sadd.s32 $0x410, s14;
	[dreg:$0x13] =	wrdreg s26  }
0x13: {  	s19 =	sor.u32 $0xE000, s4;
	s30 =	sadd.s32 $0x800, s14;
	[dreg:$0x14] =	wrdreg s28  }
0x14: {  	s31 =	sadd.s32 $0xFFFFFFFF, s7;
	s14 =	sadd.s32 $0x810, s14;
	[dreg:$0x15] =	wrdreg s30  }
0x15: {  	s16 =	sshrl.u32 s12, $0x3;
	s8 =	sshrl.u32 s29, $0x3;
	[dreg:$0x16] =	wrdreg s14  }
0x16: {  	s18 =	sshrl.u32 s17, $0x3;
	[dreg:$0x6] =	wrdreg s31;
	s14 =	sadd.s32 $0xFFFFFFFE, s7  }
0x17: {  	s21 =	sshrl.u32 s19, $0x3;
	s10 =	sadd.s32 s0, s16;
	[dreg:$0x8] =	wrdreg s14  }
0x18: {  	s0 =	sadd.s32 s0, s8;
	s20 =	sadd.s32 s18, s2;
	[dreg:$0x17] =	wrdreg s10  }
0x19: {  	s22 =	sadd.s32 s21, s2;
	s23 =	sor.u32 $0xA000, s4;
	[dreg:$0xb] =	wrdreg s20  }
0x1a: {  	s25 =	sor.u32 $0x8000, s4;
	s31 =	smax.u32 s9, $0x1;
	[dreg:$0xa] =	wrdreg s22  }
0x1b: {  	s26 =	sor.u32 $0x6000, s4;
	s4 =	sor.u32 $0xC000, s4;
	[dreg:$0x19] =	wrdreg s31  }
0x1c: {  	s0 =	sadd.s32 $0x24900, s0;
	s24 =	sshrl.u32 s23, $0x3;
	[dreg:$0x1a] =	wrdreg s4  }
0x1d: {  	s8 =	sshrl.u32 s25, $0x3;
	[dreg:$0x18] =	wrdreg s0;
	s0 =	sadd.s32 s24, s2  }
0x1e: {  	s29 =	sshrl.u32 s26, $0x3;
	s28 =	sadd.s32 s8, s2;
	[dreg:$0x9] =	wrdreg s0  }
0x1f: {  	s30 =	sadd.s32 s29, s2;
	[dreg:$0x7] =	wrdreg s28;
	s0 =	simm.s32 @!p0 $0x0  }
0x20: {  	s10 =	sadd.s32 $0x124800, s3;
	[dreg:$0x5] =	wrdreg s30;
	s0 =	simm.s32 @p0 $0x1  }
0x21: {  	[smem:$0x7FD] =	sst s0;
	s0 =	sshrl.u32 @p0 s10, $0x3  }
0x22: {  	v0 =	vimm.f32 $0.0e+00;
	s23 =	simm.s32 $0x600;
	s24 =	simm.s32 $0x13;
	[dreg:$0x1b] =	wrdreg s0  }
.LBB2_1:
0x23: {  	s0 =	simm.s32 $0x0;
	s4 =	simm.s32 $0x200  }
.LBB2_2:
0x24: {  	p0 =	sne.s32 s4, $0xFE00;
	[tilespmem:s0+$0x670] =	vst v0  }
0x25: {  	[tilespmem:s0+$0x600] =	vst v0  }
0x26: {  	[tilespmem:s0+$0x610] =	vst v0  }
.Ltmp0:
0x27: {  	[tilespmem:s0+$0x620] =	vst v0;
	(pc) =	sbr.rel @p0 .LBB2_2-.Ltmp0, $4  }
0x28: {  	[tilespmem:s0+$0x630] =	vst v0  }
0x29: {  	[tilespmem:s0+$0x640] =	vst v0  }
0x2a: {  	[tilespmem:s0+$0x650] =	vst v0  }
0x2b: {  	[tilespmem:s0+$0x660] =	vst v0;
	s0 =	sshra.s32 s4, $0x2;
	s4 =	sadd.s32 $0x200, s4  }
0x2c: {  	[tilespmem:s0+$0x670] =	vst v0  }
0x2d: {  	[tilespmem:s0+$0x600] =	vst v0  }
0x2e: {  	[tilespmem:s0+$0x610] =	vst v0  }
0x2f: {  	[tilespmem:s0+$0x620] =	vst v0  }
0x30: {  	[tilespmem:s0+$0x630] =	vst v0  }
0x31: {  	[tilespmem:s0+$0x640] =	vst v0  }
0x32: {  	[tilespmem:s0+$0x650] =	vst v0  }
0x33: {  	[tilespmem:s0+$0x660] =	vst v0  }
0x34: {  	[spmem:s6] =	stream.linear.scatter [tilespmem:s23], [sflag:$0x13], $0x4000, $0x38;
	[tilespmem:$0x1FE80] =	vst v63  }
0x35: {  	_ =	swait.ge [sflag:s24], $0x4000  }
0x36: {  	[sflag:s24] =	ssyncset.done $0x0  }
0x37: {  	s8 =	rddreg [dreg:$0xd];
	[sflag:s24] =	ssyncadd.s32 $0xFFFFC000  }
0x38: {  	[spmem:s8] =	stream.linear.scatter [tilespmem:s23], [sflag:$0x13], $0x4000, $0x38;
	[tilespmem:$0x1FE80] =	vst v63  }
0x39: {  	_ =	swait.ge [sflag:s24], $0x4000  }
0x3a: {  	[sflag:s24] =	ssyncset.done $0x0  }
0x3b: {  	s9 =	rddreg [dreg:$0xe];
	[sflag:s24] =	ssyncadd.s32 $0xFFFFC000  }
0x3c: {  	[spmem:s9] =	stream.linear.scatter [tilespmem:s23], [sflag:$0x13], $0x4000, $0x38;
	[tilespmem:$0x1FE80] =	vst v63  }
0x3d: {  	_ =	swait.ge [sflag:s24], $0x4000  }
0x3e: {  	[sflag:s24] =	ssyncset.done $0x0  }
0x3f: {  	s10 =	rddreg [dreg:$0xf];
	[sflag:s24] =	ssyncadd.s32 $0xFFFFC000  }
0x40: {  	[spmem:s10] =	stream.linear.scatter [tilespmem:s23], [sflag:$0x13], $0x4000, $0x38;
	[tilespmem:$0x1FE80] =	vst v63  }
0x41: {  	_ =	swait.ge [sflag:s24], $0x4000  }
0x42: {  	[sflag:s24] =	ssyncset.done $0x0  }
0x43: {  	s12 =	rddreg [dreg:$0x10];
	[sflag:s24] =	ssyncadd.s32 $0xFFFFC000  }
0x44: {  	[spmem:s12] =	stream.linear.scatter [tilespmem:s23], [sflag:$0x13], $0x4000, $0x38;
	[tilespmem:$0x1FE80] =	vst v63  }
0x45: {  	_ =	swait.ge [sflag:s24], $0x4000  }
0x46: {  	[sflag:s24] =	ssyncset.done $0x0  }
0x47: {  	[sflag:s24] =	ssyncadd.s32 $0xFFFFC000  }
0x48: {  	[bflag:$0x0] =	sbarrier.arrive $0xFFFF  }
0x49: {  	s26 =	simm.s32 $0x0;
	s13 =	rddreg [dreg:$0x11]  }
0x4a: {  	[tilespmem:s26], [sflag:$0x1] =	stream.linear.gather [hbm4b:s13+s26], $0x80, $0x38;
	[tilespmem:$0x1FE80] =	vst v63  }
0x4b: {  	s4 =	simm.s32 $0x300;
	s14 =	rddreg [dreg:$0x12]  }
0x4c: {  	[tilespmem:s4], [sflag:$0x7] =	stream.linear.gather [hbm4b:s14+s26], $0x80, $0x38;
	[tilespmem:$0x1FE80] =	vst v63  }
0x4d: {  	s16 =	simm.s32 $0x80;
	s15 =	rddreg [dreg:$0x13]  }
0x4e: {  	[tilespmem:s16], [sflag:$0x2] =	stream.linear.gather [hbm4b:s15+s26], $0x80, $0x38;
	[tilespmem:$0x1FE80] =	vst v63  }
0x4f: {  	s18 =	simm.s32 $0x380;
	p0 =	por $0x1, $0x1;
	s17 =	rddreg [dreg:$0x14]  }
0x50: {  	[tilespmem:s18], [sflag:$0x8] =	stream.linear.gather [hbm4b:s17+s26], $0x80, $0x38;
	[tilespmem:$0x1FE80] =	vst v63  }
0x51: {  	s20 =	simm.s32 $0x100;
	p4 =	por p0, p0;
	s19 =	rddreg [dreg:$0x15]  }
0x52: {  	[tilespmem:s20], [sflag:$0x3] =	stream.linear.gather [hbm4b:s19+s26], $0x80, $0x38;
	[tilespmem:$0x1FE80] =	vst v63  }
0x53: {  	s22 =	simm.s32 $0x400;
	s0 =	simm.s32 @!p4 $0x10;
	s21 =	rddreg [dreg:$0x16]  }
0x54: {  	[tilespmem:s22], [sflag:$0x9] =	stream.linear.gather [hbm4b:s21+s26], $0x80, $0x38;
	[tilespmem:$0x1FE80] =	vst v63  }
0x55: {  	_ =	swait.ge @!p4 [sflag:s0], $0x4000  }
0x56: {  	p1 =	sle.u32 s7, $0x0;
	[sflag:s0] =	ssyncset.done @!p4 $0x0  }
0x57: {  	[sflag:s0] =	ssyncadd.s32 @!p4 $0xFFFFC000;
	s0 =	simm.s32 @!p1 $0x1  }
0x58: {  	_ =	swait.ge @!p1 [sflag:s0], $0x80  }
0x59: {  	[sflag:s0] =	ssyncset.done @!p1 $0x0  }
0x5a: {  	s4 =	simm.s32 @!p1 $0x7;
	[sflag:s0] =	ssyncadd.s32 @!p1 $0xFFFFFF80  }
0x5b: {  	_ =	swait.ge @!p1 [sflag:s4], $0x80  }
0x5c: {  	s8 =	simm.s32 @!p4 $0xF;
	s9 =	simm.s32 @!p1 $0x80;
	[sflag:s4] =	ssyncset.done @!p1 $0x0  }
0x5d: {  	s0 =	simm.s32 @!p1 $0x0;
	[sflag:s4] =	ssyncadd.s32 @!p1 $0xFFFFFF80;
	s4 =	simm.s32 @!p1 $0x600  }
0x5e: {  	[tilespmem:s4], [sflag:$0xD] =	stream.indirect.gather @!p1 [hbm4b:s1+s9], $0x80, s0, s9, $0xb8;
	[tilespmem:$0x1FE80] =	vst v63  }
0x5f: {  	p0 =	sle.u32 s7, $0x3;
	_ =	swait.ge @!p4 [sflag:s8], $0x4000  }
0x60: {  	s10 =	simm.s32 @!p4 $0x580;
	s0 =	simm.s32 @!p4 $0x8600;
	[sflag:s8] =	ssyncset.done @!p4 $0x0  }
0x61: {  	s12 =	rddreg [dreg:$0x5];
	[sflag:s8] =	ssyncadd.s32 @!p4 $0xFFFFC000;
	s8 =	simm.s32 @!p4 $0x80  }
0x62: {  	[spmem:s3] =	stream.indirect.scatter.add.f32 @!p4 [tilespmem:s0], [sflag:$0x12], $0x80, s10, s8, $0xb8;
	[tilespmem:$0x1FE80] =	vst v63  }
0x63: {  	s0 =	sadd.s32 @!p0 $0x0, s12;
	s10 =	simm.s32 @!p0 $0x0;
	s8 =	simm.s32 @!p0 $0x180  }
0x64: {  	[tilespmem:s8], [sflag:$0x4] =	stream.linear.gather @!p0 [hbm4b:s0+s10], $0x80, $0x38;
	[tilespmem:$0x1FE80] =	vst v63  }
0x65: {  	s14 =	simm.s32 @!p4 $0x11;
	s12 =	sadd.s32 @!p0 $0x10, s0;
	s0 =	simm.s32 @!p0 $0x480  }
0x66: {  	[tilespmem:s0], [sflag:$0xA] =	stream.linear.gather @!p0 [hbm4b:s12+s10], $0x80, $0x38;
	[tilespmem:$0x1FE80] =	vst v63  }
0x67: {  	_ =	swait.ge @!p4 [sflag:s14], $0x4000  }
0x68: {  	s25 =	rddreg [dreg:$0x6]  }
0x69: {  	[sflag:s14] =	ssyncset.done @!p4 $0x0;
	p3 =	sle.u32 s25, $0x0  }
0x6a: {  	[sflag:s14] =	ssyncadd.s32 @!p4 $0xFFFFC000;
	s10 =	simm.s32 @!p3 $0x2  }
0x6b: {  	_ =	swait.ge @!p3 [sflag:s10], $0x80  }
0x6c: {  	[sflag:s10] =	ssyncset.done @!p3 $0x0  }
0x6d: {  	[sflag:s10] =	ssyncadd.s32 @!p3 $0xFFFFFF80;
	s10 =	simm.s32 @!p3 $0x8  }
0x6e: {  	_ =	swait.ge @!p3 [sflag:s10], $0x80  }
0x6f: {  	s12 =	simm.s32 @!p1 $0xD;
	[sflag:s10] =	ssyncset.done @!p3 $0x0  }
0x70: {  	s14 =	simm.s32 @!p3 $0x4600;
	s15 =	simm.s32 @!p3 $0x80;
	[sflag:s10] =	ssyncadd.s32 @!p3 $0xFFFFFF80  }
0x71: {  	[tilespmem:s14], [sflag:$0xE] =	stream.indirect.gather @!p3 [hbm4b:s1+s15], $0x80, s15, s15, $0xb8;
	[tilespmem:$0x1FE80] =	vst v63  }
0x72: {  	_ =	swait.ge @!p1 [sflag:s12], $0x4000  }
0x73: {  	p2 =	sle.u32 s7, $0x4;
	[sflag:s12] =	ssyncset.done @!p1 $0x0  }
0x74: {  	s16 =	simm.s32 @!p1 $0x300;
	s10 =	rddreg [dreg:$0x7];
	[sflag:s12] =	ssyncadd.s32 @!p1 $0xFFFFC000  }
0x75: {  	[spmem:s3] =	stream.indirect.scatter.add.f32 @!p1 [tilespmem:s4], [sflag:$0x10], $0x80, s16, s9, $0xb8;
	[tilespmem:$0x1FE80] =	vst v63  }
0x76: {  	s4 =	sadd.s32 @!p2 $0x0, s10;
	s10 =	simm.s32 @!p2 $0x0;
	s9 =	simm.s32 @!p2 $0x200  }
0x77: {  	[tilespmem:s9], [sflag:$0x5] =	stream.linear.gather @!p2 [hbm4b:s4+s10], $0x80, $0x38;
	[tilespmem:$0x1FE80] =	vst v63  }
0x78: {  	s16 =	simm.s32 @!p4 $0x12;
	s12 =	sadd.s32 @!p2 $0x10, s4;
	s4 =	simm.s32 @!p2 $0x500  }
0x79: {  	[tilespmem:s4], [sflag:$0xB] =	stream.linear.gather @!p2 [hbm4b:s12+s10], $0x80, $0x38;
	[tilespmem:$0x1FE80] =	vst v63  }
0x7a: {  	_ =	swait.ge @!p4 [sflag:s16], $0x4000  }
0x7b: {  	s30 =	rddreg [dreg:$0x8]  }
0x7c: {  	[sflag:s16] =	ssyncset.done @!p4 $0x0;
	p5 =	sle.u32 s30, $0x0  }
0x7d: {  	[sflag:s16] =	ssyncadd.s32 @!p4 $0xFFFFC000;
	s10 =	simm.s32 @!p5 $0x3  }
0x7e: {  	_ =	swait.ge @!p5 [sflag:s10], $0x80  }
0x7f: {  	[sflag:s10] =	ssyncset.done @!p5 $0x0  }
0x80: {  	[sflag:s10] =	ssyncadd.s32 @!p5 $0xFFFFFF80;
	s10 =	simm.s32 @!p5 $0x9  }
0x81: {  	_ =	swait.ge @!p5 [sflag:s10], $0x80  }
0x82: {  	s12 =	simm.s32 @!p3 $0xE;
	s16 =	simm.s32 @!p5 $0x8600;
	[sflag:s10] =	ssyncset.done @!p5 $0x0  }
0x83: {  	s17 =	simm.s32 @!p5 $0x100;
	[sflag:s10] =	ssyncadd.s32 @!p5 $0xFFFFFF80;
	s10 =	simm.s32 @!p5 $0x80  }
0x84: {  	[tilespmem:s16], [sflag:$0xF] =	stream.indirect.gather @!p5 [hbm4b:s1+s10], $0x80, s17, s10, $0xb8;
	[tilespmem:$0x1FE80] =	vst v63  }
0x85: {  	_ =	swait.ge @!p3 [sflag:s12], $0x4000  }
0x86: {  	p4 =	sle.u32 s7, $0x5;
	[sflag:s12] =	ssyncset.done @!p3 $0x0  }
0x87: {  	s17 =	rddreg [dreg:$0x9];
	[sflag:s12] =	ssyncadd.s32 @!p3 $0xFFFFC000;
	s12 =	simm.s32 @!p3 $0x380  }
0x88: {  	[spmem:s3] =	stream.indirect.scatter.add.f32 @!p3 [tilespmem:s14], [sflag:$0x11], $0x80, s12, s15, $0xb8;
	[tilespmem:$0x1FE80] =	vst v63  }
0x89: {  	s14 =	simm.s32 @!p4 $0x0;
	s15 =	sadd.s32 @!p4 $0x0, s17;
	s12 =	simm.s32 @!p4 $0x280  }
0x8a: {  	[tilespmem:s12], [sflag:$0x6] =	stream.linear.gather @!p4 [hbm4b:s15+s14], $0x80, $0x38;
	[tilespmem:$0x1FE80] =	vst v63  }
0x8b: {  	s18 =	simm.s32 @!p4 $0x580;
	s17 =	simm.s32 @!p1 $0x10;
	s15 =	sadd.s32 @!p4 $0x10, s15  }
0x8c: {  	[tilespmem:s18], [sflag:$0xC] =	stream.linear.gather @!p4 [hbm4b:s15+s14], $0x80, $0x38;
	[tilespmem:$0x1FE80] =	vst v63  }
0x8d: {  	_ =	swait.ge @!p1 [sflag:s17], $0x4000  }
0x8e: {  	[sflag:s17] =	ssyncset.done @!p1 $0x0  }
0x8f: {  	s14 =	simm.s32 @!p0 $0x4;
	[sflag:s17] =	ssyncadd.s32 @!p1 $0xFFFFC000  }
0x90: {  	_ =	swait.ge @!p0 [sflag:s14], $0x80  }
0x91: {  	[sflag:s14] =	ssyncset.done @!p0 $0x0  }
0x92: {  	s15 =	simm.s32 @!p0 $0xA;
	[sflag:s14] =	ssyncadd.s32 @!p0 $0xFFFFFF80  }
0x93: {  	_ =	swait.ge @!p0 [sflag:s15], $0x80  }
0x94: {  	s19 =	simm.s32 @!p0 $0x600;
	[sflag:s15] =	ssyncset.done @!p0 $0x0  }
0x95: {  	s17 =	simm.s32 @!p5 $0xF;
	s14 =	simm.s32 @!p0 $0x80;
	[sflag:s15] =	ssyncadd.s32 @!p0 $0xFFFFFF80  }
0x96: {  	[tilespmem:s19], [sflag:$0xD] =	stream.indirect.gather @!p0 [hbm4b:s1+s14], $0x80, s8, s14, $0xb8;
	[tilespmem:$0x1FE80] =	vst v63  }
0x97: {  	_ =	swait.ge @!p5 [sflag:s17], $0x4000  }
0x98: {  	p1 =	sle.u32 s7, $0x6;
	[sflag:s17] =	ssyncset.done @!p5 $0x0;
	s22 =	rddreg [dreg:$0x1a]  }
0x99: {  	s15 =	simm.s32 @!p5 $0x400;
	s8 =	sshrl.u32 @!p1 s22, $0x3;
	[sflag:s17] =	ssyncadd.s32 @!p5 $0xFFFFC000  }
0x9a: {  	[spmem:s3] =	stream.indirect.scatter.add.f32 @!p5 [tilespmem:s16], [sflag:$0x12], $0x80, s15, s10, $0xb8;
	[tilespmem:$0x1FE80] =	vst v63  }
0x9b: {  	s10 =	sadd.s32 @!p1 s2, s8;
	s15 =	simm.s32 @!p1 $0x0  }
0x9c: {  	[tilespmem:s15], [sflag:$0x1] =	stream.linear.gather @!p1 [hbm4b:s10+s15], $0x80, $0x38;
	[tilespmem:$0x1FE80] =	vst v63  }
0x9d: {  	s8 =	sadd.s32 @!p1 s8, s11;
	s16 =	simm.s32 @!p1 $0x300;
	s10 =	simm.s32 @!p3 $0x11  }
0x9e: {  	[tilespmem:s16], [sflag:$0x7] =	stream.linear.gather @!p1 [hbm4b:s8+s15], $0x80, $0x38;
	[tilespmem:$0x1FE80] =	vst v63  }
0x9f: {  	_ =	swait.ge @!p3 [sflag:s10], $0x4000  }
0xa0: {  	[sflag:s10] =	ssyncset.done @!p3 $0x0  }
0xa1: {  	s8 =	simm.s32 @!p2 $0x5;
	[sflag:s10] =	ssyncadd.s32 @!p3 $0xFFFFC000  }
0xa2: {  	_ =	swait.ge @!p2 [sflag:s8], $0x80  }
0xa3: {  	[sflag:s8] =	ssyncset.done @!p2 $0x0  }
0xa4: {  	s10 =	simm.s32 @!p2 $0xB;
	[sflag:s8] =	ssyncadd.s32 @!p2 $0xFFFFFF80  }
0xa5: {  	_ =	swait.ge @!p2 [sflag:s10], $0x80  }
0xa6: {  	s18 =	simm.s32 @!p2 $0x4600;
	[sflag:s10] =	ssyncset.done @!p2 $0x0  }
0xa7: {  	s17 =	simm.s32 @!p2 $0x80;
	s8 =	simm.s32 @!p0 $0xD;
	[sflag:s10] =	ssyncadd.s32 @!p2 $0xFFFFFF80  }
0xa8: {  	[tilespmem:s18], [sflag:$0xE] =	stream.indirect.gather @!p2 [hbm4b:s1+s17], $0x80, s9, s17, $0xb8;
	[tilespmem:$0x1FE80] =	vst v63  }
0xa9: {  	_ =	swait.ge @!p0 [sflag:s8], $0x4000  }
0xaa: {  	[sflag:s8] =	ssyncset.done @!p0 $0x0  }
0xab: {  	p1 =	sle.u32 s7, $0x7;
	s9 =	rddreg [dreg:$0xa];
	[sflag:s8] =	ssyncadd.s32 @!p0 $0xFFFFC000  }
0xac: {  	[spmem:s3] =	stream.indirect.scatter.add.f32 @!p0 [tilespmem:s19], [sflag:$0x10], $0x80, s0, s14, $0xb8;
	[tilespmem:$0x1FE80] =	vst v63  }
0xad: {  	s8 =	simm.s32 @!p1 $0x0;
	s0 =	sadd.s32 @!p1 $0x0, s9;
	s9 =	simm.s32 @!p1 $0x80  }
0xae: {  	[tilespmem:s9], [sflag:$0x2] =	stream.linear.gather @!p1 [hbm4b:s0+s8], $0x80, $0x38;
	[tilespmem:$0x1FE80] =	vst v63  }
0xaf: {  	s10 =	simm.s32 @!p5 $0x12;
	s9 =	simm.s32 @!p1 $0x380;
	s0 =	sadd.s32 @!p1 $0x10, s0  }
0xb0: {  	[tilespmem:s9], [sflag:$0x8] =	stream.linear.gather @!p1 [hbm4b:s0+s8], $0x80, $0x38;
	[tilespmem:$0x1FE80] =	vst v63  }
0xb1: {  	p6 =	por $0x0, $0x0;
	s31 =	simm.s32 $0x3000;
	_ =	swait.ge @!p5 [sflag:s10], $0x4000  }
0xb2: {  	s29 =	simm.s32 $0x6;
	s28 =	simm.s32 $0xD;
	[sflag:s10] =	ssyncset.done @!p5 $0x0  }
0xb3: {  	s21 =	simm.s32 @!p4 $0xC;
	s14 =	simm.s32 @!p4 $0x6;
	[sflag:s10] =	ssyncadd.s32 @!p5 $0xFFFFC000  }
0xb4: {  	s20 =	simm.s32 @!p4 $0x8600;
	s16 =	simm.s32 @!p4 $0x80;
	_ =	swait.ge @!p4 [sflag:s14], $0x80  }
0xb5: {  	p3 =	por p6, p6;
	s0 =	simm.s32 $0x1800;
	[sflag:s14] =	ssyncset.done @!p4 $0x0  }
0xb6: {  	s8 =	simm.s32 $0x8;
	s9 =	simm.s32 $0xE;
	[sflag:s14] =	ssyncadd.s32 @!p4 $0xFFFFFF80  }
0xb7: {  	s10 =	simm.s32 $0x9;
	s14 =	simm.s32 @!p3 $0x10;
	_ =	swait.ge @!p4 [sflag:s21], $0x80  }
.LBB2_4:
0xb8: {  	[sflag:s21] =	ssyncset.done @!p4 $0x0;
	s19 =	smov.u32 s31;
	s31 =	sadd.s32 $0x1800, s31  }
0xb9: {  	[sflag:s21] =	ssyncadd.s32 @!p4 $0xFFFFFF80;
	p0 =	sne.s32 s31, $0x15000  }
0xba: {  	[tilespmem:s20], [sflag:$0xF] =	stream.indirect.gather @!p4 [hbm4b:s1+s16], $0x80, s12, s16, $0xb8;
	[tilespmem:$0x1FE80] =	vst v63  }
0xbb: {  	s6 =	simm.s32 @!p0 $0x0  }
0xbc: {  	s6 =	simm.s32 @p0 $0x1  }
0xbd: {  	s15 =	simm.s32 @!p2 $0xE;
	[smem:$0x7FC] =	sst s6  }
0xbe: {  	_ =	swait.ge @!p2 [sflag:s15], $0x4000  }
0xbf: {  	[sflag:s15] =	ssyncset.done @!p2 $0x0  }
0xc0: {  	p0 =	sge.u32 s8, s7;
	s8 =	rddreg [dreg:$0xb];
	[sflag:s15] =	ssyncadd.s32 @!p2 $0xFFFFC000  }
0xc1: {  	[spmem:s3] =	stream.indirect.scatter.add.f32 @!p2 [tilespmem:s18], [sflag:$0x11], $0x80, s4, s17, $0xb8;
	[tilespmem:$0x1FE80] =	vst v63  }
0xc2: {  	s12 =	simm.s32 @!p0 $0x100;
	s4 =	sadd.s32 @!p0 s26, s8;
	s17 =	simm.s32 @!p0 $0x0  }
0xc3: {  	[tilespmem:s12], [sflag:$0x3] =	stream.linear.gather @!p0 [hbm4b:s4+s17], $0x80, $0x38;
	[tilespmem:$0x1FE80] =	vst v63  }
0xc4: {  	s15 =	simm.s32 @!p0 $0x400;
	s18 =	sadd.s32 @!p0 $0x10, s4  }
0xc5: {  	[tilespmem:s15], [sflag:$0x9] =	stream.linear.gather @!p0 [hbm4b:s18+s17], $0x80, $0x38;
	[tilespmem:$0x1FE80] =	vst v63  }
0xc6: {  	_ =	swait.ge @!p3 [sflag:s14], $0x4000  }
0xc7: {  	p5 =	sge.u32 s29, s7;
	[sflag:s14] =	ssyncset.done @!p3 $0x0  }
0xc8: {  	s8 =	smov.u32 s9;
	s9 =	simm.s32 @!p5 $0x1;
	[sflag:s14] =	ssyncadd.s32 @!p3 $0xFFFFC000  }
0xc9: {  	_ =	swait.ge @!p5 [sflag:s9], $0x80  }
0xca: {  	[sflag:s9] =	ssyncset.done @!p5 $0x0  }
0xcb: {  	s16 =	simm.s32 @!p5 $0x7;
	[sflag:s9] =	ssyncadd.s32 @!p5 $0xFFFFFF80  }
0xcc: {  	_ =	swait.ge @!p5 [sflag:s16], $0x80  }
0xcd: {  	s4 =	simm.s32 @!p5 $0x80;
	s12 =	simm.s32 @!p5 $0x0;
	[sflag:s16] =	ssyncset.done @!p5 $0x0  }
0xce: {  	s15 =	simm.s32 @!p5 $0x600;
	s9 =	simm.s32 @!p3 $0xF;
	[sflag:s16] =	ssyncadd.s32 @!p5 $0xFFFFFF80  }
0xcf: {  	[tilespmem:s15], [sflag:$0xD] =	stream.indirect.gather @!p5 [hbm4b:s1+s4], $0x80, s12, s4, $0xb8;
	[tilespmem:$0x1FE80] =	vst v63  }
0xd0: {  	p6 =	sge.u32 s10, s7;
	s26 =	smov.u32 s0;
	_ =	swait.ge @!p3 [sflag:s9], $0x4000  }
0xd1: {  	s14 =	simm.s32 @!p3 $0x8600;
	s12 =	simm.s32 @!p3 $0x580;
	[sflag:s9] =	ssyncset.done @!p3 $0x0  }
0xd2: {  	s16 =	rddreg [dreg:$0x5];
	[sflag:s9] =	ssyncadd.s32 @!p3 $0xFFFFC000;
	s9 =	simm.s32 @!p3 $0x80  }
0xd3: {  	[spmem:s3] =	stream.indirect.scatter.add.f32 @!p3 [tilespmem:s14], [sflag:$0x12], $0x80, s12, s9, $0xb8;
	[tilespmem:$0x1FE80] =	vst v63  }
0xd4: {  	s10 =	sadd.s32 @!p6 s26, s16;
	s12 =	simm.s32 @!p6 $0x0;
	s9 =	simm.s32 @!p6 $0x180  }
0xd5: {  	[tilespmem:s9], [sflag:$0x4] =	stream.linear.gather @!p6 [hbm4b:s10+s12], $0x80, $0x38;
	[tilespmem:$0x1FE80] =	vst v63  }
0xd6: {  	s16 =	simm.s32 @!p3 $0x11;
	s14 =	simm.s32 @!p6 $0x480;
	s10 =	sadd.s32 @!p6 $0x10, s10  }
0xd7: {  	[tilespmem:s14], [sflag:$0xA] =	stream.linear.gather @!p6 [hbm4b:s10+s12], $0x80, $0x38;
	[tilespmem:$0x1FE80] =	vst v63  }
0xd8: {  	_ =	swait.ge @!p3 [sflag:s16], $0x4000  }
0xd9: {  	p1 =	seq.s32 s19, $0x0;
	s0 =	smov.u32 s19;
	s19 =	rddreg [dreg:$0x6]  }
0xda: {  	[sflag:s16] =	ssyncset.done @!p3 $0x0;
	p0 =	sge.u32 s29, s19  }
0xdb: {  	[sflag:s16] =	ssyncadd.s32 @!p3 $0xFFFFC000;
	s16 =	simm.s32 @!p0 $0x2  }
0xdc: {  	_ =	swait.ge @!p0 [sflag:s16], $0x80  }
0xdd: {  	[sflag:s16] =	ssyncset.done @!p0 $0x0  }
0xde: {  	[sflag:s16] =	ssyncadd.s32 @!p0 $0xFFFFFF80;
	s16 =	simm.s32 @!p0 $0x8  }
0xdf: {  	_ =	swait.ge @!p0 [sflag:s16], $0x80  }
0xe0: {  	s17 =	simm.s32 @!p5 $0xD;
	[sflag:s16] =	ssyncset.done @!p0 $0x0  }
0xe1: {  	s10 =	simm.s32 @!p0 $0x4600;
	s12 =	simm.s32 @!p0 $0x80;
	[sflag:s16] =	ssyncadd.s32 @!p0 $0xFFFFFF80  }
0xe2: {  	[tilespmem:s10], [sflag:$0xE] =	stream.indirect.gather @!p0 [hbm4b:s1+s12], $0x80, s12, s12, $0xb8;
	[tilespmem:$0x1FE80] =	vst v63  }
0xe3: {  	s20 =	sadd.s32 $0x4, s29;
	_ =	swait.ge @!p5 [sflag:s17], $0x4000  }
0xe4: {  	p2 =	sge.u32 s20, s7;
	[sflag:s17] =	ssyncset.done @!p5 $0x0  }
0xe5: {  	s18 =	simm.s32 @!p5 $0x300;
	s16 =	rddreg [dreg:$0x7];
	[sflag:s17] =	ssyncadd.s32 @!p5 $0xFFFFC000  }
0xe6: {  	[spmem:s3] =	stream.indirect.scatter.add.f32 @!p5 [tilespmem:s15], [sflag:$0x10], $0x80, s18, s4, $0xb8;
	[tilespmem:$0x1FE80] =	vst v63  }
0xe7: {  	s4 =	sadd.s32 @!p2 s26, s16;
	s15 =	simm.s32 @!p2 $0x0;
	s16 =	simm.s32 @!p2 $0x200  }
0xe8: {  	[tilespmem:s16], [sflag:$0x5] =	stream.linear.gather @!p2 [hbm4b:s4+s15], $0x80, $0x38;
	[tilespmem:$0x1FE80] =	vst v63  }
0xe9: {  	s18 =	simm.s32 @!p3 $0x12;
	s17 =	sadd.s32 @!p2 $0x10, s4;
	s4 =	simm.s32 @!p2 $0x500  }
0xea: {  	[tilespmem:s4], [sflag:$0xB] =	stream.linear.gather @!p2 [hbm4b:s17+s15], $0x80, $0x38;
	[tilespmem:$0x1FE80] =	vst v63  }
0xeb: {  	_ =	swait.ge @!p3 [sflag:s18], $0x4000  }
0xec: {  	[sflag:s18] =	ssyncset.done @!p3 $0x0;
	s21 =	rddreg [dreg:$0x8]  }
0xed: {  	[sflag:s18] =	ssyncadd.s32 @!p3 $0xFFFFC000;
	p3 =	por p1, p1;
	p1 =	sge.u32 s29, s21  }
0xee: {  	s15 =	simm.s32 @!p1 $0x3  }
0xef: {  	_ =	swait.ge @!p1 [sflag:s15], $0x80  }
0xf0: {  	[sflag:s15] =	ssyncset.done @!p1 $0x0  }
0xf1: {  	s19 =	simm.s32 @!p1 $0x9;
	[sflag:s15] =	ssyncadd.s32 @!p1 $0xFFFFFF80  }
0xf2: {  	_ =	swait.ge @!p1 [sflag:s19], $0x80  }
0xf3: {  	s18 =	simm.s32 @!p0 $0xE;
	s17 =	simm.s32 @!p1 $0x80;
	[sflag:s19] =	ssyncset.done @!p1 $0x0  }
0xf4: {  	s15 =	simm.s32 @!p1 $0x8600;
	[sflag:s19] =	ssyncadd.s32 @!p1 $0xFFFFFF80;
	s19 =	simm.s32 @!p1 $0x100  }
0xf5: {  	[tilespmem:s15], [sflag:$0xF] =	stream.indirect.gather @!p1 [hbm4b:s1+s17], $0x80, s19, s17, $0xb8;
	[tilespmem:$0x1FE80] =	vst v63  }
0xf6: {  	s25 =	sadd.s32 $0x5, s29;
	_ =	swait.ge @!p0 [sflag:s18], $0x4000  }
0xf7: {  	p4 =	sge.u32 s25, s7;
	[sflag:s18] =	ssyncset.done @!p0 $0x0  }
0xf8: {  	s20 =	rddreg [dreg:$0x9];
	[sflag:s18] =	ssyncadd.s32 @!p0 $0xFFFFC000;
	s18 =	simm.s32 @!p0 $0x380  }
0xf9: {  	[spmem:s3] =	stream.indirect.scatter.add.f32 @!p0 [tilespmem:s10], [sflag:$0x11], $0x80, s18, s12, $0xb8;
	[tilespmem:$0x1FE80] =	vst v63  }
0xfa: {  	s19 =	simm.s32 @!p4 $0x0;
	s10 =	sadd.s32 @!p4 s26, s20;
	s12 =	simm.s32 @!p4 $0x280  }
0xfb: {  	[tilespmem:s12], [sflag:$0x6] =	stream.linear.gather @!p4 [hbm4b:s10+s19], $0x80, $0x38;
	[tilespmem:$0x1FE80] =	vst v63  }
0xfc: {  	s21 =	simm.s32 @!p5 $0x10;
	s18 =	simm.s32 @!p4 $0x580;
	s10 =	sadd.s32 @!p4 $0x10, s10  }
0xfd: {  	[tilespmem:s18], [sflag:$0xC] =	stream.linear.gather @!p4 [hbm4b:s10+s19], $0x80, $0x38;
	[tilespmem:$0x1FE80] =	vst v63  }
0xfe: {  	_ =	swait.ge @!p5 [sflag:s21], $0x4000  }
0xff: {  	[sflag:s21] =	ssyncset.done @!p5 $0x0  }
0x100: {  	s25 =	simm.s32 @!p6 $0x4;
	[sflag:s21] =	ssyncadd.s32 @!p5 $0xFFFFC000  }
0x101: {  	_ =	swait.ge @!p6 [sflag:s25], $0x80  }
0x102: {  	[sflag:s25] =	ssyncset.done @!p6 $0x0  }
0x103: {  	s18 =	simm.s32 @!p6 $0xA;
	[sflag:s25] =	ssyncadd.s32 @!p6 $0xFFFFFF80  }
0x104: {  	_ =	swait.ge @!p6 [sflag:s18], $0x80  }
0x105: {  	s20 =	simm.s32 @!p6 $0x80;
	[sflag:s18] =	ssyncset.done @!p6 $0x0  }
0x106: {  	s19 =	simm.s32 @!p1 $0xF;
	s25 =	simm.s32 @!p6 $0x600;
	[sflag:s18] =	ssyncadd.s32 @!p6 $0xFFFFFF80  }
0x107: {  	[tilespmem:s25], [sflag:$0xD] =	stream.indirect.gather @!p6 [hbm4b:s1+s20], $0x80, s9, s20, $0xb8;
	[tilespmem:$0x1FE80] =	vst v63  }
0x108: {  	s29 =	sadd.s32 $0x6, s29;
	_ =	swait.ge @!p1 [sflag:s19], $0x4000  }
0x109: {  	s22 =	sadd.s32 $0xC000, s22;
	p5 =	sge.u32 s29, s7;
	[sflag:s19] =	ssyncset.done @!p1 $0x0  }
0x10a: {  	s13 =	sshrl.u32 @!p5 s22, $0x3;
	[sflag:s19] =	ssyncadd.s32 @!p1 $0xFFFFC000;
	s19 =	simm.s32 @!p1 $0x400  }
0x10b: {  	[spmem:s3] =	stream.indirect.scatter.add.f32 @!p1 [tilespmem:s15], [sflag:$0x12], $0x80, s19, s17, $0xb8;
	[tilespmem:$0x1FE80] =	vst v63  }
0x10c: {  	s18 =	sadd.s32 @!p5 s2, s13;
	s19 =	simm.s32 @!p5 $0x0  }
0x10d: {  	[tilespmem:s19], [sflag:$0x1] =	stream.linear.gather @!p5 [hbm4b:s18+s19], $0x80, $0x38;
	[tilespmem:$0x1FE80] =	vst v63  }
0x10e: {  	s6 =	simm.s32 @!p0 $0x11;
	s13 =	sadd.s32 @!p5 s13, s11;
	s15 =	simm.s32 @!p5 $0x300  }
0x10f: {  	[tilespmem:s15], [sflag:$0x7] =	stream.linear.gather @!p5 [hbm4b:s13+s19], $0x80, $0x38;
	[tilespmem:$0x1FE80] =	vst v63  }
0x110: {  	_ =	swait.ge @!p0 [sflag:s6], $0x4000  }
0x111: {  	[sflag:s6] =	ssyncset.done @!p0 $0x0  }
0x112: {  	s30 =	simm.s32 @!p2 $0x5;
	[sflag:s6] =	ssyncadd.s32 @!p0 $0xFFFFC000  }
0x113: {  	_ =	swait.ge @!p2 [sflag:s30], $0x80  }
0x114: {  	[sflag:s30] =	ssyncset.done @!p2 $0x0  }
0x115: {  	s13 =	simm.s32 @!p2 $0xB;
	[sflag:s30] =	ssyncadd.s32 @!p2 $0xFFFFFF80  }
0x116: {  	_ =	swait.ge @!p2 [sflag:s13], $0x80  }
0x117: {  	s17 =	simm.s32 @!p2 $0x80;
	[sflag:s13] =	ssyncset.done @!p2 $0x0  }
0x118: {  	s18 =	simm.s32 @!p2 $0x4600;
	s6 =	simm.s32 @!p6 $0xD;
	[sflag:s13] =	ssyncadd.s32 @!p2 $0xFFFFFF80  }
0x119: {  	[tilespmem:s18], [sflag:$0xE] =	stream.indirect.gather @!p2 [hbm4b:s1+s17], $0x80, s16, s17, $0xb8;
	[tilespmem:$0x1FE80] =	vst v63  }
0x11a: {  	_ =	swait.ge @!p6 [sflag:s6], $0x4000  }
0x11b: {  	[sflag:s6] =	ssyncset.done @!p6 $0x0  }
0x11c: {  	p0 =	sge.u32 s28, s7;
	s13 =	rddreg [dreg:$0xa];
	[sflag:s6] =	ssyncadd.s32 @!p6 $0xFFFFC000  }
0x11d: {  	[spmem:s3] =	stream.indirect.scatter.add.f32 @!p6 [tilespmem:s25], [sflag:$0x10], $0x80, s14, s20, $0xb8;
	[tilespmem:$0x1FE80] =	vst v63  }
0x11e: {  	s13 =	sadd.s32 @!p0 s26, s13;
	s14 =	simm.s32 @!p0 $0x0;
	s20 =	simm.s32 @!p0 $0x80  }
0x11f: {  	[tilespmem:s20], [sflag:$0x2] =	stream.linear.gather @!p0 [hbm4b:s13+s14], $0x80, $0x38;
	[tilespmem:$0x1FE80] =	vst v63  }
0x120: {  	s16 =	simm.s32 @!p1 $0x12;
	s6 =	simm.s32 @!p0 $0x380;
	s13 =	sadd.s32 @!p0 $0x10, s13  }
0x121: {  	[tilespmem:s6], [sflag:$0x8] =	stream.linear.gather @!p0 [hbm4b:s13+s14], $0x80, $0x38;
	[tilespmem:$0x1FE80] =	vst v63  }
0x122: {  	_ =	swait.ge @!p1 [sflag:s16], $0x4000  }
0x123: {  	[sflag:s16] =	ssyncset.done @!p1 $0x0  }
0x124: {  	s6 =	simm.s32 @!p4 $0x6;
	[sflag:s16] =	ssyncadd.s32 @!p1 $0xFFFFC000  }
0x125: {  	_ =	swait.ge @!p4 [sflag:s6], $0x80  }
0x126: {  	s21 =	sadd.s32 $0x7, s29;
	[sflag:s6] =	ssyncset.done @!p4 $0x0  }
0x127: {  	s28 =	smov.u32 s21;
	s21 =	simm.s32 @!p4 $0xC;
	[sflag:s6] =	ssyncadd.s32 @!p4 $0xFFFFFF80  }
0x128: {  	_ =	swait.ge @!p4 [sflag:s21], $0x80  }
0x129: {  	s30 =	sld [smem:$0x7FC];
	_ =	sdelay $0x2  }
0x12a: {  	p0 =	seq.s32 s30, $0x1  }
.Ltmp1:
0x12b: {  	_ = 	snop;
	(pc) =	sbr.rel @p0 .LBB2_4-.Ltmp1, $3  }
0x12c: {  	_ =	sdelay $0x1  }
0x12d: {  	s10 =	sadd.s32 $0x3, s29;
	s9 =	sadd.s32 $0x8, s29  }
0x12e: {  	s20 =	simm.s32 @!p4 $0x8600;
	s14 =	simm.s32 @!p3 $0x10;
	s16 =	simm.s32 @!p4 $0x80  }
0x12f: {  	[sflag:s21] =	ssyncset.done @!p4 $0x0  }
0x130: {  	s6 =	simm.s32 @!p2 $0xE;
	[sflag:s21] =	ssyncadd.s32 @!p4 $0xFFFFFF80  }
0x131: {  	[tilespmem:s20], [sflag:$0xF] =	stream.indirect.gather @!p4 [hbm4b:s1+s16], $0x80, s12, s16, $0xb8;
	[tilespmem:$0x1FE80] =	vst v63  }
0x132: {  	_ =	swait.ge @!p2 [sflag:s6], $0x4000  }
0x133: {  	[sflag:s6] =	ssyncset.done @!p2 $0x0  }
0x134: {  	p0 =	sge.u32 s8, s7;
	s12 =	rddreg [dreg:$0xb];
	[sflag:s6] =	ssyncadd.s32 @!p2 $0xFFFFC000  }
0x135: {  	[spmem:s3] =	stream.indirect.scatter.add.f32 @!p2 [tilespmem:s18], [sflag:$0x11], $0x80, s4, s17, $0xb8;
	[tilespmem:$0x1FE80] =	vst v63  }
0x136: {  	s8 =	simm.s32 @!p0 $0x0;
	s6 =	sadd.s32 @!p0 s26, s12;
	s4 =	simm.s32 @!p0 $0x100  }
0x137: {  	[tilespmem:s4], [sflag:$0x3] =	stream.linear.gather @!p0 [hbm4b:s6+s8], $0x80, $0x38;
	[tilespmem:$0x1FE80] =	vst v63  }
0x138: {  	s4 =	simm.s32 @!p0 $0x400;
	s6 =	sadd.s32 @!p0 $0x10, s6  }
0x139: {  	[tilespmem:s4], [sflag:$0x9] =	stream.linear.gather @!p0 [hbm4b:s6+s8], $0x80, $0x38;
	[tilespmem:$0x1FE80] =	vst v63  }
0x13a: {  	_ =	swait.ge @!p3 [sflag:s14], $0x4000  }
0x13b: {  	[sflag:s14] =	ssyncset.done @!p3 $0x0  }
0x13c: {  	s4 =	simm.s32 @!p5 $0x1;
	[sflag:s14] =	ssyncadd.s32 @!p3 $0xFFFFC000  }
0x13d: {  	_ =	swait.ge @!p5 [sflag:s4], $0x80  }
0x13e: {  	[sflag:s4] =	ssyncset.done @!p5 $0x0  }
0x13f: {  	s6 =	simm.s32 @!p5 $0x7;
	[sflag:s4] =	ssyncadd.s32 @!p5 $0xFFFFFF80  }
0x140: {  	_ =	swait.ge @!p5 [sflag:s6], $0x80  }
0x141: {  	s8 =	simm.s32 @!p5 $0x80;
	[sflag:s6] =	ssyncset.done @!p5 $0x0  }
0x142: {  	s4 =	simm.s32 @!p3 $0xF;
	[sflag:s6] =	ssyncadd.s32 @!p5 $0xFFFFFF80;
	s6 =	simm.s32 @!p5 $0x600  }
0x143: {  	[tilespmem:s6], [sflag:$0xD] =	stream.indirect.gather @!p5 [hbm4b:s1+s8], $0x80, s19, s8, $0xb8;
	[tilespmem:$0x1FE80] =	vst v63  }
0x144: {  	s13 =	simm.s32 @!p3 $0x580;
	_ =	swait.ge @!p3 [sflag:s4], $0x4000  }
0x145: {  	s12 =	simm.s32 @!p3 $0x8600;
	p0 =	sge.u32 s10, s7;
	[sflag:s4] =	ssyncset.done @!p3 $0x0  }
0x146: {  	s14 =	rddreg [dreg:$0x5];
	[sflag:s4] =	ssyncadd.s32 @!p3 $0xFFFFC000;
	s4 =	simm.s32 @!p3 $0x80  }
0x147: {  	[spmem:s3] =	stream.indirect.scatter.add.f32 @!p3 [tilespmem:s12], [sflag:$0x12], $0x80, s13, s4, $0xb8;
	[tilespmem:$0x1FE80] =	vst v63  }
0x148: {  	s10 =	simm.s32 @!p0 $0x180;
	s4 =	sadd.s32 @!p0 s0, s14;
	s12 =	simm.s32 @!p0 $0x0  }
0x149: {  	[tilespmem:s10], [sflag:$0x4] =	stream.linear.gather @!p0 [hbm4b:s4+s12], $0x80, $0x38;
	[tilespmem:$0x1FE80] =	vst v63  }
0x14a: {  	s14 =	simm.s32 @!p3 $0x11;
	s13 =	sadd.s32 @!p0 $0x10, s4;
	s4 =	simm.s32 @!p0 $0x480  }
0x14b: {  	[tilespmem:s4], [sflag:$0xA] =	stream.linear.gather @!p0 [hbm4b:s13+s12], $0x80, $0x38;
	[tilespmem:$0x1FE80] =	vst v63  }
0x14c: {  	_ =	swait.ge @!p3 [sflag:s14], $0x4000  }
0x14d: {  	s20 =	rddreg [dreg:$0x6]  }
0x14e: {  	[sflag:s14] =	ssyncset.done @!p3 $0x0;
	p2 =	sge.u32 s29, s20  }
0x14f: {  	[sflag:s14] =	ssyncadd.s32 @!p3 $0xFFFFC000;
	s12 =	simm.s32 @!p2 $0x2  }
0x150: {  	_ =	swait.ge @!p2 [sflag:s12], $0x80  }
0x151: {  	[sflag:s12] =	ssyncset.done @!p2 $0x0  }
0x152: {  	[sflag:s12] =	ssyncadd.s32 @!p2 $0xFFFFFF80;
	s12 =	simm.s32 @!p2 $0x8  }
0x153: {  	_ =	swait.ge @!p2 [sflag:s12], $0x80  }
0x154: {  	s13 =	simm.s32 @!p5 $0xD;
	[sflag:s12] =	ssyncset.done @!p2 $0x0  }
0x155: {  	s14 =	simm.s32 @!p2 $0x4600;
	s16 =	simm.s32 @!p2 $0x80;
	[sflag:s12] =	ssyncadd.s32 @!p2 $0xFFFFFF80  }
0x156: {  	[tilespmem:s14], [sflag:$0xE] =	stream.indirect.gather @!p2 [hbm4b:s1+s16], $0x80, s16, s16, $0xb8;
	[tilespmem:$0x1FE80] =	vst v63  }
0x157: {  	_ =	swait.ge @!p5 [sflag:s13], $0x4000  }
0x158: {  	s21 =	sadd.s32 $0x4, s29;
	[sflag:s13] =	ssyncset.done @!p5 $0x0  }
0x159: {  	p1 =	sge.u32 s21, s7;
	s17 =	rddreg [dreg:$0x7];
	[sflag:s13] =	ssyncadd.s32 @!p5 $0xFFFFC000  }
0x15a: {  	[spmem:s3] =	stream.indirect.scatter.add.f32 @!p5 [tilespmem:s6], [sflag:$0x10], $0x80, s15, s8, $0xb8;
	[tilespmem:$0x1FE80] =	vst v63  }
0x15b: {  	s12 =	simm.s32 @!p1 $0x200;
	s13 =	simm.s32 @!p1 $0x0;
	s6 =	sadd.s32 @!p1 s0, s17  }
0x15c: {  	[tilespmem:s12], [sflag:$0x5] =	stream.linear.gather @!p1 [hbm4b:s6+s13], $0x80, $0x38;
	[tilespmem:$0x1FE80] =	vst v63  }
0x15d: {  	s8 =	simm.s32 @!p1 $0x500;
	s15 =	simm.s32 @!p3 $0x12;
	s6 =	sadd.s32 @!p1 $0x10, s6  }
0x15e: {  	[tilespmem:s8], [sflag:$0xB] =	stream.linear.gather @!p1 [hbm4b:s6+s13], $0x80, $0x38;
	[tilespmem:$0x1FE80] =	vst v63  }
0x15f: {  	_ =	swait.ge @!p3 [sflag:s15], $0x4000  }
0x160: {  	s25 =	rddreg [dreg:$0x8]  }
0x161: {  	[sflag:s15] =	ssyncset.done @!p3 $0x0;
	p4 =	sge.u32 s29, s25  }
0x162: {  	[sflag:s15] =	ssyncadd.s32 @!p3 $0xFFFFC000;
	s6 =	simm.s32 @!p4 $0x3  }
0x163: {  	_ =	swait.ge @!p4 [sflag:s6], $0x80  }
0x164: {  	[sflag:s6] =	ssyncset.done @!p4 $0x0  }
0x165: {  	[sflag:s6] =	ssyncadd.s32 @!p4 $0xFFFFFF80;
	s6 =	simm.s32 @!p4 $0x9  }
0x166: {  	_ =	swait.ge @!p4 [sflag:s6], $0x80  }
0x167: {  	s13 =	simm.s32 @!p2 $0xE;
	s15 =	simm.s32 @!p4 $0x8600;
	[sflag:s6] =	ssyncset.done @!p4 $0x0  }
0x168: {  	s17 =	simm.s32 @!p4 $0x100;
	[sflag:s6] =	ssyncadd.s32 @!p4 $0xFFFFFF80;
	s6 =	simm.s32 @!p4 $0x80  }
0x169: {  	[tilespmem:s15], [sflag:$0xF] =	stream.indirect.gather @!p4 [hbm4b:s1+s6], $0x80, s17, s6, $0xb8;
	[tilespmem:$0x1FE80] =	vst v63  }
0x16a: {  	s26 =	sadd.s32 $0x5, s29;
	_ =	swait.ge @!p2 [sflag:s13], $0x4000  }
0x16b: {  	p3 =	sge.u32 s26, s7;
	[sflag:s13] =	ssyncset.done @!p2 $0x0  }
0x16c: {  	s18 =	rddreg [dreg:$0x9];
	[sflag:s13] =	ssyncadd.s32 @!p2 $0xFFFFC000;
	s13 =	simm.s32 @!p2 $0x380  }
0x16d: {  	[spmem:s3] =	stream.indirect.scatter.add.f32 @!p2 [tilespmem:s14], [sflag:$0x11], $0x80, s13, s16, $0xb8;
	[tilespmem:$0x1FE80] =	vst v63  }
0x16e: {  	s13 =	simm.s32 @!p3 $0x0;
	s16 =	sadd.s32 @!p3 s0, s18;
	s14 =	simm.s32 @!p3 $0x280  }
0x16f: {  	[tilespmem:s14], [sflag:$0x6] =	stream.linear.gather @!p3 [hbm4b:s16+s13], $0x80, $0x38;
	[tilespmem:$0x1FE80] =	vst v63  }
0x170: {  	s17 =	simm.s32 @!p3 $0x580;
	s16 =	sadd.s32 @!p3 $0x10, s16  }
0x171: {  	[tilespmem:s17], [sflag:$0xC] =	stream.linear.gather @!p3 [hbm4b:s16+s13], $0x80, $0x38;
	[tilespmem:$0x1FE80] =	vst v63  }
0x172: {  	s13 =	simm.s32 @!p5 $0x10  }
0x173: {  	_ =	swait.ge @!p5 [sflag:s13], $0x4000  }
0x174: {  	[sflag:s13] =	ssyncset.done @!p5 $0x0  }
0x175: {  	s16 =	simm.s32 @!p0 $0x4;
	[sflag:s13] =	ssyncadd.s32 @!p5 $0xFFFFC000  }
0x176: {  	_ =	swait.ge @!p0 [sflag:s16], $0x80  }
0x177: {  	[sflag:s16] =	ssyncset.done @!p0 $0x0  }
0x178: {  	s13 =	simm.s32 @!p0 $0xA;
	[sflag:s16] =	ssyncadd.s32 @!p0 $0xFFFFFF80  }
0x179: {  	_ =	swait.ge @!p0 [sflag:s13], $0x80  }
0x17a: {  	[sflag:s13] =	ssyncset.done @!p0 $0x0  }
0x17b: {  	s16 =	simm.s32 @!p0 $0x80;
	[sflag:s13] =	ssyncadd.s32 @!p0 $0xFFFFFF80;
	s13 =	simm.s32 @!p0 $0x600  }
0x17c: {  	[tilespmem:s13], [sflag:$0xD] =	stream.indirect.gather @!p0 [hbm4b:s1+s16], $0x80, s10, s16, $0xb8;
	[tilespmem:$0x1FE80] =	vst v63  }
0x17d: {  	s10 =	simm.s32 @!p4 $0xF  }
0x17e: {  	_ =	swait.ge @!p4 [sflag:s10], $0x4000  }
0x17f: {  	[sflag:s10] =	ssyncset.done @!p4 $0x0  }
0x180: {  	s29 =	sadd.s32 $0x6, s29;
	[sflag:s10] =	ssyncadd.s32 @!p4 $0xFFFFC000;
	s10 =	simm.s32 @!p4 $0x400  }
0x181: {  	[spmem:s3] =	stream.indirect.scatter.add.f32 @!p4 [tilespmem:s15], [sflag:$0x12], $0x80, s10, s6, $0xb8;
	[tilespmem:$0x1FE80] =	vst v63  }
0x182: {  	p5 =	sge.u32 s29, s7;
	s10 =	sadd.s32 $0xC000, s22  }
0x183: {  	s6 =	sshrl.u32 @!p5 s10, $0x3  }
0x184: {  	s15 =	simm.s32 @!p5 $0x0;
	s10 =	sadd.s32 @!p5 s2, s6  }
0x185: {  	[tilespmem:s15], [sflag:$0x1] =	stream.linear.gather @!p5 [hbm4b:s10+s15], $0x80, $0x38;
	[tilespmem:$0x1FE80] =	vst v63  }
0x186: {  	s6 =	sadd.s32 @!p5 s6, s11;
	s10 =	simm.s32 @!p5 $0x300  }
0x187: {  	[tilespmem:s10], [sflag:$0x7] =	stream.linear.gather @!p5 [hbm4b:s6+s15], $0x80, $0x38;
	[tilespmem:$0x1FE80] =	vst v63  }
0x188: {  	s6 =	simm.s32 @!p2 $0x11  }
0x189: {  	_ =	swait.ge @!p2 [sflag:s6], $0x4000  }
0x18a: {  	[sflag:s6] =	ssyncset.done @!p2 $0x0  }
0x18b: {  	s10 =	simm.s32 @!p1 $0x5;
	[sflag:s6] =	ssyncadd.s32 @!p2 $0xFFFFC000  }
0x18c: {  	_ =	swait.ge @!p1 [sflag:s10], $0x80  }
0x18d: {  	[sflag:s10] =	ssyncset.done @!p1 $0x0  }
0x18e: {  	s6 =	simm.s32 @!p1 $0xB;
	[sflag:s10] =	ssyncadd.s32 @!p1 $0xFFFFFF80  }
0x18f: {  	_ =	swait.ge @!p1 [sflag:s6], $0x80  }
0x190: {  	[sflag:s6] =	ssyncset.done @!p1 $0x0  }
0x191: {  	s10 =	simm.s32 @!p1 $0x4600;
	[sflag:s6] =	ssyncadd.s32 @!p1 $0xFFFFFF80;
	s6 =	simm.s32 @!p1 $0x80  }
0x192: {  	[tilespmem:s10], [sflag:$0xE] =	stream.indirect.gather @!p1 [hbm4b:s1+s6], $0x80, s12, s6, $0xb8;
	[tilespmem:$0x1FE80] =	vst v63  }
0x193: {  	s12 =	simm.s32 @!p0 $0xD  }
0x194: {  	_ =	swait.ge @!p0 [sflag:s12], $0x4000  }
0x195: {  	[sflag:s12] =	ssyncset.done @!p0 $0x0  }
0x196: {  	[sflag:s12] =	ssyncadd.s32 @!p0 $0xFFFFC000  }
0x197: {  	[spmem:s3] =	stream.indirect.scatter.add.f32 @!p0 [tilespmem:s13], [sflag:$0x10], $0x80, s4, s16, $0xb8;
	[tilespmem:$0x1FE80] =	vst v63  }
0x198: {  	s12 =	rddreg [dreg:$0xa];
	p0 =	sge.u32 s28, s7  }
0x199: {  	s4 =	sadd.s32 @!p0 s0, s12;
	s12 =	simm.s32 @!p0 $0x0;
	s13 =	simm.s32 @!p0 $0x80  }
0x19a: {  	[tilespmem:s13], [sflag:$0x2] =	stream.linear.gather @!p0 [hbm4b:s4+s12], $0x80, $0x38;
	[tilespmem:$0x1FE80] =	vst v63  }
0x19b: {  	s13 =	simm.s32 @!p0 $0x380;
	s4 =	sadd.s32 @!p0 $0x10, s4  }
0x19c: {  	[tilespmem:s13], [sflag:$0x8] =	stream.linear.gather @!p0 [hbm4b:s4+s12], $0x80, $0x38;
	[tilespmem:$0x1FE80] =	vst v63  }
0x19d: {  	s4 =	simm.s32 @!p4 $0x12  }
0x19e: {  	_ =	swait.ge @!p4 [sflag:s4], $0x4000  }
0x19f: {  	[sflag:s4] =	ssyncset.done @!p4 $0x0  }
0x1a0: {  	s12 =	simm.s32 @!p3 $0x6;
	[sflag:s4] =	ssyncadd.s32 @!p4 $0xFFFFC000  }
0x1a1: {  	_ =	swait.ge @!p3 [sflag:s12], $0x80  }
0x1a2: {  	[sflag:s12] =	ssyncset.done @!p3 $0x0  }
0x1a3: {  	s4 =	simm.s32 @!p3 $0xC;
	[sflag:s12] =	ssyncadd.s32 @!p3 $0xFFFFFF80  }
0x1a4: {  	_ =	swait.ge @!p3 [sflag:s4], $0x80  }
0x1a5: {  	[sflag:s4] =	ssyncset.done @!p3 $0x0  }
0x1a6: {  	s12 =	simm.s32 @!p3 $0x80;
	[sflag:s4] =	ssyncadd.s32 @!p3 $0xFFFFFF80;
	s4 =	simm.s32 @!p3 $0x8600  }
0x1a7: {  	[tilespmem:s4], [sflag:$0xF] =	stream.indirect.gather @!p3 [hbm4b:s1+s12], $0x80, s14, s12, $0xb8;
	[tilespmem:$0x1FE80] =	vst v63  }
0x1a8: {  	s4 =	simm.s32 @!p1 $0xE  }
0x1a9: {  	_ =	swait.ge @!p1 [sflag:s4], $0x4000  }
0x1aa: {  	[sflag:s4] =	ssyncset.done @!p1 $0x0  }
0x1ab: {  	p0 =	sge.u32 s9, s7;
	[sflag:s4] =	ssyncadd.s32 @!p1 $0xFFFFC000;
	s4 =	rddreg [dreg:$0xb]  }
0x1ac: {  	[spmem:s3] =	stream.indirect.scatter.add.f32 @!p1 [tilespmem:s10], [sflag:$0x11], $0x80, s8, s6, $0xb8;
	[tilespmem:$0x1FE80] =	vst v63  }
0x1ad: {  	s6 =	simm.s32 @!p0 $0x100;
	s0 =	sadd.s32 @!p0 s0, s4;
	s4 =	simm.s32 @!p0 $0x0  }
0x1ae: {  	[tilespmem:s6], [sflag:$0x3] =	stream.linear.gather @!p0 [hbm4b:s0+s4], $0x80, $0x38;
	[tilespmem:$0x1FE80] =	vst v63  }
0x1af: {  	s6 =	simm.s32 @!p0 $0x400;
	s0 =	sadd.s32 @!p0 $0x10, s0  }
0x1b0: {  	[tilespmem:s6], [sflag:$0x9] =	stream.linear.gather @!p0 [hbm4b:s0+s4], $0x80, $0x38;
	[tilespmem:$0x1FE80] =	vst v63  }
0x1b1: {  	[bflag:$0x0] =	sbarrier.arrive $0xFFFF  }
0x1b2: {  	s30 =	sld [smem:$0x7FD];
	_ =	sdelay $0x2  }
0x1b3: {  	s4 =	rddreg [dreg:$0x18];
	p1 =	seq.s32 s30, $0x1  }
0x1b4: {  	s6 =	rddreg [dreg:$0x1b];
	s0 =	simm.s32 @p1 $0x1FD3  }
0x1b5: {  	[hbm:s4], [sflag:s0] =	dma.local @p1 [spmem:s6], $0x2800  }
0x1b6: {  	s0 =	simm.s32 @p1 $0x13  }
0x1b7: {  	_ =	swait.ge @p1 [sflag:s0], $0x2800  }
0x1b8: {  	s4 =	stileid.u32;
	s6 =	rddreg [dreg:$0xc]  }
0x1b9: {  	s4 =	sshll.u32 @!p1 s4, $0x6;
	[sflag:s0] =	ssyncset.done @p1 $0x0;
	s8 =	rddreg [dreg:$0x17]  }
0x1ba: {  	[sflag:s0] =	ssyncadd.s32 @p1 $0xFFFFD800;
	s0 =	sor.u32 @!p1 $0x1C13, s4;
	s4 =	sshrl.u32 @!p1 s6, $0x3  }
0x1bb: {  	[hbm:s8], [sflag:s0] =	dma.local @!p1 [spmem:s4], $0x2700  }
0x1bc: {  	s0 =	simm.s32 @!p1 $0x13  }
0x1bd: {  	_ =	swait.ge @!p1 [sflag:s0], $0x2700  }
0x1be: {  	s5 =	sadd.s32 $0x1, s5;
	s31 =	rddreg [dreg:$0x19]  }
0x1bf: {  	p0 =	sne.s32 s5, s31  }
.Ltmp2:
0x1c0: {  	_ = 	snop;
	(pc) =	sbr.rel @p0 .LBB2_1-.Ltmp2, $3  }
0x1c1: {  	_ =	sdelay $0x1  }
0x1c2: {  	[sflag:s0] =	ssyncset.done @!p1 $0x0  }
0x1c3: {  	[sflag:s0] =	ssyncadd.s32 @!p1 $0xFFFFD900  }
0x1c4: {  	_ =	sfence.sel $0x180000  }
0x1c5: {  	[bflag:$0x0] =	sbarrier.arrive $0xFFFF  }
0x1c6: {  	_ =	strace $0x9000004A  }
0x1c7: {  	s0 =	stileid.u32;
	[bflag:$0x2] =	sbarrier.arrive $0xFFFF  }
0x1c8: {  	p0 =	sne.s32 s0, $0x0;
	s0 =	rddreg [dreg:$0x4]  }
0x1c9: {  	s0 =	sadd.s32 @!p0 $0x100000, s0  }
0x1ca: {  	[sflag:s0] =	ssyncadd.tile.s32 @!p0 $0x1;
	_ =	shalt  }
.Lfunc_end2:
_tile_overlayer_lowered:
.L_overlay_start_2:
0x1cb: {  	(tag) =	ssettag $0x2  }
0x1cc: {  	s0 =	rddreg [dreg:$0x0];
	s2 =	stileid.u32  }
0x1cd: {  	s1 =	rddreg [dreg:$0x1];
	p0 =	sne.s32 s2, $0x0  }
0x1ce: {  	s3 =	rddreg [dreg:$0x2];
	[bflag:$0x3] =	sbarrier.arrive $0xFFFF;
	s2 =	simm.s32 @!p0 $0x1C13  }
0x1cf: {  	[timem:s3], [sflag:s2] =	dma.local @!p0 [hbm:s0], s1  }
0x1d0: {  	s0 =	simm.s32 @!p0 $0x13  }
0x1d1: {  	_ =	swait.ge @!p0 [sflag:s0], s1  }
0x1d2: {  	s1 =	ssub.s32 @!p0 $0x0, s1;
	[sflag:s0] =	ssyncset.done @!p0 $0x0  }
0x1d3: {  	[sflag:s0] =	ssyncadd.s32 @!p0 s1  }
0x1d4: {  	[bflag:$0x3] =	sbarrier.arrive $0xFFFF  }
0x1d5: {  	_ =	shalt  }

</sc_bundles>
